<compile_context>
chip_gen: v7x
topology: tpu7x:2x2x1
jax: 0.10.2.dev20260603
libtpu: 0.0.44.dev20260713+nightly
codegen_flags: <defaults>
</compile_context>

<pallas_src>
import functools

import jax
import jax.numpy as jnp
from jax import lax
from jax.experimental import pallas as pl
from jax.experimental.pallas import tpu as pltpu
from jax.experimental.pallas import tpu_sc as plsc

N_NODES = 10000
D_IN = 128
D_HID = 128
D_OUT = 2
N_EDGES = 320000

NC = 2
NS = 16
NW = NC * NS
CH = 125
EW = N_EDGES // NW
NCHUNK = EW // CH
NPAD = 10240
ROWS_PT = NPAD // NS
SLAB = 128
RSLABS = ROWS_PT // SLAB
DEG_PT = NPAD // NS
DH = D_HID // NC
EW2 = N_EDGES // NS
NCHUNK2 = EW2 // CH
NB = 5
GD = 3

_mesh = plsc.VectorSubcoreMesh(
    core_axis_name="c", subcore_axis_name="s", num_cores=NC, num_subcores=NS)


def _wid(c, s):
    return s * NC + c


@functools.partial(
    pl.kernel,
    out_type=jax.ShapeDtypeStruct((NC, NPAD), jnp.float32),
    mesh=_mesh,
    scratch_types=[
        pltpu.VMEM((NCHUNK, CH), jnp.int32),
        pltpu.VMEM((128,), jnp.float32),
        pltpu.VMEM((DEG_PT,), jnp.float32),
        pltpu.VMEM_SHARED((NPAD,), jnp.float32),
        pltpu.SemaphoreType.DMA((8,)),
    ],
)
def _deg_kernel(dst_hbm, out_hbm, idx_v, ones_v, buf_v, acc, dsem):
    c = lax.axis_index("c")
    s = lax.axis_index("s")
    w = _wid(c, s)

    for i in range(128 // 16):
        ones_v[pl.ds(i * 16, 16)] = jnp.ones((16,), jnp.float32)
    for i in range(DEG_PT // 16):
        buf_v[pl.ds(i * 16, 16)] = jnp.zeros((16,), jnp.float32)
    pltpu.sync_copy(buf_v, acc.at[pl.ds(s * DEG_PT, DEG_PT)])
    pltpu.sync_copy(dst_hbm.at[pl.ds(w * NCHUNK, NCHUNK)], idx_v)
    plsc.subcore_barrier()

    def dwait(g):
        pltpu.make_async_copy(
            ones_v.at[pl.ds(0, CH)], acc.at[idx_v.at[g]], dsem.at[g % 8]
        ).wait()

    def body(g, carry):
        @pl.when(g >= 8)
        def _():
            dwait(g - 8)

        pltpu.async_copy(ones_v.at[pl.ds(0, CH)], acc.at[idx_v.at[g]],
                         dsem.at[g % 8], add=True)
        return carry

    lax.fori_loop(0, NCHUNK, body, 0, unroll=False)
    for k in range(8):
        dwait(NCHUNK - 8 + k)
    plsc.subcore_barrier()
    pltpu.sync_copy(acc.at[pl.ds(s * DEG_PT, DEG_PT)], buf_v)
    pltpu.sync_copy(buf_v, out_hbm.at[c, pl.ds(s * DEG_PT, DEG_PT)])


@functools.partial(
    pl.kernel,
    out_type=jax.ShapeDtypeStruct((NPAD, D_HID), jnp.float32),
    mesh=_mesh,
    scratch_types=[
        pltpu.VMEM((NCHUNK2, CH), jnp.int32),
        pltpu.VMEM((NCHUNK2, CH), jnp.int32),
        pltpu.VMEM((NB, CH, DH), jnp.float32),
        pltpu.VMEM((SLAB, DH), jnp.float32),
        pltpu.VMEM_SHARED((NPAD, DH), jnp.float32),
        pltpu.SemaphoreType.DMA((NB,)),
        pltpu.SemaphoreType.DMA((NB,)),
    ],
    compiler_params=pltpu.CompilerParams(use_tc_tiling_on_sc=False),
)
def _agg_kernel(hp_hbm, src_hbm, dst_hbm, out_hbm, src_v, dst_v, rows_v,
                slab_v, acc, gsem, ssem):
    c = lax.axis_index("c")
    s = lax.axis_index("s")

    def zrow(i, carry):
        for j in range(DH // 16):
            slab_v[i, pl.ds(j * 16, 16)] = jnp.zeros((16,), jnp.float32)
        return carry

    lax.fori_loop(0, SLAB, zrow, 0, unroll=False)
    for i in range(RSLABS):
        pltpu.sync_copy(slab_v, acc.at[pl.ds(s * ROWS_PT + i * SLAB, SLAB)])
    pltpu.sync_copy(src_hbm.at[c, pl.ds(s * NCHUNK2, NCHUNK2)], src_v)
    pltpu.sync_copy(dst_hbm.at[pl.ds(s * NCHUNK2, NCHUNK2)], dst_v)
    plsc.subcore_barrier()

    def gather_start(g, b):
        pltpu.async_copy(hp_hbm.at[src_v.at[g]], rows_v.at[b], gsem.at[b])

    def gather_wait(g, b):
        pltpu.make_async_copy(
            hp_hbm.at[src_v.at[g]], rows_v.at[b], gsem.at[b]).wait()

    def scatter_start(g, b):
        pltpu.async_copy(rows_v.at[b], acc.at[dst_v.at[g]], ssem.at[b],
                         add=True)

    def scatter_wait(g, b):
        pltpu.make_async_copy(
            rows_v.at[b], acc.at[dst_v.at[g]], ssem.at[b]).wait()

    for b in range(GD):
        gather_start(b, b)

    def body(t, carry):
        for j in range(NB):
            g = t * NB + j
            bn = (j + GD) % NB

            @pl.when(g + GD - NB >= 0)
            def _():
                scatter_wait(g + GD - NB, bn)

            @pl.when(g + GD < NCHUNK2)
            def _():
                gather_start(g + GD, bn)

            gather_wait(g, j)
            scatter_start(g, j)
        return carry

    lax.fori_loop(0, NCHUNK2 // NB, body, 0, unroll=False)
    for k in range(NB - GD):
        gtail = NCHUNK2 - (NB - GD) + k
        scatter_wait(gtail, gtail % NB)
    plsc.subcore_barrier()
    pltpu.sync_copy(acc.at[pl.ds(s * ROWS_PT, ROWS_PT)],
                    out_hbm.at[pl.ds(s * ROWS_PT, ROWS_PT), pl.ds(c * DH, DH)])


def _tc1_body(degp_ref, x_ref, w1_ref, hp_ref, dis_ref):
    deg = degp_ref[0, :N_NODES] + degp_ref[1, :N_NODES] + 1.0
    dis = lax.rsqrt(deg)[:, None]
    dis_ref[...] = dis
    h = jnp.dot(x_ref[...], w1_ref[...], preferred_element_type=jnp.float32)
    hp_ref[...] = h * dis


def _combine(p_ref, hp_ref, dis_ref, b_ref):
    z = dis_ref[...] * (p_ref[:N_NODES] + hp_ref[...]) + b_ref[...]
    return jnp.maximum(z, 0.0)


def _tc2_body(p_ref, hp_ref, dis_ref, b_ref, w2_ref, out_ref):
    z = _combine(p_ref, hp_ref, dis_ref, b_ref)
    h = jnp.dot(z, w2_ref[...], preferred_element_type=jnp.float32)
    out_ref[...] = h * dis_ref[...]


def _tc3_body(p_ref, hp_ref, dis_ref, b_ref, wfc_ref, bfc_ref, out_ref):
    z = _combine(p_ref, hp_ref, dis_ref, b_ref)
    out_ref[...] = (
        jnp.dot(z, wfc_ref[...], preferred_element_type=jnp.float32)
        + bfc_ref[...]
    )


def kernel(x, edge_index, W1, b1, W2, b2, Wfc, bfc):
    src = edge_index[0].reshape(N_EDGES // CH, CH)
    dst = edge_index[1].reshape(N_EDGES // CH, CH)
    srcg = jnp.stack((2 * src, 2 * src + 1))

    degp = _deg_kernel(dst)

    hp1, dis = pl.pallas_call(
        _tc1_body,
        out_shape=(
            jax.ShapeDtypeStruct((N_NODES, D_HID), jnp.float32),
            jax.ShapeDtypeStruct((N_NODES, 1), jnp.float32),
        ),
    )(degp, x, W1)

    hp1_flat = lax.optimization_barrier(hp1.reshape(NC * N_NODES * DH))
    p1 = _agg_kernel(hp1_flat.reshape(NC * N_NODES, DH), srcg, dst)

    hp2 = pl.pallas_call(
        _tc2_body,
        out_shape=jax.ShapeDtypeStruct((N_NODES, D_HID), jnp.float32),
    )(p1, hp1, dis, b1.reshape(1, D_HID), W2)

    hp2_flat = lax.optimization_barrier(hp2.reshape(NC * N_NODES * DH))
    p2 = _agg_kernel(hp2_flat.reshape(NC * N_NODES, DH), srcg, dst)

    out = pl.pallas_call(
        _tc3_body,
        out_shape=jax.ShapeDtypeStruct((N_NODES, D_OUT), jnp.float32),
    )(p2, hp2, dis, b2.reshape(1, D_HID), Wfc, bfc.reshape(1, D_OUT))

    return out

# --- scband reference (transcript-rebuilt; emitter-appended) ---
"""Pipeline reference for scband-stgnn-45440753992335 (READ-ONLY COPY).

The authoritative reference and input builder live on the scoring server;
editing this copy changes nothing except your own understanding.
"""

import jax, jax.numpy as jnp
import numpy as np

N_NODES = 10000
D_IN = 128
D_HID = 128
D_OUT = 2
N_EDGES = 320000


def gcn_conv(x, src, dst, W, b, n_nodes):
    # PyG GCNConv: add self-loops, symmetric normalization, linear transform, sum-aggregate, add bias
    loop = jnp.arange(n_nodes, dtype=src.dtype)
    src_f = jnp.concatenate([src, loop])
    dst_f = jnp.concatenate([dst, loop])
    deg = jnp.zeros((n_nodes,), dtype=x.dtype).at[dst_f].add(1.0)
    deg_inv_sqrt = jnp.where(deg > 0, deg ** -0.5, 0.0)
    norm = deg_inv_sqrt[src_f] * deg_inv_sqrt[dst_f]
    h = x @ W
    msg = h[src_f] * norm[:, None]
    out = jnp.zeros((n_nodes, h.shape[1]), dtype=h.dtype).at[dst_f].add(msg)
    return out + b


def setup_inputs(seed: int = 0) -> dict:
    key = jax.random.key(seed)
    ks = jax.random.split(key, 8)
    x = jax.random.normal(ks[0], (N_NODES, D_IN), dtype=jnp.float32)
    edge_index = jax.random.randint(ks[1], (2, N_EDGES), 0, N_NODES, dtype=jnp.int64 if jax.config.read('jax_enable_x64') else jnp.int32)
    s1 = (6.0 / (D_IN + D_HID)) ** 0.5
    s2 = (6.0 / (D_HID + D_HID)) ** 0.5
    s3 = (6.0 / (D_HID + D_OUT)) ** 0.5
    W1 = jax.random.uniform(ks[2], (D_IN, D_HID), jnp.float32, -s1, s1)
    b1 = jnp.zeros((D_HID,), jnp.float32)
    W2 = jax.random.uniform(ks[3], (D_HID, D_HID), jnp.float32, -s2, s2)
    b2 = jnp.zeros((D_HID,), jnp.float32)
    Wfc = jax.random.uniform(ks[4], (D_HID, D_OUT), jnp.float32, -s3, s3)
    bfc = jax.random.uniform(ks[5], (D_OUT,), jnp.float32, -s3, s3)
    return {"x": x, "edge_index": edge_index, "W1": W1, "b1": b1, "W2": W2, "b2": b2, "Wfc": Wfc, "bfc": bfc}


def reference(x, edge_index, W1, b1, W2, b2, Wfc, bfc):
    src, dst = edge_index[0], edge_index[1]
    h = gcn_conv(x, src, dst, W1, b1, N_NODES)
    h = jax.nn.relu(h)
    # dropout p=0.0 -> identity
    h = gcn_conv(h, src, dst, W2, b2, N_NODES)
    h = jax.nn.relu(h)
    out = h @ Wfc + bfc
    return out

if __name__ == "__main__":
    import jax
    _d = setup_inputs()
    print(jax.jit(kernel)(*tuple(_d.values())))

</pallas_src>

<mosaic_0001>
#map = affine_map<(d0, d1) -> (0, 0)>
#map1 = affine_map<(d0, d1) -> (0, 0, 0)>
module attributes {stable_mosaic.version = 14 : i64} {
  func.func @_agg_kernel(%arg0: i32, %arg1: i32, %arg2: memref<20000x64xf32, #tpu.memory_space<hbm>>, %arg3: memref<2x2560x125xi32, #tpu.memory_space<hbm>>, %arg4: memref<2560x125xi32, #tpu.memory_space<hbm>>, %arg5: memref<10240x128xf32, #tpu.memory_space<hbm>>, %arg6: memref<160x125xi32, #tpu.memory_space<vmem>>, %arg7: memref<160x125xi32, #tpu.memory_space<vmem>>, %arg8: memref<5x125x64xf32, #tpu.memory_space<vmem>>, %arg9: memref<128x64xf32, #tpu.memory_space<vmem>>, %arg10: memref<10240x64xf32, #tpu.memory_space<vmem_shared>>, %arg11: memref<5x!tpu.dma_semaphore, #tpu.memory_space<semaphore_mem>>, %arg12: memref<5x!tpu.dma_semaphore, #tpu.memory_space<semaphore_mem>>) attributes {dimension_semantics = [#tpu.dimension_semantics<core_parallel>, #tpu.dimension_semantics<subcore_parallel>], iteration_bounds = array<i64: 2, 16>, scalar_prefetch = 0 : i64, scratch_operands = 7 : i64, tpu.core_type = #tpu.core_type<sc_vector_subcore>, window_params = [{transform_indices = #map}, {transform_indices = #map1}, {transform_indices = #map}, {transform_indices = #map}]} {
    %scan3A = arith.constant 0 : i32
    %scan3A_0 = arith.constant 0 : i32
    %scan3A_1 = arith.constant 128 : i32
    %scan3A_2 = arith.addi %scan3A_0, %scan3A_1 : i32
    %scan3A_3 = arith.constant 1 : i32
    scf.for %scan3A_113 = %scan3A_0 to %scan3A_2 step %scan3A_3  : i32 {
      %broadcast_in_dim3A = arith.constant 0.000000e+00 : f32
      %broadcast_in_dim3A_114 = vector.broadcast %broadcast_in_dim3A : f32 to vector<16xf32>
      %swap3A = arith.index_cast %scan3A_113 : i32 to index
      %swap3A_115 = arith.constant 0 : index
      %swap3A_116 = tpu.vector_load %arg9[%swap3A, %swap3A_115] {strides = array<i32>} : memref<128x64xf32, #tpu.memory_space<vmem>>, vector<1x16xf32>,
      %swap3A_117 = vector.shape_cast %swap3A_116 : vector<1x16xf32> to vector<16xf32>
      %swap3A_118 = vector.shape_cast %broadcast_in_dim3A_114 : vector<16xf32> to vector<1x16xf32>
      tpu.vector_store %arg9[%swap3A, %swap3A_115], %swap3A_118 {strides = array<i32>} : memref<128x64xf32, #tpu.memory_space<vmem>>, vector<1x16xf32>,
      %broadcast_in_dim3A_119 = arith.constant 0.000000e+00 : f32
      %broadcast_in_dim3A_120 = vector.broadcast %broadcast_in_dim3A_119 : f32 to vector<16xf32>
      %swap3A_121 = arith.index_cast %scan3A_113 : i32 to index
      %swap3A_122 = arith.constant 16 : index
      %swap3A_123 = tpu.vector_load %arg9[%swap3A_121, %swap3A_122] {strides = array<i32>} : memref<128x64xf32, #tpu.memory_space<vmem>>, vector<1x16xf32>,
      %swap3A_124 = vector.shape_cast %swap3A_123 : vector<1x16xf32> to vector<16xf32>
      %swap3A_125 = vector.shape_cast %broadcast_in_dim3A_120 : vector<16xf32> to vector<1x16xf32>
      tpu.vector_store %arg9[%swap3A_121, %swap3A_122], %swap3A_125 {strides = array<i32>} : memref<128x64xf32, #tpu.memory_space<vmem>>, vector<1x16xf32>,
      %broadcast_in_dim3A_126 = arith.constant 0.000000e+00 : f32
      %broadcast_in_dim3A_127 = vector.broadcast %broadcast_in_dim3A_126 : f32 to vector<16xf32>
      %swap3A_128 = arith.index_cast %scan3A_113 : i32 to index
      %swap3A_129 = arith.constant 32 : index
      %swap3A_130 = tpu.vector_load %arg9[%swap3A_128, %swap3A_129] {strides = array<i32>} : memref<128x64xf32, #tpu.memory_space<vmem>>, vector<1x16xf32>,
      %swap3A_131 = vector.shape_cast %swap3A_130 : vector<1x16xf32> to vector<16xf32>
      %swap3A_132 = vector.shape_cast %broadcast_in_dim3A_127 : vector<16xf32> to vector<1x16xf32>
      tpu.vector_store %arg9[%swap3A_128, %swap3A_129], %swap3A_132 {strides = array<i32>} : memref<128x64xf32, #tpu.memory_space<vmem>>, vector<1x16xf32>,
      %broadcast_in_dim3A_133 = arith.constant 0.000000e+00 : f32
      %broadcast_in_dim3A_134 = vector.broadcast %broadcast_in_dim3A_133 : f32 to vector<16xf32>
      %swap3A_135 = arith.index_cast %scan3A_113 : i32 to index
      %swap3A_136 = arith.constant 48 : index
      %swap3A_137 = tpu.vector_load %arg9[%swap3A_135, %swap3A_136] {strides = array<i32>} : memref<128x64xf32, #tpu.memory_space<vmem>>, vector<1x16xf32>,
      %swap3A_138 = vector.shape_cast %swap3A_137 : vector<1x16xf32> to vector<16xf32>
      %swap3A_139 = vector.shape_cast %broadcast_in_dim3A_134 : vector<16xf32> to vector<1x16xf32>
      tpu.vector_store %arg9[%swap3A_135, %swap3A_136], %swap3A_139 {strides = array<i32>} : memref<128x64xf32, #tpu.memory_space<vmem>>, vector<1x16xf32>,
    }
    %scan3A_4 = arith.constant 128 : i32
    %mul3A = arith.constant 640 : i32
    %mul3A_5 = arith.muli %arg1, %mul3A : i32
    %add3A = arith.constant 0 : i32
    %add3A_6 = arith.addi %mul3A_5, %add3A : i32
    "tpu.region"() ({
      %run_scoped3A = tpu.sem_alloc : memref<!tpu.dma_semaphore, #tpu.memory_space<semaphore_mem>>
      %dma_start3A_113 = arith.constant 0 : i32
      %dma_start3A_114 = tpu.memref_slice %arg10[%add3A_6, %dma_start3A_113] : memref<10240x64xf32, #tpu.memory_space<vmem_shared>> -> memref<128x64xf32, #tpu.memory_space<vmem_shared>>
      %dma_start3A_115 = arith.constant 0 : i32
      %dma_start3A_116 = tpu.memref_slice %arg10[%add3A_6, %dma_start3A_115] : memref<10240x64xf32, #tpu.memory_space<vmem_shared>> -> memref<128x64xf32, #tpu.memory_space<vmem_shared>>
      tpu.enqueue_dma source(%arg9 : memref<128x64xf32, #tpu.memory_space<vmem>>) target(%dma_start3A_116 : memref<128x64xf32, #tpu.memory_space<vmem_shared>>) target_semaphore(%run_scoped3A : memref<!tpu.dma_semaphore, #tpu.memory_space<semaphore_mem>>)
      %dma_wait3A_117 = arith.constant 0 : i32
      %dma_wait3A_118 = tpu.memref_slice %arg10[%add3A_6, %dma_wait3A_117] : memref<10240x64xf32, #tpu.memory_space<vmem_shared>> -> memref<128x64xf32, #tpu.memory_space<vmem_shared>>
      %dma_wait3A_119 = arith.constant 0 : i32
      %dma_wait3A_120 = tpu.memref_slice %arg10[%add3A_6, %dma_wait3A_119] : memref<10240x64xf32, #tpu.memory_space<vmem_shared>> -> memref<128x64xf32, #tpu.memory_space<vmem_shared>>
      tpu.wait_dma2 semaphore(%run_scoped3A : memref<!tpu.dma_semaphore, #tpu.memory_space<semaphore_mem>>) src(%arg9 : memref<128x64xf32, #tpu.memory_space<vmem>>) dst(%dma_wait3A_120 : memref<128x64xf32, #tpu.memory_space<vmem_shared>>)
      tpu.yield
    }) : () -> ()
    %mul3A_7 = arith.constant 640 : i32
    %mul3A_8 = arith.muli %arg1, %mul3A_7 : i32
    %add3A_9 = arith.constant 128 : i32
    %add3A_10 = arith.addi %mul3A_8, %add3A_9 : i32
    "tpu.region"() ({
      %run_scoped3A = tpu.sem_alloc : memref<!tpu.dma_semaphore, #tpu.memory_space<semaphore_mem>>
      %dma_start3A_113 = arith.constant 0 : i32
      %dma_start3A_114 = tpu.memref_slice %arg10[%add3A_10, %dma_start3A_113] : memref<10240x64xf32, #tpu.memory_space<vmem_shared>> -> memref<128x64xf32, #tpu.memory_space<vmem_shared>>
      %dma_start3A_115 = arith.constant 0 : i32
      %dma_start3A_116 = tpu.memref_slice %arg10[%add3A_10, %dma_start3A_115] : memref<10240x64xf32, #tpu.memory_space<vmem_shared>> -> memref<128x64xf32, #tpu.memory_space<vmem_shared>>
      tpu.enqueue_dma source(%arg9 : memref<128x64xf32, #tpu.memory_space<vmem>>) target(%dma_start3A_116 : memref<128x64xf32, #tpu.memory_space<vmem_shared>>) target_semaphore(%run_scoped3A : memref<!tpu.dma_semaphore, #tpu.memory_space<semaphore_mem>>)
      %dma_wait3A_117 = arith.constant 0 : i32
      %dma_wait3A_118 = tpu.memref_slice %arg10[%add3A_10, %dma_wait3A_117] : memref<10240x64xf32, #tpu.memory_space<vmem_shared>> -> memref<128x64xf32, #tpu.memory_space<vmem_shared>>
      %dma_wait3A_119 = arith.constant 0 : i32
      %dma_wait3A_120 = tpu.memref_slice %arg10[%add3A_10, %dma_wait3A_119] : memref<10240x64xf32, #tpu.memory_space<vmem_shared>> -> memref<128x64xf32, #tpu.memory_space<vmem_shared>>
      tpu.wait_dma2 semaphore(%run_scoped3A : memref<!tpu.dma_semaphore, #tpu.memory_space<semaphore_mem>>) src(%arg9 : memref<128x64xf32, #tpu.memory_space<vmem>>) dst(%dma_wait3A_120 : memref<128x64xf32, #tpu.memory_space<vmem_shared>>)
      tpu.yield
    }) : () -> ()
    %mul3A_11 = arith.constant 640 : i32
    %mul3A_12 = arith.muli %arg1, %mul3A_11 : i32
    %add3A_13 = arith.constant 256 : i32
    %add3A_14 = arith.addi %mul3A_12, %add3A_13 : i32
    "tpu.region"() ({
      %run_scoped3A = tpu.sem_alloc : memref<!tpu.dma_semaphore, #tpu.memory_space<semaphore_mem>>
      %dma_start3A_113 = arith.constant 0 : i32
      %dma_start3A_114 = tpu.memref_slice %arg10[%add3A_14, %dma_start3A_113] : memref<10240x64xf32, #tpu.memory_space<vmem_shared>> -> memref<128x64xf32, #tpu.memory_space<vmem_shared>>
      %dma_start3A_115 = arith.constant 0 : i32
      %dma_start3A_116 = tpu.memref_slice %arg10[%add3A_14, %dma_start3A_115] : memref<10240x64xf32, #tpu.memory_space<vmem_shared>> -> memref<128x64xf32, #tpu.memory_space<vmem_shared>>
      tpu.enqueue_dma source(%arg9 : memref<128x64xf32, #tpu.memory_space<vmem>>) target(%dma_start3A_116 : memref<128x64xf32, #tpu.memory_space<vmem_shared>>) target_semaphore(%run_scoped3A : memref<!tpu.dma_semaphore, #tpu.memory_space<semaphore_mem>>)
      %dma_wait3A_117 = arith.constant 0 : i32
      %dma_wait3A_118 = tpu.memref_slice %arg10[%add3A_14, %dma_wait3A_117] : memref<10240x64xf32, #tpu.memory_space<vmem_shared>> -> memref<128x64xf32, #tpu.memory_space<vmem_shared>>
      %dma_wait3A_119 = arith.constant 0 : i32
      %dma_wait3A_120 = tpu.memref_slice %arg10[%add3A_14, %dma_wait3A_119] : memref<10240x64xf32, #tpu.memory_space<vmem_shared>> -> memref<128x64xf32, #tpu.memory_space<vmem_shared>>
      tpu.wait_dma2 semaphore(%run_scoped3A : memref<!tpu.dma_semaphore, #tpu.memory_space<semaphore_mem>>) src(%arg9 : memref<128x64xf32, #tpu.memory_space<vmem>>) dst(%dma_wait3A_120 : memref<128x64xf32, #tpu.memory_space<vmem_shared>>)
      tpu.yield
    }) : () -> ()
    %mul3A_15 = arith.constant 640 : i32
    %mul3A_16 = arith.muli %arg1, %mul3A_15 : i32
    %add3A_17 = arith.constant 384 : i32
    %add3A_18 = arith.addi %mul3A_16, %add3A_17 : i32
    "tpu.region"() ({
      %run_scoped3A = tpu.sem_alloc : memref<!tpu.dma_semaphore, #tpu.memory_space<semaphore_mem>>
      %dma_start3A_113 = arith.constant 0 : i32
      %dma_start3A_114 = tpu.memref_slice %arg10[%add3A_18, %dma_start3A_113] : memref<10240x64xf32, #tpu.memory_space<vmem_shared>> -> memref<128x64xf32, #tpu.memory_space<vmem_shared>>
      %dma_start3A_115 = arith.constant 0 : i32
      %dma_start3A_116 = tpu.memref_slice %arg10[%add3A_18, %dma_start3A_115] : memref<10240x64xf32, #tpu.memory_space<vmem_shared>> -> memref<128x64xf32, #tpu.memory_space<vmem_shared>>
      tpu.enqueue_dma source(%arg9 : memref<128x64xf32, #tpu.memory_space<vmem>>) target(%dma_start3A_116 : memref<128x64xf32, #tpu.memory_space<vmem_shared>>) target_semaphore(%run_scoped3A : memref<!tpu.dma_semaphore, #tpu.memory_space<semaphore_mem>>)
      %dma_wait3A_117 = arith.constant 0 : i32
      %dma_wait3A_118 = tpu.memref_slice %arg10[%add3A_18, %dma_wait3A_117] : memref<10240x64xf32, #tpu.memory_space<vmem_shared>> -> memref<128x64xf32, #tpu.memory_space<vmem_shared>>
      %dma_wait3A_119 = arith.constant 0 : i32
      %dma_wait3A_120 = tpu.memref_slice %arg10[%add3A_18, %dma_wait3A_119] : memref<10240x64xf32, #tpu.memory_space<vmem_shared>> -> memref<128x64xf32, #tpu.memory_space<vmem_shared>>
      tpu.wait_dma2 semaphore(%run_scoped3A : memref<!tpu.dma_semaphore, #tpu.memory_space<semaphore_mem>>) src(%arg9 : memref<128x64xf32, #tpu.memory_space<vmem>>) dst(%dma_wait3A_120 : memref<128x64xf32, #tpu.memory_space<vmem_shared>>)
      tpu.yield
    }) : () -> ()
    %mul3A_19 = arith.constant 640 : i32
    %mul3A_20 = arith.muli %arg1, %mul3A_19 : i32
    %add3A_21 = arith.constant 512 : i32
    %add3A_22 = arith.addi %mul3A_20, %add3A_21 : i32
    "tpu.region"() ({
      %run_scoped3A = tpu.sem_alloc : memref<!tpu.dma_semaphore, #tpu.memory_space<semaphore_mem>>
      %dma_start3A_113 = arith.constant 0 : i32
      %dma_start3A_114 = tpu.memref_slice %arg10[%add3A_22, %dma_start3A_113] : memref<10240x64xf32, #tpu.memory_space<vmem_shared>> -> memref<128x64xf32, #tpu.memory_space<vmem_shared>>
      %dma_start3A_115 = arith.constant 0 : i32
      %dma_start3A_116 = tpu.memref_slice %arg10[%add3A_22, %dma_start3A_115] : memref<10240x64xf32, #tpu.memory_space<vmem_shared>> -> memref<128x64xf32, #tpu.memory_space<vmem_shared>>
      tpu.enqueue_dma source(%arg9 : memref<128x64xf32, #tpu.memory_space<vmem>>) target(%dma_start3A_116 : memref<128x64xf32, #tpu.memory_space<vmem_shared>>) target_semaphore(%run_scoped3A : memref<!tpu.dma_semaphore, #tpu.memory_space<semaphore_mem>>)
      %dma_wait3A_117 = arith.constant 0 : i32
      %dma_wait3A_118 = tpu.memref_slice %arg10[%add3A_22, %dma_wait3A_117] : memref<10240x64xf32, #tpu.memory_space<vmem_shared>> -> memref<128x64xf32, #tpu.memory_space<vmem_shared>>
      %dma_wait3A_119 = arith.constant 0 : i32
      %dma_wait3A_120 = tpu.memref_slice %arg10[%add3A_22, %dma_wait3A_119] : memref<10240x64xf32, #tpu.memory_space<vmem_shared>> -> memref<128x64xf32, #tpu.memory_space<vmem_shared>>
      tpu.wait_dma2 semaphore(%run_scoped3A : memref<!tpu.dma_semaphore, #tpu.memory_space<semaphore_mem>>) src(%arg9 : memref<128x64xf32, #tpu.memory_space<vmem>>) dst(%dma_wait3A_120 : memref<128x64xf32, #tpu.memory_space<vmem_shared>>)
      tpu.yield
    }) : () -> ()
    %mul3A_23 = arith.constant 160 : i32
    %mul3A_24 = arith.muli %arg1, %mul3A_23 : i32
    "tpu.region"() ({
      %run_scoped3A = tpu.sem_alloc : memref<!tpu.dma_semaphore, #tpu.memory_space<semaphore_mem>>
      %dma_start3A_113 = arith.constant 0 : i32
      %dma_start3A_114 = tpu.memref_slice %arg3[%arg0, %mul3A_24, %dma_start3A_113] : memref<2x2560x125xi32, #tpu.memory_space<hbm>> -> memref<1x160x125xi32, #tpu.memory_space<hbm>>
      %dma_start3A_115 = tpu.memref_squeeze %dma_start3A_114 : memref<1x160x125xi32, #tpu.memory_space<hbm>> -> memref<160x125xi32, #tpu.memory_space<hbm>>
      %dma_start3A_116 = arith.constant 0 : i32
      %dma_start3A_117 = tpu.memref_slice %arg3[%arg0, %mul3A_24, %dma_start3A_116] : memref<2x2560x125xi32, #tpu.memory_space<hbm>> -> memref<1x160x125xi32, #tpu.memory_space<hbm>>
      %dma_start3A_118 = tpu.memref_squeeze %dma_start3A_117 : memref<1x160x125xi32, #tpu.memory_space<hbm>> -> memref<160x125xi32, #tpu.memory_space<hbm>>
      tpu.enqueue_dma source(%dma_start3A_118 : memref<160x125xi32, #tpu.memory_space<hbm>>) target(%arg6 : memref<160x125xi32, #tpu.memory_space<vmem>>) target_semaphore(%run_scoped3A : memref<!tpu.dma_semaphore, #tpu.memory_space<semaphore_mem>>)
      %dma_wait3A_119 = arith.constant 0 : i32
      %dma_wait3A_120 = tpu.memref_slice %arg3[%arg0, %mul3A_24, %dma_wait3A_119] : memref<2x2560x125xi32, #tpu.memory_space<hbm>> -> memref<1x160x125xi32, #tpu.memory_space<hbm>>
      %dma_wait3A_121 = tpu.memref_squeeze %dma_wait3A_120 : memref<1x160x125xi32, #tpu.memory_space<hbm>> -> memref<160x125xi32, #tpu.memory_space<hbm>>
      %dma_wait3A_122 = arith.constant 0 : i32
      %dma_wait3A_123 = tpu.memref_slice %arg3[%arg0, %mul3A_24, %dma_wait3A_122] : memref<2x2560x125xi32, #tpu.memory_space<hbm>> -> memref<1x160x125xi32, #tpu.memory_space<hbm>>
      %dma_wait3A_124 = tpu.memref_squeeze %dma_wait3A_123 : memref<1x160x125xi32, #tpu.memory_space<hbm>> -> memref<160x125xi32, #tpu.memory_space<hbm>>
      tpu.wait_dma2 semaphore(%run_scoped3A : memref<!tpu.dma_semaphore, #tpu.memory_space<semaphore_mem>>) src(%dma_wait3A_124 : memref<160x125xi32, #tpu.memory_space<hbm>>) dst(%arg6 : memref<160x125xi32, #tpu.memory_space<vmem>>)
      tpu.yield
    }) : () -> ()
    %mul3A_25 = arith.constant 160 : i32
    %mul3A_26 = arith.muli %arg1, %mul3A_25 : i32
    "tpu.region"() ({
      %run_scoped3A = tpu.sem_alloc : memref<!tpu.dma_semaphore, #tpu.memory_space<semaphore_mem>>
      %dma_start3A_113 = arith.constant 0 : i32
      %dma_start3A_114 = tpu.memref_slice %arg4[%mul3A_26, %dma_start3A_113] : memref<2560x125xi32, #tpu.memory_space<hbm>> -> memref<160x125xi32, #tpu.memory_space<hbm>>
      %dma_start3A_115 = arith.constant 0 : i32
      %dma_start3A_116 = tpu.memref_slice %arg4[%mul3A_26, %dma_start3A_115] : memref<2560x125xi32, #tpu.memory_space<hbm>> -> memref<160x125xi32, #tpu.memory_space<hbm>>
      tpu.enqueue_dma source(%dma_start3A_116 : memref<160x125xi32, #tpu.memory_space<hbm>>) target(%arg7 : memref<160x125xi32, #tpu.memory_space<vmem>>) target_semaphore(%run_scoped3A : memref<!tpu.dma_semaphore, #tpu.memory_space<semaphore_mem>>)
      %dma_wait3A_117 = arith.constant 0 : i32
      %dma_wait3A_118 = tpu.memref_slice %arg4[%mul3A_26, %dma_wait3A_117] : memref<2560x125xi32, #tpu.memory_space<hbm>> -> memref<160x125xi32, #tpu.memory_space<hbm>>
      %dma_wait3A_119 = arith.constant 0 : i32
      %dma_wait3A_120 = tpu.memref_slice %arg4[%mul3A_26, %dma_wait3A_119] : memref<2560x125xi32, #tpu.memory_space<hbm>> -> memref<160x125xi32, #tpu.memory_space<hbm>>
      tpu.wait_dma2 semaphore(%run_scoped3A : memref<!tpu.dma_semaphore, #tpu.memory_space<semaphore_mem>>) src(%dma_wait3A_120 : memref<160x125xi32, #tpu.memory_space<hbm>>) dst(%arg7 : memref<160x125xi32, #tpu.memory_space<vmem>>)
      tpu.yield
    }) : () -> ()
    %barrier3A = arith.constant 0 : index
    tpu.barrier barrier_id(%barrier3A)
    %dma_start3A = arith.constant 0 : i32
    %dma_start3A_27 = arith.constant 0 : i32
    %dma_start3A_28 = arith.constant 0 : i32
    %dma_start3A_29 = arith.constant 0 : i32
    %dma_start3A_30 = arith.constant 0 : i32
    %dma_start3A_31 = tpu.memref_slice %arg8[%dma_start3A_27, %dma_start3A_29, %dma_start3A_30] : memref<5x125x64xf32, #tpu.memory_space<vmem>> -> memref<1x125x64xf32, #tpu.memory_space<vmem>>
    %dma_start3A_32 = tpu.memref_squeeze %dma_start3A_31 : memref<1x125x64xf32, #tpu.memory_space<vmem>> -> memref<125x64xf32, #tpu.memory_space<vmem>>
    %dma_start3A_33 = arith.constant 0 : i32
    %dma_start3A_34 = tpu.memref_slice %arg6[%dma_start3A, %dma_start3A_33] : memref<160x125xi32, #tpu.memory_space<vmem>> -> memref<1x125xi32, #tpu.memory_space<vmem>>
    %dma_start3A_35 = tpu.memref_squeeze %dma_start3A_34 : memref<1x125xi32, #tpu.memory_space<vmem>> -> memref<125xi32, #tpu.memory_space<vmem>>
    %dma_start3A_36 = arith.constant 0 : i32
    %dma_start3A_37 = arith.constant 0 : i32
    %dma_start3A_38 = tpu.memref_slice %arg2[%dma_start3A_36, %dma_start3A_37] : memref<20000x64xf32, #tpu.memory_space<hbm>> -> memref<20000x64xf32, #tpu.memory_space<hbm>>
    %dma_start3A_39 = tpu.memref_slice %arg11[%dma_start3A_28] : memref<5x!tpu.dma_semaphore, #tpu.memory_space<semaphore_mem>> -> memref<1x!tpu.dma_semaphore, #tpu.memory_space<semaphore_mem>>
    %dma_start3A_40 = tpu.memref_squeeze %dma_start3A_39 : memref<1x!tpu.dma_semaphore, #tpu.memory_space<semaphore_mem>> -> memref<!tpu.dma_semaphore, #tpu.memory_space<semaphore_mem>>
    tpu.enqueue_indirect_dma source(%dma_start3A_38 : memref<20000x64xf32, #tpu.memory_space<hbm>>) target(%dma_start3A_32 : memref<125x64xf32, #tpu.memory_space<vmem>>) offsets(%dma_start3A_35 : memref<125xi32, #tpu.memory_space<vmem>>) semaphore(%dma_start3A_40 : memref<!tpu.dma_semaphore, #tpu.memory_space<semaphore_mem>>)
    %dma_start3A_41 = arith.constant 1 : i32
    %dma_start3A_42 = arith.constant 1 : i32
    %dma_start3A_43 = arith.constant 1 : i32
    %dma_start3A_44 = arith.constant 0 : i32
    %dma_start3A_45 = arith.constant 0 : i32
    %dma_start3A_46 = tpu.memref_slice %arg8[%dma_start3A_42, %dma_start3A_44, %dma_start3A_45] : memref<5x125x64xf32, #tpu.memory_space<vmem>> -> memref<1x125x64xf32, #tpu.memory_space<vmem>>
    %dma_start3A_47 = tpu.memref_squeeze %dma_start3A_46 : memref<1x125x64xf32, #tpu.memory_space<vmem>> -> memref<125x64xf32, #tpu.memory_space<vmem>>
    %dma_start3A_48 = arith.constant 0 : i32
    %dma_start3A_49 = tpu.memref_slice %arg6[%dma_start3A_41, %dma_start3A_48] : memref<160x125xi32, #tpu.memory_space<vmem>> -> memref<1x125xi32, #tpu.memory_space<vmem>>
    %dma_start3A_50 = tpu.memref_squeeze %dma_start3A_49 : memref<1x125xi32, #tpu.memory_space<vmem>> -> memref<125xi32, #tpu.memory_space<vmem>>
    %dma_start3A_51 = arith.constant 0 : i32
    %dma_start3A_52 = arith.constant 0 : i32
    %dma_start3A_53 = tpu.memref_slice %arg2[%dma_start3A_51, %dma_start3A_52] : memref<20000x64xf32, #tpu.memory_space<hbm>> -> memref<20000x64xf32, #tpu.memory_space<hbm>>
    %dma_start3A_54 = tpu.memref_slice %arg11[%dma_start3A_43] : memref<5x!tpu.dma_semaphore, #tpu.memory_space<semaphore_mem>> -> memref<1x!tpu.dma_semaphore, #tpu.memory_space<semaphore_mem>>
    %dma_start3A_55 = tpu.memref_squeeze %dma_start3A_54 : memref<1x!tpu.dma_semaphore, #tpu.memory_space<semaphore_mem>> -> memref<!tpu.dma_semaphore, #tpu.memory_space<semaphore_mem>>
    tpu.enqueue_indirect_dma source(%dma_start3A_53 : memref<20000x64xf32, #tpu.memory_space<hbm>>) target(%dma_start3A_47 : memref<125x64xf32, #tpu.memory_space<vmem>>) offsets(%dma_start3A_50 : memref<125xi32, #tpu.memory_space<vmem>>) semaphore(%dma_start3A_55 : memref<!tpu.dma_semaphore, #tpu.memory_space<semaphore_mem>>)
    %dma_start3A_56 = arith.constant 2 : i32
    %dma_start3A_57 = arith.constant 2 : i32
    %dma_start3A_58 = arith.constant 2 : i32
    %dma_start3A_59 = arith.constant 0 : i32
    %dma_start3A_60 = arith.constant 0 : i32
    %dma_start3A_61 = tpu.memref_slice %arg8[%dma_start3A_57, %dma_start3A_59, %dma_start3A_60] : memref<5x125x64xf32, #tpu.memory_space<vmem>> -> memref<1x125x64xf32, #tpu.memory_space<vmem>>
    %dma_start3A_62 = tpu.memref_squeeze %dma_start3A_61 : memref<1x125x64xf32, #tpu.memory_space<vmem>> -> memref<125x64xf32, #tpu.memory_space<vmem>>
    %dma_start3A_63 = arith.constant 0 : i32
    %dma_start3A_64 = tpu.memref_slice %arg6[%dma_start3A_56, %dma_start3A_63] : memref<160x125xi32, #tpu.memory_space<vmem>> -> memref<1x125xi32, #tpu.memory_space<vmem>>
    %dma_start3A_65 = tpu.memref_squeeze %dma_start3A_64 : memref<1x125xi32, #tpu.memory_space<vmem>> -> memref<125xi32, #tpu.memory_space<vmem>>
    %dma_start3A_66 = arith.constant 0 : i32
    %dma_start3A_67 = arith.constant 0 : i32
    %dma_start3A_68 = tpu.memref_slice %arg2[%dma_start3A_66, %dma_start3A_67] : memref<20000x64xf32, #tpu.memory_space<hbm>> -> memref<20000x64xf32, #tpu.memory_space<hbm>>
    %dma_start3A_69 = tpu.memref_slice %arg11[%dma_start3A_58] : memref<5x!tpu.dma_semaphore, #tpu.memory_space<semaphore_mem>> -> memref<1x!tpu.dma_semaphore, #tpu.memory_space<semaphore_mem>>
    %dma_start3A_70 = tpu.memref_squeeze %dma_start3A_69 : memref<1x!tpu.dma_semaphore, #tpu.memory_space<semaphore_mem>> -> memref<!tpu.dma_semaphore, #tpu.memory_space<semaphore_mem>>
    tpu.enqueue_indirect_dma source(%dma_start3A_68 : memref<20000x64xf32, #tpu.memory_space<hbm>>) target(%dma_start3A_62 : memref<125x64xf32, #tpu.memory_space<vmem>>) offsets(%dma_start3A_65 : memref<125xi32, #tpu.memory_space<vmem>>) semaphore(%dma_start3A_70 : memref<!tpu.dma_semaphore, #tpu.memory_space<semaphore_mem>>)
    %scan3A_71 = arith.constant 0 : i32
    %scan3A_72 = arith.constant 0 : i32
    %scan3A_73 = arith.constant 32 : i32
    %scan3A_74 = arith.addi %scan3A_72, %scan3A_73 : i32
    %scan3A_75 = arith.constant 1 : i32
    scf.for %scan3A_113 = %scan3A_72 to %scan3A_74 step %scan3A_75  : i32 {
      %mul3A_114 = arith.constant 5 : i32
      %mul3A_115 = arith.muli %scan3A_113, %mul3A_114 : i32
      %add3A_116 = arith.constant 0 : i32
      %add3A_117 = arith.addi %mul3A_115, %add3A_116 : i32
      %add3A_118 = arith.constant 3 : i32
      %add3A_119 = arith.addi %add3A_117, %add3A_118 : i32
      %sub3A = arith.constant 5 : i32
      %sub3A_120 = arith.subi %add3A_119, %sub3A : i32
      %ge3A = arith.constant 0 : i32
      %ge3A_121 = arith.cmpi sge, %sub3A_120, %ge3A : i32
      %convert_element_type3A = arith.extui %ge3A_121 : i1 to i32
      %cond3A = arith.constant 0 : i32
      %cond3A_122 = arith.cmpi ne, %convert_element_type3A, %cond3A : i32
      scf.if %cond3A_122 {
        %add3A_349 = arith.constant 3 : i32
        %add3A_350 = arith.addi %add3A_117, %add3A_349 : i32
        %sub3A_351 = arith.constant 5 : i32
        %sub3A_352 = arith.subi %add3A_350, %sub3A_351 : i32
        %dma_wait3A_353 = arith.constant 3 : i32
        %dma_wait3A_354 = arith.constant 3 : i32
        %dma_wait3A_355 = arith.constant 0 : i32
        %dma_wait3A_356 = arith.constant 0 : i32
        %dma_wait3A_357 = tpu.memref_slice %arg8[%dma_wait3A_353, %dma_wait3A_355, %dma_wait3A_356] : memref<5x125x64xf32, #tpu.memory_space<vmem>> -> memref<1x125x64xf32, #tpu.memory_space<vmem>>
        %dma_wait3A_358 = tpu.memref_squeeze %dma_wait3A_357 : memref<1x125x64xf32, #tpu.memory_space<vmem>> -> memref<125x64xf32, #tpu.memory_space<vmem>>
        %dma_wait3A_359 = arith.constant 0 : i32
        %dma_wait3A_360 = tpu.memref_slice %arg7[%sub3A_352, %dma_wait3A_359] : memref<160x125xi32, #tpu.memory_space<vmem>> -> memref<1x125xi32, #tpu.memory_space<vmem>>
        %dma_wait3A_361 = tpu.memref_squeeze %dma_wait3A_360 : memref<1x125xi32, #tpu.memory_space<vmem>> -> memref<125xi32, #tpu.memory_space<vmem>>
        %dma_wait3A_362 = arith.constant 0 : i32
        %dma_wait3A_363 = arith.constant 0 : i32
        %dma_wait3A_364 = tpu.memref_slice %arg10[%dma_wait3A_362, %dma_wait3A_363] : memref<10240x64xf32, #tpu.memory_space<vmem_shared>> -> memref<10240x64xf32, #tpu.memory_space<vmem_shared>>
        %dma_wait3A_365 = tpu.memref_slice %arg12[%dma_wait3A_354] : memref<5x!tpu.dma_semaphore, #tpu.memory_space<semaphore_mem>> -> memref<1x!tpu.dma_semaphore, #tpu.memory_space<semaphore_mem>>
        %dma_wait3A_366 = tpu.memref_squeeze %dma_wait3A_365 : memref<1x!tpu.dma_semaphore, #tpu.memory_space<semaphore_mem>> -> memref<!tpu.dma_semaphore, #tpu.memory_space<semaphore_mem>>
        tpu.wait_indirect_dma semaphore(%dma_wait3A_366 : memref<!tpu.dma_semaphore, #tpu.memory_space<semaphore_mem>>) src(%dma_wait3A_358 : memref<125x64xf32, #tpu.memory_space<vmem>>) dst(%dma_wait3A_364 : memref<10240x64xf32, #tpu.memory_space<vmem_shared>>)
      } else {
      }
      %add3A_123 = arith.constant 3 : i32
      %add3A_124 = arith.addi %add3A_117, %add3A_123 : i32
      %lt3A = arith.constant 160 : i32
      %lt3A_125 = arith.cmpi slt, %add3A_124, %lt3A : i32
      %convert_element_type3A_126 = arith.extui %lt3A_125 : i1 to i32
      %cond3A_127 = arith.constant 0 : i32
      %cond3A_128 = arith.cmpi ne, %convert_element_type3A_126, %cond3A_127 : i32
      scf.if %cond3A_128 {
        %add3A_349 = arith.constant 3 : i32
        %add3A_350 = arith.addi %add3A_117, %add3A_349 : i32
        %dma_start3A_351 = arith.constant 3 : i32
        %dma_start3A_352 = arith.constant 3 : i32
        %dma_start3A_353 = arith.constant 0 : i32
        %dma_start3A_354 = arith.constant 0 : i32
        %dma_start3A_355 = tpu.memref_slice %arg8[%dma_start3A_351, %dma_start3A_353, %dma_start3A_354] : memref<5x125x64xf32, #tpu.memory_space<vmem>> -> memref<1x125x64xf32, #tpu.memory_space<vmem>>
        %dma_start3A_356 = tpu.memref_squeeze %dma_start3A_355 : memref<1x125x64xf32, #tpu.memory_space<vmem>> -> memref<125x64xf32, #tpu.memory_space<vmem>>
        %dma_start3A_357 = arith.constant 0 : i32
        %dma_start3A_358 = tpu.memref_slice %arg6[%add3A_350, %dma_start3A_357] : memref<160x125xi32, #tpu.memory_space<vmem>> -> memref<1x125xi32, #tpu.memory_space<vmem>>
        %dma_start3A_359 = tpu.memref_squeeze %dma_start3A_358 : memref<1x125xi32, #tpu.memory_space<vmem>> -> memref<125xi32, #tpu.memory_space<vmem>>
        %dma_start3A_360 = arith.constant 0 : i32
        %dma_start3A_361 = arith.constant 0 : i32
        %dma_start3A_362 = tpu.memref_slice %arg2[%dma_start3A_360, %dma_start3A_361] : memref<20000x64xf32, #tpu.memory_space<hbm>> -> memref<20000x64xf32, #tpu.memory_space<hbm>>
        %dma_start3A_363 = tpu.memref_slice %arg11[%dma_start3A_352] : memref<5x!tpu.dma_semaphore, #tpu.memory_space<semaphore_mem>> -> memref<1x!tpu.dma_semaphore, #tpu.memory_space<semaphore_mem>>
        %dma_start3A_364 = tpu.memref_squeeze %dma_start3A_363 : memref<1x!tpu.dma_semaphore, #tpu.memory_space<semaphore_mem>> -> memref<!tpu.dma_semaphore, #tpu.memory_space<semaphore_mem>>
        tpu.enqueue_indirect_dma source(%dma_start3A_362 : memref<20000x64xf32, #tpu.memory_space<hbm>>) target(%dma_start3A_356 : memref<125x64xf32, #tpu.memory_space<vmem>>) offsets(%dma_start3A_359 : memref<125xi32, #tpu.memory_space<vmem>>) semaphore(%dma_start3A_364 : memref<!tpu.dma_semaphore, #tpu.memory_space<semaphore_mem>>)
      } else {
      }
      %dma_wait3A_129 = arith.constant 0 : i32
      %dma_wait3A_130 = arith.constant 0 : i32
      %dma_wait3A_131 = arith.constant 0 : i32
      %dma_wait3A_132 = arith.constant 0 : i32
      %dma_wait3A_133 = tpu.memref_slice %arg8[%dma_wait3A_129, %dma_wait3A_131, %dma_wait3A_132] : memref<5x125x64xf32, #tpu.memory_space<vmem>> -> memref<1x125x64xf32, #tpu.memory_space<vmem>>
      %dma_wait3A_134 = tpu.memref_squeeze %dma_wait3A_133 : memref<1x125x64xf32, #tpu.memory_space<vmem>> -> memref<125x64xf32, #tpu.memory_space<vmem>>
      %dma_wait3A_135 = arith.constant 0 : i32
      %dma_wait3A_136 = tpu.memref_slice %arg6[%add3A_117, %dma_wait3A_135] : memref<160x125xi32, #tpu.memory_space<vmem>> -> memref<1x125xi32, #tpu.memory_space<vmem>>
      %dma_wait3A_137 = tpu.memref_squeeze %dma_wait3A_136 : memref<1x125xi32, #tpu.memory_space<vmem>> -> memref<125xi32, #tpu.memory_space<vmem>>
      %dma_wait3A_138 = arith.constant 0 : i32
      %dma_wait3A_139 = arith.constant 0 : i32
      %dma_wait3A_140 = tpu.memref_slice %arg2[%dma_wait3A_138, %dma_wait3A_139] : memref<20000x64xf32, #tpu.memory_space<hbm>> -> memref<20000x64xf32, #tpu.memory_space<hbm>>
      %dma_wait3A_141 = tpu.memref_slice %arg11[%dma_wait3A_130] : memref<5x!tpu.dma_semaphore, #tpu.memory_space<semaphore_mem>> -> memref<1x!tpu.dma_semaphore, #tpu.memory_space<semaphore_mem>>
      %dma_wait3A_142 = tpu.memref_squeeze %dma_wait3A_141 : memref<1x!tpu.dma_semaphore, #tpu.memory_space<semaphore_mem>> -> memref<!tpu.dma_semaphore, #tpu.memory_space<semaphore_mem>>
      tpu.wait_indirect_dma semaphore(%dma_wait3A_142 : memref<!tpu.dma_semaphore, #tpu.memory_space<semaphore_mem>>) src(%dma_wait3A_140 : memref<20000x64xf32, #tpu.memory_space<hbm>>) dst(%dma_wait3A_134 : memref<125x64xf32, #tpu.memory_space<vmem>>)
      %dma_start3A_143 = arith.constant 0 : i32
      %dma_start3A_144 = arith.constant 0 : i32
      %dma_start3A_145 = arith.constant 0 : i32
      %dma_start3A_146 = arith.constant 0 : i32
      %dma_start3A_147 = tpu.memref_slice %arg8[%dma_start3A_143, %dma_start3A_145, %dma_start3A_146] : memref<5x125x64xf32, #tpu.memory_space<vmem>> -> memref<1x125x64xf32, #tpu.memory_space<vmem>>
      %dma_start3A_148 = tpu.memref_squeeze %dma_start3A_147 : memref<1x125x64xf32, #tpu.memory_space<vmem>> -> memref<125x64xf32, #tpu.memory_space<vmem>>
      %dma_start3A_149 = arith.constant 0 : i32
      %dma_start3A_150 = tpu.memref_slice %arg7[%add3A_117, %dma_start3A_149] : memref<160x125xi32, #tpu.memory_space<vmem>> -> memref<1x125xi32, #tpu.memory_space<vmem>>
      %dma_start3A_151 = tpu.memref_squeeze %dma_start3A_150 : memref<1x125xi32, #tpu.memory_space<vmem>> -> memref<125xi32, #tpu.memory_space<vmem>>
      %dma_start3A_152 = arith.constant 0 : i32
      %dma_start3A_153 = arith.constant 0 : i32
      %dma_start3A_154 = tpu.memref_slice %arg10[%dma_start3A_152, %dma_start3A_153] : memref<10240x64xf32, #tpu.memory_space<vmem_shared>> -> memref<10240x64xf32, #tpu.memory_space<vmem_shared>>
      %dma_start3A_155 = tpu.memref_slice %arg12[%dma_start3A_144] : memref<5x!tpu.dma_semaphore, #tpu.memory_space<semaphore_mem>> -> memref<1x!tpu.dma_semaphore, #tpu.memory_space<semaphore_mem>>
      %dma_start3A_156 = tpu.memref_squeeze %dma_start3A_155 : memref<1x!tpu.dma_semaphore, #tpu.memory_space<semaphore_mem>> -> memref<!tpu.dma_semaphore, #tpu.memory_space<semaphore_mem>>
      tpu.enqueue_indirect_dma source(%dma_start3A_148 : memref<125x64xf32, #tpu.memory_space<vmem>>) target(%dma_start3A_154 : memref<10240x64xf32, #tpu.memory_space<vmem_shared>>) offsets(%dma_start3A_151 : memref<125xi32, #tpu.memory_space<vmem>>) semaphore(%dma_start3A_156 : memref<!tpu.dma_semaphore, #tpu.memory_space<semaphore_mem>>) {add = true}
      %mul3A_157 = arith.constant 5 : i32
      %mul3A_158 = arith.muli %scan3A_113, %mul3A_157 : i32
      %add3A_159 = arith.constant 1 : i32
      %add3A_160 = arith.addi %mul3A_158, %add3A_159 : i32
      %add3A_161 = arith.constant 3 : i32
      %add3A_162 = arith.addi %add3A_160, %add3A_161 : i32
      %sub3A_163 = arith.constant 5 : i32
      %sub3A_164 = arith.subi %add3A_162, %sub3A_163 : i32
      %ge3A_165 = arith.constant 0 : i32
      %ge3A_166 = arith.cmpi sge, %sub3A_164, %ge3A_165 : i32
      %convert_element_type3A_167 = arith.extui %ge3A_166 : i1 to i32
      %cond3A_168 = arith.constant 0 : i32
      %cond3A_169 = arith.cmpi ne, %convert_element_type3A_167, %cond3A_168 : i32
      scf.if %cond3A_169 {
        %add3A_349 = arith.constant 3 : i32
        %add3A_350 = arith.addi %add3A_160, %add3A_349 : i32
        %sub3A_351 = arith.constant 5 : i32
        %sub3A_352 = arith.subi %add3A_350, %sub3A_351 : i32
        %dma_wait3A_353 = arith.constant 4 : i32
        %dma_wait3A_354 = arith.constant 4 : i32
        %dma_wait3A_355 = arith.constant 0 : i32
        %dma_wait3A_356 = arith.constant 0 : i32
        %dma_wait3A_357 = tpu.memref_slice %arg8[%dma_wait3A_353, %dma_wait3A_355, %dma_wait3A_356] : memref<5x125x64xf32, #tpu.memory_space<vmem>> -> memref<1x125x64xf32, #tpu.memory_space<vmem>>
        %dma_wait3A_358 = tpu.memref_squeeze %dma_wait3A_357 : memref<1x125x64xf32, #tpu.memory_space<vmem>> -> memref<125x64xf32, #tpu.memory_space<vmem>>
        %dma_wait3A_359 = arith.constant 0 : i32
        %dma_wait3A_360 = tpu.memref_slice %arg7[%sub3A_352, %dma_wait3A_359] : memref<160x125xi32, #tpu.memory_space<vmem>> -> memref<1x125xi32, #tpu.memory_space<vmem>>
        %dma_wait3A_361 = tpu.memref_squeeze %dma_wait3A_360 : memref<1x125xi32, #tpu.memory_space<vmem>> -> memref<125xi32, #tpu.memory_space<vmem>>
        %dma_wait3A_362 = arith.constant 0 : i32
        %dma_wait3A_363 = arith.constant 0 : i32
        %dma_wait3A_364 = tpu.memref_slice %arg10[%dma_wait3A_362, %dma_wait3A_363] : memref<10240x64xf32, #tpu.memory_space<vmem_shared>> -> memref<10240x64xf32, #tpu.memory_space<vmem_shared>>
        %dma_wait3A_365 = tpu.memref_slice %arg12[%dma_wait3A_354] : memref<5x!tpu.dma_semaphore, #tpu.memory_space<semaphore_mem>> -> memref<1x!tpu.dma_semaphore, #tpu.memory_space<semaphore_mem>>
        %dma_wait3A_366 = tpu.memref_squeeze %dma_wait3A_365 : memref<1x!tpu.dma_semaphore, #tpu.memory_space<semaphore_mem>> -> memref<!tpu.dma_semaphore, #tpu.memory_space<semaphore_mem>>
        tpu.wait_indirect_dma semaphore(%dma_wait3A_366 : memref<!tpu.dma_semaphore, #tpu.memory_space<semaphore_mem>>) src(%dma_wait3A_358 : memref<125x64xf32, #tpu.memory_space<vmem>>) dst(%dma_wait3A_364 : memref<10240x64xf32, #tpu.memory_space<vmem_shared>>)
      } else {
      }
      %add3A_170 = arith.constant 3 : i32
      %add3A_171 = arith.addi %add3A_160, %add3A_170 : i32
      %lt3A_172 = arith.constant 160 : i32
      %lt3A_173 = arith.cmpi slt, %add3A_171, %lt3A_172 : i32
      %convert_element_type3A_174 = arith.extui %lt3A_173 : i1 to i32
      %cond3A_175 = arith.constant 0 : i32
      %cond3A_176 = arith.cmpi ne, %convert_element_type3A_174, %cond3A_175 : i32
      scf.if %cond3A_176 {
        %add3A_349 = arith.constant 3 : i32
        %add3A_350 = arith.addi %add3A_160, %add3A_349 : i32
        %dma_start3A_351 = arith.constant 4 : i32
        %dma_start3A_352 = arith.constant 4 : i32
        %dma_start3A_353 = arith.constant 0 : i32
        %dma_start3A_354 = arith.constant 0 : i32
        %dma_start3A_355 = tpu.memref_slice %arg8[%dma_start3A_351, %dma_start3A_353, %dma_start3A_354] : memref<5x125x64xf32, #tpu.memory_space<vmem>> -> memref<1x125x64xf32, #tpu.memory_space<vmem>>
        %dma_start3A_356 = tpu.memref_squeeze %dma_start3A_355 : memref<1x125x64xf32, #tpu.memory_space<vmem>> -> memref<125x64xf32, #tpu.memory_space<vmem>>
        %dma_start3A_357 = arith.constant 0 : i32
        %dma_start3A_358 = tpu.memref_slice %arg6[%add3A_350, %dma_start3A_357] : memref<160x125xi32, #tpu.memory_space<vmem>> -> memref<1x125xi32, #tpu.memory_space<vmem>>
        %dma_start3A_359 = tpu.memref_squeeze %dma_start3A_358 : memref<1x125xi32, #tpu.memory_space<vmem>> -> memref<125xi32, #tpu.memory_space<vmem>>
        %dma_start3A_360 = arith.constant 0 : i32
        %dma_start3A_361 = arith.constant 0 : i32
        %dma_start3A_362 = tpu.memref_slice %arg2[%dma_start3A_360, %dma_start3A_361] : memref<20000x64xf32, #tpu.memory_space<hbm>> -> memref<20000x64xf32, #tpu.memory_space<hbm>>
        %dma_start3A_363 = tpu.memref_slice %arg11[%dma_start3A_352] : memref<5x!tpu.dma_semaphore, #tpu.memory_space<semaphore_mem>> -> memref<1x!tpu.dma_semaphore, #tpu.memory_space<semaphore_mem>>
        %dma_start3A_364 = tpu.memref_squeeze %dma_start3A_363 : memref<1x!tpu.dma_semaphore, #tpu.memory_space<semaphore_mem>> -> memref<!tpu.dma_semaphore, #tpu.memory_space<semaphore_mem>>
        tpu.enqueue_indirect_dma source(%dma_start3A_362 : memref<20000x64xf32, #tpu.memory_space<hbm>>) target(%dma_start3A_356 : memref<125x64xf32, #tpu.memory_space<vmem>>) offsets(%dma_start3A_359 : memref<125xi32, #tpu.memory_space<vmem>>) semaphore(%dma_start3A_364 : memref<!tpu.dma_semaphore, #tpu.memory_space<semaphore_mem>>)
      } else {
      }
      %dma_wait3A_177 = arith.constant 1 : i32
      %dma_wait3A_178 = arith.constant 1 : i32
      %dma_wait3A_179 = arith.constant 0 : i32
      %dma_wait3A_180 = arith.constant 0 : i32
      %dma_wait3A_181 = tpu.memref_slice %arg8[%dma_wait3A_177, %dma_wait3A_179, %dma_wait3A_180] : memref<5x125x64xf32, #tpu.memory_space<vmem>> -> memref<1x125x64xf32, #tpu.memory_space<vmem>>
      %dma_wait3A_182 = tpu.memref_squeeze %dma_wait3A_181 : memref<1x125x64xf32, #tpu.memory_space<vmem>> -> memref<125x64xf32, #tpu.memory_space<vmem>>
      %dma_wait3A_183 = arith.constant 0 : i32
      %dma_wait3A_184 = tpu.memref_slice %arg6[%add3A_160, %dma_wait3A_183] : memref<160x125xi32, #tpu.memory_space<vmem>> -> memref<1x125xi32, #tpu.memory_space<vmem>>
      %dma_wait3A_185 = tpu.memref_squeeze %dma_wait3A_184 : memref<1x125xi32, #tpu.memory_space<vmem>> -> memref<125xi32, #tpu.memory_space<vmem>>
      %dma_wait3A_186 = arith.constant 0 : i32
      %dma_wait3A_187 = arith.constant 0 : i32
      %dma_wait3A_188 = tpu.memref_slice %arg2[%dma_wait3A_186, %dma_wait3A_187] : memref<20000x64xf32, #tpu.memory_space<hbm>> -> memref<20000x64xf32, #tpu.memory_space<hbm>>
      %dma_wait3A_189 = tpu.memref_slice %arg11[%dma_wait3A_178] : memref<5x!tpu.dma_semaphore, #tpu.memory_space<semaphore_mem>> -> memref<1x!tpu.dma_semaphore, #tpu.memory_space<semaphore_mem>>
      %dma_wait3A_190 = tpu.memref_squeeze %dma_wait3A_189 : memref<1x!tpu.dma_semaphore, #tpu.memory_space<semaphore_mem>> -> memref<!tpu.dma_semaphore, #tpu.memory_space<semaphore_mem>>
      tpu.wait_indirect_dma semaphore(%dma_wait3A_190 : memref<!tpu.dma_semaphore, #tpu.memory_space<semaphore_mem>>) src(%dma_wait3A_188 : memref<20000x64xf32, #tpu.memory_space<hbm>>) dst(%dma_wait3A_182 : memref<125x64xf32, #tpu.memory_space<vmem>>)
      %dma_start3A_191 = arith.constant 1 : i32
      %dma_start3A_192 = arith.constant 1 : i32
      %dma_start3A_193 = arith.constant 0 : i32
      %dma_start3A_194 = arith.constant 0 : i32
      %dma_start3A_195 = tpu.memref_slice %arg8[%dma_start3A_191, %dma_start3A_193, %dma_start3A_194] : memref<5x125x64xf32, #tpu.memory_space<vmem>> -> memref<1x125x64xf32, #tpu.memory_space<vmem>>
      %dma_start3A_196 = tpu.memref_squeeze %dma_start3A_195 : memref<1x125x64xf32, #tpu.memory_space<vmem>> -> memref<125x64xf32, #tpu.memory_space<vmem>>
      %dma_start3A_197 = arith.constant 0 : i32
      %dma_start3A_198 = tpu.memref_slice %arg7[%add3A_160, %dma_start3A_197] : memref<160x125xi32, #tpu.memory_space<vmem>> -> memref<1x125xi32, #tpu.memory_space<vmem>>
      %dma_start3A_199 = tpu.memref_squeeze %dma_start3A_198 : memref<1x125xi32, #tpu.memory_space<vmem>> -> memref<125xi32, #tpu.memory_space<vmem>>
      %dma_start3A_200 = arith.constant 0 : i32
      %dma_start3A_201 = arith.constant 0 : i32
      %dma_start3A_202 = tpu.memref_slice %arg10[%dma_start3A_200, %dma_start3A_201] : memref<10240x64xf32, #tpu.memory_space<vmem_shared>> -> memref<10240x64xf32, #tpu.memory_space<vmem_shared>>
      %dma_start3A_203 = tpu.memref_slice %arg12[%dma_start3A_192] : memref<5x!tpu.dma_semaphore, #tpu.memory_space<semaphore_mem>> -> memref<1x!tpu.dma_semaphore, #tpu.memory_space<semaphore_mem>>
      %dma_start3A_204 = tpu.memref_squeeze %dma_start3A_203 : memref<1x!tpu.dma_semaphore, #tpu.memory_space<semaphore_mem>> -> memref<!tpu.dma_semaphore, #tpu.memory_space<semaphore_mem>>
      tpu.enqueue_indirect_dma source(%dma_start3A_196 : memref<125x64xf32, #tpu.memory_space<vmem>>) target(%dma_start3A_202 : memref<10240x64xf32, #tpu.memory_space<vmem_shared>>) offsets(%dma_start3A_199 : memref<125xi32, #tpu.memory_space<vmem>>) semaphore(%dma_start3A_204 : memref<!tpu.dma_semaphore, #tpu.memory_space<semaphore_mem>>) {add = true}
      %mul3A_205 = arith.constant 5 : i32
      %mul3A_206 = arith.muli %scan3A_113, %mul3A_205 : i32
      %add3A_207 = arith.constant 2 : i32
      %add3A_208 = arith.addi %mul3A_206, %add3A_207 : i32
      %add3A_209 = arith.constant 3 : i32
      %add3A_210 = arith.addi %add3A_208, %add3A_209 : i32
      %sub3A_211 = arith.constant 5 : i32
      %sub3A_212 = arith.subi %add3A_210, %sub3A_211 : i32
      %ge3A_213 = arith.constant 0 : i32
      %ge3A_214 = arith.cmpi sge, %sub3A_212, %ge3A_213 : i32
      %convert_element_type3A_215 = arith.extui %ge3A_214 : i1 to i32
      %cond3A_216 = arith.constant 0 : i32
      %cond3A_217 = arith.cmpi ne, %convert_element_type3A_215, %cond3A_216 : i32
      scf.if %cond3A_217 {
        %add3A_349 = arith.constant 3 : i32
        %add3A_350 = arith.addi %add3A_208, %add3A_349 : i32
        %sub3A_351 = arith.constant 5 : i32
        %sub3A_352 = arith.subi %add3A_350, %sub3A_351 : i32
        %dma_wait3A_353 = arith.constant 0 : i32
        %dma_wait3A_354 = arith.constant 0 : i32
        %dma_wait3A_355 = arith.constant 0 : i32
        %dma_wait3A_356 = arith.constant 0 : i32
        %dma_wait3A_357 = tpu.memref_slice %arg8[%dma_wait3A_353, %dma_wait3A_355, %dma_wait3A_356] : memref<5x125x64xf32, #tpu.memory_space<vmem>> -> memref<1x125x64xf32, #tpu.memory_space<vmem>>
        %dma_wait3A_358 = tpu.memref_squeeze %dma_wait3A_357 : memref<1x125x64xf32, #tpu.memory_space<vmem>> -> memref<125x64xf32, #tpu.memory_space<vmem>>
        %dma_wait3A_359 = arith.constant 0 : i32
        %dma_wait3A_360 = tpu.memref_slice %arg7[%sub3A_352, %dma_wait3A_359] : memref<160x125xi32, #tpu.memory_space<vmem>> -> memref<1x125xi32, #tpu.memory_space<vmem>>
        %dma_wait3A_361 = tpu.memref_squeeze %dma_wait3A_360 : memref<1x125xi32, #tpu.memory_space<vmem>> -> memref<125xi32, #tpu.memory_space<vmem>>
        %dma_wait3A_362 = arith.constant 0 : i32
        %dma_wait3A_363 = arith.constant 0 : i32
        %dma_wait3A_364 = tpu.memref_slice %arg10[%dma_wait3A_362, %dma_wait3A_363] : memref<10240x64xf32, #tpu.memory_space<vmem_shared>> -> memref<10240x64xf32, #tpu.memory_space<vmem_shared>>
        %dma_wait3A_365 = tpu.memref_slice %arg12[%dma_wait3A_354] : memref<5x!tpu.dma_semaphore, #tpu.memory_space<semaphore_mem>> -> memref<1x!tpu.dma_semaphore, #tpu.memory_space<semaphore_mem>>
        %dma_wait3A_366 = tpu.memref_squeeze %dma_wait3A_365 : memref<1x!tpu.dma_semaphore, #tpu.memory_space<semaphore_mem>> -> memref<!tpu.dma_semaphore, #tpu.memory_space<semaphore_mem>>
        tpu.wait_indirect_dma semaphore(%dma_wait3A_366 : memref<!tpu.dma_semaphore, #tpu.memory_space<semaphore_mem>>) src(%dma_wait3A_358 : memref<125x64xf32, #tpu.memory_space<vmem>>) dst(%dma_wait3A_364 : memref<10240x64xf32, #tpu.memory_space<vmem_shared>>)
      } else {
      }
      %add3A_218 = arith.constant 3 : i32
      %add3A_219 = arith.addi %add3A_208, %add3A_218 : i32
      %lt3A_220 = arith.constant 160 : i32
      %lt3A_221 = arith.cmpi slt, %add3A_219, %lt3A_220 : i32
      %convert_element_type3A_222 = arith.extui %lt3A_221 : i1 to i32
      %cond3A_223 = arith.constant 0 : i32
      %cond3A_224 = arith.cmpi ne, %convert_element_type3A_222, %cond3A_223 : i32
      scf.if %cond3A_224 {
        %add3A_349 = arith.constant 3 : i32
        %add3A_350 = arith.addi %add3A_208, %add3A_349 : i32
        %dma_start3A_351 = arith.constant 0 : i32
        %dma_start3A_352 = arith.constant 0 : i32
        %dma_start3A_353 = arith.constant 0 : i32
        %dma_start3A_354 = arith.constant 0 : i32
        %dma_start3A_355 = tpu.memref_slice %arg8[%dma_start3A_351, %dma_start3A_353, %dma_start3A_354] : memref<5x125x64xf32, #tpu.memory_space<vmem>> -> memref<1x125x64xf32, #tpu.memory_space<vmem>>
        %dma_start3A_356 = tpu.memref_squeeze %dma_start3A_355 : memref<1x125x64xf32, #tpu.memory_space<vmem>> -> memref<125x64xf32, #tpu.memory_space<vmem>>
        %dma_start3A_357 = arith.constant 0 : i32
        %dma_start3A_358 = tpu.memref_slice %arg6[%add3A_350, %dma_start3A_357] : memref<160x125xi32, #tpu.memory_space<vmem>> -> memref<1x125xi32, #tpu.memory_space<vmem>>
        %dma_start3A_359 = tpu.memref_squeeze %dma_start3A_358 : memref<1x125xi32, #tpu.memory_space<vmem>> -> memref<125xi32, #tpu.memory_space<vmem>>
        %dma_start3A_360 = arith.constant 0 : i32
        %dma_start3A_361 = arith.constant 0 : i32
        %dma_start3A_362 = tpu.memref_slice %arg2[%dma_start3A_360, %dma_start3A_361] : memref<20000x64xf32, #tpu.memory_space<hbm>> -> memref<20000x64xf32, #tpu.memory_space<hbm>>
        %dma_start3A_363 = tpu.memref_slice %arg11[%dma_start3A_352] : memref<5x!tpu.dma_semaphore, #tpu.memory_space<semaphore_mem>> -> memref<1x!tpu.dma_semaphore, #tpu.memory_space<semaphore_mem>>
        %dma_start3A_364 = tpu.memref_squeeze %dma_start3A_363 : memref<1x!tpu.dma_semaphore, #tpu.memory_space<semaphore_mem>> -> memref<!tpu.dma_semaphore, #tpu.memory_space<semaphore_mem>>
        tpu.enqueue_indirect_dma source(%dma_start3A_362 : memref<20000x64xf32, #tpu.memory_space<hbm>>) target(%dma_start3A_356 : memref<125x64xf32, #tpu.memory_space<vmem>>) offsets(%dma_start3A_359 : memref<125xi32, #tpu.memory_space<vmem>>) semaphore(%dma_start3A_364 : memref<!tpu.dma_semaphore, #tpu.memory_space<semaphore_mem>>)
      } else {
      }
      %dma_wait3A_225 = arith.constant 2 : i32
      %dma_wait3A_226 = arith.constant 2 : i32
      %dma_wait3A_227 = arith.constant 0 : i32
      %dma_wait3A_228 = arith.constant 0 : i32
      %dma_wait3A_229 = tpu.memref_slice %arg8[%dma_wait3A_225, %dma_wait3A_227, %dma_wait3A_228] : memref<5x125x64xf32, #tpu.memory_space<vmem>> -> memref<1x125x64xf32, #tpu.memory_space<vmem>>
      %dma_wait3A_230 = tpu.memref_squeeze %dma_wait3A_229 : memref<1x125x64xf32, #tpu.memory_space<vmem>> -> memref<125x64xf32, #tpu.memory_space<vmem>>
      %dma_wait3A_231 = arith.constant 0 : i32
      %dma_wait3A_232 = tpu.memref_slice %arg6[%add3A_208, %dma_wait3A_231] : memref<160x125xi32, #tpu.memory_space<vmem>> -> memref<1x125xi32, #tpu.memory_space<vmem>>
      %dma_wait3A_233 = tpu.memref_squeeze %dma_wait3A_232 : memref<1x125xi32, #tpu.memory_space<vmem>> -> memref<125xi32, #tpu.memory_space<vmem>>
      %dma_wait3A_234 = arith.constant 0 : i32
      %dma_wait3A_235 = arith.constant 0 : i32
      %dma_wait3A_236 = tpu.memref_slice %arg2[%dma_wait3A_234, %dma_wait3A_235] : memref<20000x64xf32, #tpu.memory_space<hbm>> -> memref<20000x64xf32, #tpu.memory_space<hbm>>
      %dma_wait3A_237 = tpu.memref_slice %arg11[%dma_wait3A_226] : memref<5x!tpu.dma_semaphore, #tpu.memory_space<semaphore_mem>> -> memref<1x!tpu.dma_semaphore, #tpu.memory_space<semaphore_mem>>
      %dma_wait3A_238 = tpu.memref_squeeze %dma_wait3A_237 : memref<1x!tpu.dma_semaphore, #tpu.memory_space<semaphore_mem>> -> memref<!tpu.dma_semaphore, #tpu.memory_space<semaphore_mem>>
      tpu.wait_indirect_dma semaphore(%dma_wait3A_238 : memref<!tpu.dma_semaphore, #tpu.memory_space<semaphore_mem>>) src(%dma_wait3A_236 : memref<20000x64xf32, #tpu.memory_space<hbm>>) dst(%dma_wait3A_230 : memref<125x64xf32, #tpu.memory_space<vmem>>)
      %dma_start3A_239 = arith.constant 2 : i32
      %dma_start3A_240 = arith.constant 2 : i32
      %dma_start3A_241 = arith.constant 0 : i32
      %dma_start3A_242 = arith.constant 0 : i32
      %dma_start3A_243 = tpu.memref_slice %arg8[%dma_start3A_239, %dma_start3A_241, %dma_start3A_242] : memref<5x125x64xf32, #tpu.memory_space<vmem>> -> memref<1x125x64xf32, #tpu.memory_space<vmem>>
      %dma_start3A_244 = tpu.memref_squeeze %dma_start3A_243 : memref<1x125x64xf32, #tpu.memory_space<vmem>> -> memref<125x64xf32, #tpu.memory_space<vmem>>
      %dma_start3A_245 = arith.constant 0 : i32
      %dma_start3A_246 = tpu.memref_slice %arg7[%add3A_208, %dma_start3A_245] : memref<160x125xi32, #tpu.memory_space<vmem>> -> memref<1x125xi32, #tpu.memory_space<vmem>>
      %dma_start3A_247 = tpu.memref_squeeze %dma_start3A_246 : memref<1x125xi32, #tpu.memory_space<vmem>> -> memref<125xi32, #tpu.memory_space<vmem>>
      %dma_start3A_248 = arith.constant 0 : i32
      %dma_start3A_249 = arith.constant 0 : i32
      %dma_start3A_250 = tpu.memref_slice %arg10[%dma_start3A_248, %dma_start3A_249] : memref<10240x64xf32, #tpu.memory_space<vmem_shared>> -> memref<10240x64xf32, #tpu.memory_space<vmem_shared>>
      %dma_start3A_251 = tpu.memref_slice %arg12[%dma_start3A_240] : memref<5x!tpu.dma_semaphore, #tpu.memory_space<semaphore_mem>> -> memref<1x!tpu.dma_semaphore, #tpu.memory_space<semaphore_mem>>
      %dma_start3A_252 = tpu.memref_squeeze %dma_start3A_251 : memref<1x!tpu.dma_semaphore, #tpu.memory_space<semaphore_mem>> -> memref<!tpu.dma_semaphore, #tpu.memory_space<semaphore_mem>>
      tpu.enqueue_indirect_dma source(%dma_start3A_244 : memref<125x64xf32, #tpu.memory_space<vmem>>) target(%dma_start3A_250 : memref<10240x64xf32, #tpu.memory_space<vmem_shared>>) offsets(%dma_start3A_247 : memref<125xi32, #tpu.memory_space<vmem>>) semaphore(%dma_start3A_252 : memref<!tpu.dma_semaphore, #tpu.memory_space<semaphore_mem>>) {add = true}
      %mul3A_253 = arith.constant 5 : i32
      %mul3A_254 = arith.muli %scan3A_113, %mul3A_253 : i32
      %add3A_255 = arith.constant 3 : i32
      %add3A_256 = arith.addi %mul3A_254, %add3A_255 : i32
      %add3A_257 = arith.constant 3 : i32
      %add3A_258 = arith.addi %add3A_256, %add3A_257 : i32
      %sub3A_259 = arith.constant 5 : i32
      %sub3A_260 = arith.subi %add3A_258, %sub3A_259 : i32
      %ge3A_261 = arith.constant 0 : i32
      %ge3A_262 = arith.cmpi sge, %sub3A_260, %ge3A_261 : i32
      %convert_element_type3A_263 = arith.extui %ge3A_262 : i1 to i32
      %cond3A_264 = arith.constant 0 : i32
      %cond3A_265 = arith.cmpi ne, %convert_element_type3A_263, %cond3A_264 : i32
      scf.if %cond3A_265 {
        %add3A_349 = arith.constant 3 : i32
        %add3A_350 = arith.addi %add3A_256, %add3A_349 : i32
        %sub3A_351 = arith.constant 5 : i32
        %sub3A_352 = arith.subi %add3A_350, %sub3A_351 : i32
        %dma_wait3A_353 = arith.constant 1 : i32
        %dma_wait3A_354 = arith.constant 1 : i32
        %dma_wait3A_355 = arith.constant 0 : i32
        %dma_wait3A_356 = arith.constant 0 : i32
        %dma_wait3A_357 = tpu.memref_slice %arg8[%dma_wait3A_353, %dma_wait3A_355, %dma_wait3A_356] : memref<5x125x64xf32, #tpu.memory_space<vmem>> -> memref<1x125x64xf32, #tpu.memory_space<vmem>>
        %dma_wait3A_358 = tpu.memref_squeeze %dma_wait3A_357 : memref<1x125x64xf32, #tpu.memory_space<vmem>> -> memref<125x64xf32, #tpu.memory_space<vmem>>
        %dma_wait3A_359 = arith.constant 0 : i32
        %dma_wait3A_360 = tpu.memref_slice %arg7[%sub3A_352, %dma_wait3A_359] : memref<160x125xi32, #tpu.memory_space<vmem>> -> memref<1x125xi32, #tpu.memory_space<vmem>>
        %dma_wait3A_361 = tpu.memref_squeeze %dma_wait3A_360 : memref<1x125xi32, #tpu.memory_space<vmem>> -> memref<125xi32, #tpu.memory_space<vmem>>
        %dma_wait3A_362 = arith.constant 0 : i32
        %dma_wait3A_363 = arith.constant 0 : i32
        %dma_wait3A_364 = tpu.memref_slice %arg10[%dma_wait3A_362, %dma_wait3A_363] : memref<10240x64xf32, #tpu.memory_space<vmem_shared>> -> memref<10240x64xf32, #tpu.memory_space<vmem_shared>>
        %dma_wait3A_365 = tpu.memref_slice %arg12[%dma_wait3A_354] : memref<5x!tpu.dma_semaphore, #tpu.memory_space<semaphore_mem>> -> memref<1x!tpu.dma_semaphore, #tpu.memory_space<semaphore_mem>>
        %dma_wait3A_366 = tpu.memref_squeeze %dma_wait3A_365 : memref<1x!tpu.dma_semaphore, #tpu.memory_space<semaphore_mem>> -> memref<!tpu.dma_semaphore, #tpu.memory_space<semaphore_mem>>
        tpu.wait_indirect_dma semaphore(%dma_wait3A_366 : memref<!tpu.dma_semaphore, #tpu.memory_space<semaphore_mem>>) src(%dma_wait3A_358 : memref<125x64xf32, #tpu.memory_space<vmem>>) dst(%dma_wait3A_364 : memref<10240x64xf32, #tpu.memory_space<vmem_shared>>)
      } else {
      }
      %add3A_266 = arith.constant 3 : i32
      %add3A_267 = arith.addi %add3A_256, %add3A_266 : i32
      %lt3A_268 = arith.constant 160 : i32
      %lt3A_269 = arith.cmpi slt, %add3A_267, %lt3A_268 : i32
      %convert_element_type3A_270 = arith.extui %lt3A_269 : i1 to i32
      %cond3A_271 = arith.constant 0 : i32
      %cond3A_272 = arith.cmpi ne, %convert_element_type3A_270, %cond3A_271 : i32
      scf.if %cond3A_272 {
        %add3A_349 = arith.constant 3 : i32
        %add3A_350 = arith.addi %add3A_256, %add3A_349 : i32
        %dma_start3A_351 = arith.constant 1 : i32
        %dma_start3A_352 = arith.constant 1 : i32
        %dma_start3A_353 = arith.constant 0 : i32
        %dma_start3A_354 = arith.constant 0 : i32
        %dma_start3A_355 = tpu.memref_slice %arg8[%dma_start3A_351, %dma_start3A_353, %dma_start3A_354] : memref<5x125x64xf32, #tpu.memory_space<vmem>> -> memref<1x125x64xf32, #tpu.memory_space<vmem>>
        %dma_start3A_356 = tpu.memref_squeeze %dma_start3A_355 : memref<1x125x64xf32, #tpu.memory_space<vmem>> -> memref<125x64xf32, #tpu.memory_space<vmem>>
        %dma_start3A_357 = arith.constant 0 : i32
        %dma_start3A_358 = tpu.memref_slice %arg6[%add3A_350, %dma_start3A_357] : memref<160x125xi32, #tpu.memory_space<vmem>> -> memref<1x125xi32, #tpu.memory_space<vmem>>
        %dma_start3A_359 = tpu.memref_squeeze %dma_start3A_358 : memref<1x125xi32, #tpu.memory_space<vmem>> -> memref<125xi32, #tpu.memory_space<vmem>>
        %dma_start3A_360 = arith.constant 0 : i32
        %dma_start3A_361 = arith.constant 0 : i32
        %dma_start3A_362 = tpu.memref_slice %arg2[%dma_start3A_360, %dma_start3A_361] : memref<20000x64xf32, #tpu.memory_space<hbm>> -> memref<20000x64xf32, #tpu.memory_space<hbm>>
        %dma_start3A_363 = tpu.memref_slice %arg11[%dma_start3A_352] : memref<5x!tpu.dma_semaphore, #tpu.memory_space<semaphore_mem>> -> memref<1x!tpu.dma_semaphore, #tpu.memory_space<semaphore_mem>>
        %dma_start3A_364 = tpu.memref_squeeze %dma_start3A_363 : memref<1x!tpu.dma_semaphore, #tpu.memory_space<semaphore_mem>> -> memref<!tpu.dma_semaphore, #tpu.memory_space<semaphore_mem>>
        tpu.enqueue_indirect_dma source(%dma_start3A_362 : memref<20000x64xf32, #tpu.memory_space<hbm>>) target(%dma_start3A_356 : memref<125x64xf32, #tpu.memory_space<vmem>>) offsets(%dma_start3A_359 : memref<125xi32, #tpu.memory_space<vmem>>) semaphore(%dma_start3A_364 : memref<!tpu.dma_semaphore, #tpu.memory_space<semaphore_mem>>)
      } else {
      }
      %dma_wait3A_273 = arith.constant 3 : i32
      %dma_wait3A_274 = arith.constant 3 : i32
      %dma_wait3A_275 = arith.constant 0 : i32
      %dma_wait3A_276 = arith.constant 0 : i32
      %dma_wait3A_277 = tpu.memref_slice %arg8[%dma_wait3A_273, %dma_wait3A_275, %dma_wait3A_276] : memref<5x125x64xf32, #tpu.memory_space<vmem>> -> memref<1x125x64xf32, #tpu.memory_space<vmem>>
      %dma_wait3A_278 = tpu.memref_squeeze %dma_wait3A_277 : memref<1x125x64xf32, #tpu.memory_space<vmem>> -> memref<125x64xf32, #tpu.memory_space<vmem>>
      %dma_wait3A_279 = arith.constant 0 : i32
      %dma_wait3A_280 = tpu.memref_slice %arg6[%add3A_256, %dma_wait3A_279] : memref<160x125xi32, #tpu.memory_space<vmem>> -> memref<1x125xi32, #tpu.memory_space<vmem>>
      %dma_wait3A_281 = tpu.memref_squeeze %dma_wait3A_280 : memref<1x125xi32, #tpu.memory_space<vmem>> -> memref<125xi32, #tpu.memory_space<vmem>>
      %dma_wait3A_282 = arith.constant 0 : i32
      %dma_wait3A_283 = arith.constant 0 : i32
      %dma_wait3A_284 = tpu.memref_slice %arg2[%dma_wait3A_282, %dma_wait3A_283] : memref<20000x64xf32, #tpu.memory_space<hbm>> -> memref<20000x64xf32, #tpu.memory_space<hbm>>
      %dma_wait3A_285 = tpu.memref_slice %arg11[%dma_wait3A_274] : memref<5x!tpu.dma_semaphore, #tpu.memory_space<semaphore_mem>> -> memref<1x!tpu.dma_semaphore, #tpu.memory_space<semaphore_mem>>
      %dma_wait3A_286 = tpu.memref_squeeze %dma_wait3A_285 : memref<1x!tpu.dma_semaphore, #tpu.memory_space<semaphore_mem>> -> memref<!tpu.dma_semaphore, #tpu.memory_space<semaphore_mem>>
      tpu.wait_indirect_dma semaphore(%dma_wait3A_286 : memref<!tpu.dma_semaphore, #tpu.memory_space<semaphore_mem>>) src(%dma_wait3A_284 : memref<20000x64xf32, #tpu.memory_space<hbm>>) dst(%dma_wait3A_278 : memref<125x64xf32, #tpu.memory_space<vmem>>)
      %dma_start3A_287 = arith.constant 3 : i32
      %dma_start3A_288 = arith.constant 3 : i32
      %dma_start3A_289 = arith.constant 0 : i32
      %dma_start3A_290 = arith.constant 0 : i32
      %dma_start3A_291 = tpu.memref_slice %arg8[%dma_start3A_287, %dma_start3A_289, %dma_start3A_290] : memref<5x125x64xf32, #tpu.memory_space<vmem>> -> memref<1x125x64xf32, #tpu.memory_space<vmem>>
      %dma_start3A_292 = tpu.memref_squeeze %dma_start3A_291 : memref<1x125x64xf32, #tpu.memory_space<vmem>> -> memref<125x64xf32, #tpu.memory_space<vmem>>
      %dma_start3A_293 = arith.constant 0 : i32
      %dma_start3A_294 = tpu.memref_slice %arg7[%add3A_256, %dma_start3A_293] : memref<160x125xi32, #tpu.memory_space<vmem>> -> memref<1x125xi32, #tpu.memory_space<vmem>>
      %dma_start3A_295 = tpu.memref_squeeze %dma_start3A_294 : memref<1x125xi32, #tpu.memory_space<vmem>> -> memref<125xi32, #tpu.memory_space<vmem>>
      %dma_start3A_296 = arith.constant 0 : i32
      %dma_start3A_297 = arith.constant 0 : i32
      %dma_start3A_298 = tpu.memref_slice %arg10[%dma_start3A_296, %dma_start3A_297] : memref<10240x64xf32, #tpu.memory_space<vmem_shared>> -> memref<10240x64xf32, #tpu.memory_space<vmem_shared>>
      %dma_start3A_299 = tpu.memref_slice %arg12[%dma_start3A_288] : memref<5x!tpu.dma_semaphore, #tpu.memory_space<semaphore_mem>> -> memref<1x!tpu.dma_semaphore, #tpu.memory_space<semaphore_mem>>
      %dma_start3A_300 = tpu.memref_squeeze %dma_start3A_299 : memref<1x!tpu.dma_semaphore, #tpu.memory_space<semaphore_mem>> -> memref<!tpu.dma_semaphore, #tpu.memory_space<semaphore_mem>>
      tpu.enqueue_indirect_dma source(%dma_start3A_292 : memref<125x64xf32, #tpu.memory_space<vmem>>) target(%dma_start3A_298 : memref<10240x64xf32, #tpu.memory_space<vmem_shared>>) offsets(%dma_start3A_295 : memref<125xi32, #tpu.memory_space<vmem>>) semaphore(%dma_start3A_300 : memref<!tpu.dma_semaphore, #tpu.memory_space<semaphore_mem>>) {add = true}
      %mul3A_301 = arith.constant 5 : i32
      %mul3A_302 = arith.muli %scan3A_113, %mul3A_301 : i32
      %add3A_303 = arith.constant 4 : i32
      %add3A_304 = arith.addi %mul3A_302, %add3A_303 : i32
      %add3A_305 = arith.constant 3 : i32
      %add3A_306 = arith.addi %add3A_304, %add3A_305 : i32
      %sub3A_307 = arith.constant 5 : i32
      %sub3A_308 = arith.subi %add3A_306, %sub3A_307 : i32
      %ge3A_309 = arith.constant 0 : i32
      %ge3A_310 = arith.cmpi sge, %sub3A_308, %ge3A_309 : i32
      %convert_element_type3A_311 = arith.extui %ge3A_310 : i1 to i32
      %cond3A_312 = arith.constant 0 : i32
      %cond3A_313 = arith.cmpi ne, %convert_element_type3A_311, %cond3A_312 : i32
      scf.if %cond3A_313 {
        %add3A_349 = arith.constant 3 : i32
        %add3A_350 = arith.addi %add3A_304, %add3A_349 : i32
        %sub3A_351 = arith.constant 5 : i32
        %sub3A_352 = arith.subi %add3A_350, %sub3A_351 : i32
        %dma_wait3A_353 = arith.constant 2 : i32
        %dma_wait3A_354 = arith.constant 2 : i32
        %dma_wait3A_355 = arith.constant 0 : i32
        %dma_wait3A_356 = arith.constant 0 : i32
        %dma_wait3A_357 = tpu.memref_slice %arg8[%dma_wait3A_353, %dma_wait3A_355, %dma_wait3A_356] : memref<5x125x64xf32, #tpu.memory_space<vmem>> -> memref<1x125x64xf32, #tpu.memory_space<vmem>>
        %dma_wait3A_358 = tpu.memref_squeeze %dma_wait3A_357 : memref<1x125x64xf32, #tpu.memory_space<vmem>> -> memref<125x64xf32, #tpu.memory_space<vmem>>
        %dma_wait3A_359 = arith.constant 0 : i32
        %dma_wait3A_360 = tpu.memref_slice %arg7[%sub3A_352, %dma_wait3A_359] : memref<160x125xi32, #tpu.memory_space<vmem>> -> memref<1x125xi32, #tpu.memory_space<vmem>>
        %dma_wait3A_361 = tpu.memref_squeeze %dma_wait3A_360 : memref<1x125xi32, #tpu.memory_space<vmem>> -> memref<125xi32, #tpu.memory_space<vmem>>
        %dma_wait3A_362 = arith.constant 0 : i32
        %dma_wait3A_363 = arith.constant 0 : i32
        %dma_wait3A_364 = tpu.memref_slice %arg10[%dma_wait3A_362, %dma_wait3A_363] : memref<10240x64xf32, #tpu.memory_space<vmem_shared>> -> memref<10240x64xf32, #tpu.memory_space<vmem_shared>>
        %dma_wait3A_365 = tpu.memref_slice %arg12[%dma_wait3A_354] : memref<5x!tpu.dma_semaphore, #tpu.memory_space<semaphore_mem>> -> memref<1x!tpu.dma_semaphore, #tpu.memory_space<semaphore_mem>>
        %dma_wait3A_366 = tpu.memref_squeeze %dma_wait3A_365 : memref<1x!tpu.dma_semaphore, #tpu.memory_space<semaphore_mem>> -> memref<!tpu.dma_semaphore, #tpu.memory_space<semaphore_mem>>
        tpu.wait_indirect_dma semaphore(%dma_wait3A_366 : memref<!tpu.dma_semaphore, #tpu.memory_space<semaphore_mem>>) src(%dma_wait3A_358 : memref<125x64xf32, #tpu.memory_space<vmem>>) dst(%dma_wait3A_364 : memref<10240x64xf32, #tpu.memory_space<vmem_shared>>)
      } else {
      }
      %add3A_314 = arith.constant 3 : i32
      %add3A_315 = arith.addi %add3A_304, %add3A_314 : i32
      %lt3A_316 = arith.constant 160 : i32
      %lt3A_317 = arith.cmpi slt, %add3A_315, %lt3A_316 : i32
      %convert_element_type3A_318 = arith.extui %lt3A_317 : i1 to i32
      %cond3A_319 = arith.constant 0 : i32
      %cond3A_320 = arith.cmpi ne, %convert_element_type3A_318, %cond3A_319 : i32
      scf.if %cond3A_320 {
        %add3A_349 = arith.constant 3 : i32
        %add3A_350 = arith.addi %add3A_304, %add3A_349 : i32
        %dma_start3A_351 = arith.constant 2 : i32
        %dma_start3A_352 = arith.constant 2 : i32
        %dma_start3A_353 = arith.constant 0 : i32
        %dma_start3A_354 = arith.constant 0 : i32
        %dma_start3A_355 = tpu.memref_slice %arg8[%dma_start3A_351, %dma_start3A_353, %dma_start3A_354] : memref<5x125x64xf32, #tpu.memory_space<vmem>> -> memref<1x125x64xf32, #tpu.memory_space<vmem>>
        %dma_start3A_356 = tpu.memref_squeeze %dma_start3A_355 : memref<1x125x64xf32, #tpu.memory_space<vmem>> -> memref<125x64xf32, #tpu.memory_space<vmem>>
        %dma_start3A_357 = arith.constant 0 : i32
        %dma_start3A_358 = tpu.memref_slice %arg6[%add3A_350, %dma_start3A_357] : memref<160x125xi32, #tpu.memory_space<vmem>> -> memref<1x125xi32, #tpu.memory_space<vmem>>
        %dma_start3A_359 = tpu.memref_squeeze %dma_start3A_358 : memref<1x125xi32, #tpu.memory_space<vmem>> -> memref<125xi32, #tpu.memory_space<vmem>>
        %dma_start3A_360 = arith.constant 0 : i32
        %dma_start3A_361 = arith.constant 0 : i32
        %dma_start3A_362 = tpu.memref_slice %arg2[%dma_start3A_360, %dma_start3A_361] : memref<20000x64xf32, #tpu.memory_space<hbm>> -> memref<20000x64xf32, #tpu.memory_space<hbm>>
        %dma_start3A_363 = tpu.memref_slice %arg11[%dma_start3A_352] : memref<5x!tpu.dma_semaphore, #tpu.memory_space<semaphore_mem>> -> memref<1x!tpu.dma_semaphore, #tpu.memory_space<semaphore_mem>>
        %dma_start3A_364 = tpu.memref_squeeze %dma_start3A_363 : memref<1x!tpu.dma_semaphore, #tpu.memory_space<semaphore_mem>> -> memref<!tpu.dma_semaphore, #tpu.memory_space<semaphore_mem>>
        tpu.enqueue_indirect_dma source(%dma_start3A_362 : memref<20000x64xf32, #tpu.memory_space<hbm>>) target(%dma_start3A_356 : memref<125x64xf32, #tpu.memory_space<vmem>>) offsets(%dma_start3A_359 : memref<125xi32, #tpu.memory_space<vmem>>) semaphore(%dma_start3A_364 : memref<!tpu.dma_semaphore, #tpu.memory_space<semaphore_mem>>)
      } else {
      }
      %dma_wait3A_321 = arith.constant 4 : i32
      %dma_wait3A_322 = arith.constant 4 : i32
      %dma_wait3A_323 = arith.constant 0 : i32
      %dma_wait3A_324 = arith.constant 0 : i32
      %dma_wait3A_325 = tpu.memref_slice %arg8[%dma_wait3A_321, %dma_wait3A_323, %dma_wait3A_324] : memref<5x125x64xf32, #tpu.memory_space<vmem>> -> memref<1x125x64xf32, #tpu.memory_space<vmem>>
      %dma_wait3A_326 = tpu.memref_squeeze %dma_wait3A_325 : memref<1x125x64xf32, #tpu.memory_space<vmem>> -> memref<125x64xf32, #tpu.memory_space<vmem>>
      %dma_wait3A_327 = arith.constant 0 : i32
      %dma_wait3A_328 = tpu.memref_slice %arg6[%add3A_304, %dma_wait3A_327] : memref<160x125xi32, #tpu.memory_space<vmem>> -> memref<1x125xi32, #tpu.memory_space<vmem>>
      %dma_wait3A_329 = tpu.memref_squeeze %dma_wait3A_328 : memref<1x125xi32, #tpu.memory_space<vmem>> -> memref<125xi32, #tpu.memory_space<vmem>>
      %dma_wait3A_330 = arith.constant 0 : i32
      %dma_wait3A_331 = arith.constant 0 : i32
      %dma_wait3A_332 = tpu.memref_slice %arg2[%dma_wait3A_330, %dma_wait3A_331] : memref<20000x64xf32, #tpu.memory_space<hbm>> -> memref<20000x64xf32, #tpu.memory_space<hbm>>
      %dma_wait3A_333 = tpu.memref_slice %arg11[%dma_wait3A_322] : memref<5x!tpu.dma_semaphore, #tpu.memory_space<semaphore_mem>> -> memref<1x!tpu.dma_semaphore, #tpu.memory_space<semaphore_mem>>
      %dma_wait3A_334 = tpu.memref_squeeze %dma_wait3A_333 : memref<1x!tpu.dma_semaphore, #tpu.memory_space<semaphore_mem>> -> memref<!tpu.dma_semaphore, #tpu.memory_space<semaphore_mem>>
      tpu.wait_indirect_dma semaphore(%dma_wait3A_334 : memref<!tpu.dma_semaphore, #tpu.memory_space<semaphore_mem>>) src(%dma_wait3A_332 : memref<20000x64xf32, #tpu.memory_space<hbm>>) dst(%dma_wait3A_326 : memref<125x64xf32, #tpu.memory_space<vmem>>)
      %dma_start3A_335 = arith.constant 4 : i32
      %dma_start3A_336 = arith.constant 4 : i32
      %dma_start3A_337 = arith.constant 0 : i32
      %dma_start3A_338 = arith.constant 0 : i32
      %dma_start3A_339 = tpu.memref_slice %arg8[%dma_start3A_335, %dma_start3A_337, %dma_start3A_338] : memref<5x125x64xf32, #tpu.memory_space<vmem>> -> memref<1x125x64xf32, #tpu.memory_space<vmem>>
      %dma_start3A_340 = tpu.memref_squeeze %dma_start3A_339 : memref<1x125x64xf32, #tpu.memory_space<vmem>> -> memref<125x64xf32, #tpu.memory_space<vmem>>
      %dma_start3A_341 = arith.constant 0 : i32
      %dma_start3A_342 = tpu.memref_slice %arg7[%add3A_304, %dma_start3A_341] : memref<160x125xi32, #tpu.memory_space<vmem>> -> memref<1x125xi32, #tpu.memory_space<vmem>>
      %dma_start3A_343 = tpu.memref_squeeze %dma_start3A_342 : memref<1x125xi32, #tpu.memory_space<vmem>> -> memref<125xi32, #tpu.memory_space<vmem>>
      %dma_start3A_344 = arith.constant 0 : i32
      %dma_start3A_345 = arith.constant 0 : i32
      %dma_start3A_346 = tpu.memref_slice %arg10[%dma_start3A_344, %dma_start3A_345] : memref<10240x64xf32, #tpu.memory_space<vmem_shared>> -> memref<10240x64xf32, #tpu.memory_space<vmem_shared>>
      %dma_start3A_347 = tpu.memref_slice %arg12[%dma_start3A_336] : memref<5x!tpu.dma_semaphore, #tpu.memory_space<semaphore_mem>> -> memref<1x!tpu.dma_semaphore, #tpu.memory_space<semaphore_mem>>
      %dma_start3A_348 = tpu.memref_squeeze %dma_start3A_347 : memref<1x!tpu.dma_semaphore, #tpu.memory_space<semaphore_mem>> -> memref<!tpu.dma_semaphore, #tpu.memory_space<semaphore_mem>>
      tpu.enqueue_indirect_dma source(%dma_start3A_340 : memref<125x64xf32, #tpu.memory_space<vmem>>) target(%dma_start3A_346 : memref<10240x64xf32, #tpu.memory_space<vmem_shared>>) offsets(%dma_start3A_343 : memref<125xi32, #tpu.memory_space<vmem>>) semaphore(%dma_start3A_348 : memref<!tpu.dma_semaphore, #tpu.memory_space<semaphore_mem>>) {add = true}
    }
    %scan3A_76 = arith.constant 32 : i32
    %dma_wait3A = arith.constant 3 : i32
    %dma_wait3A_77 = arith.constant 158 : i32
    %dma_wait3A_78 = arith.constant 3 : i32
    %dma_wait3A_79 = arith.constant 0 : i32
    %dma_wait3A_80 = arith.constant 0 : i32
    %dma_wait3A_81 = tpu.memref_slice %arg8[%dma_wait3A, %dma_wait3A_79, %dma_wait3A_80] : memref<5x125x64xf32, #tpu.memory_space<vmem>> -> memref<1x125x64xf32, #tpu.memory_space<vmem>>
    %dma_wait3A_82 = tpu.memref_squeeze %dma_wait3A_81 : memref<1x125x64xf32, #tpu.memory_space<vmem>> -> memref<125x64xf32, #tpu.memory_space<vmem>>
    %dma_wait3A_83 = arith.constant 0 : i32
    %dma_wait3A_84 = tpu.memref_slice %arg7[%dma_wait3A_77, %dma_wait3A_83] : memref<160x125xi32, #tpu.memory_space<vmem>> -> memref<1x125xi32, #tpu.memory_space<vmem>>
    %dma_wait3A_85 = tpu.memref_squeeze %dma_wait3A_84 : memref<1x125xi32, #tpu.memory_space<vmem>> -> memref<125xi32, #tpu.memory_space<vmem>>
    %dma_wait3A_86 = arith.constant 0 : i32
    %dma_wait3A_87 = arith.constant 0 : i32
    %dma_wait3A_88 = tpu.memref_slice %arg10[%dma_wait3A_86, %dma_wait3A_87] : memref<10240x64xf32, #tpu.memory_space<vmem_shared>> -> memref<10240x64xf32, #tpu.memory_space<vmem_shared>>
    %dma_wait3A_89 = tpu.memref_slice %arg12[%dma_wait3A_78] : memref<5x!tpu.dma_semaphore, #tpu.memory_space<semaphore_mem>> -> memref<1x!tpu.dma_semaphore, #tpu.memory_space<semaphore_mem>>
    %dma_wait3A_90 = tpu.memref_squeeze %dma_wait3A_89 : memref<1x!tpu.dma_semaphore, #tpu.memory_space<semaphore_mem>> -> memref<!tpu.dma_semaphore, #tpu.memory_space<semaphore_mem>>
    tpu.wait_indirect_dma semaphore(%dma_wait3A_90 : memref<!tpu.dma_semaphore, #tpu.memory_space<semaphore_mem>>) src(%dma_wait3A_82 : memref<125x64xf32, #tpu.memory_space<vmem>>) dst(%dma_wait3A_88 : memref<10240x64xf32, #tpu.memory_space<vmem_shared>>)
    %dma_wait3A_91 = arith.constant 4 : i32
    %dma_wait3A_92 = arith.constant 159 : i32
    %dma_wait3A_93 = arith.constant 4 : i32
    %dma_wait3A_94 = arith.constant 0 : i32
    %dma_wait3A_95 = arith.constant 0 : i32
    %dma_wait3A_96 = tpu.memref_slice %arg8[%dma_wait3A_91, %dma_wait3A_94, %dma_wait3A_95] : memref<5x125x64xf32, #tpu.memory_space<vmem>> -> memref<1x125x64xf32, #tpu.memory_space<vmem>>
    %dma_wait3A_97 = tpu.memref_squeeze %dma_wait3A_96 : memref<1x125x64xf32, #tpu.memory_space<vmem>> -> memref<125x64xf32, #tpu.memory_space<vmem>>
    %dma_wait3A_98 = arith.constant 0 : i32
    %dma_wait3A_99 = tpu.memref_slice %arg7[%dma_wait3A_92, %dma_wait3A_98] : memref<160x125xi32, #tpu.memory_space<vmem>> -> memref<1x125xi32, #tpu.memory_space<vmem>>
    %dma_wait3A_100 = tpu.memref_squeeze %dma_wait3A_99 : memref<1x125xi32, #tpu.memory_space<vmem>> -> memref<125xi32, #tpu.memory_space<vmem>>
    %dma_wait3A_101 = arith.constant 0 : i32
    %dma_wait3A_102 = arith.constant 0 : i32
    %dma_wait3A_103 = tpu.memref_slice %arg10[%dma_wait3A_101, %dma_wait3A_102] : memref<10240x64xf32, #tpu.memory_space<vmem_shared>> -> memref<10240x64xf32, #tpu.memory_space<vmem_shared>>
    %dma_wait3A_104 = tpu.memref_slice %arg12[%dma_wait3A_93] : memref<5x!tpu.dma_semaphore, #tpu.memory_space<semaphore_mem>> -> memref<1x!tpu.dma_semaphore, #tpu.memory_space<semaphore_mem>>
    %dma_wait3A_105 = tpu.memref_squeeze %dma_wait3A_104 : memref<1x!tpu.dma_semaphore, #tpu.memory_space<semaphore_mem>> -> memref<!tpu.dma_semaphore, #tpu.memory_space<semaphore_mem>>
    tpu.wait_indirect_dma semaphore(%dma_wait3A_105 : memref<!tpu.dma_semaphore, #tpu.memory_space<semaphore_mem>>) src(%dma_wait3A_97 : memref<125x64xf32, #tpu.memory_space<vmem>>) dst(%dma_wait3A_103 : memref<10240x64xf32, #tpu.memory_space<vmem_shared>>)
    %barrier3A_106 = arith.constant 0 : index
    tpu.barrier barrier_id(%barrier3A_106)
    %mul3A_107 = arith.constant 640 : i32
    %mul3A_108 = arith.muli %arg1, %mul3A_107 : i32
    %mul3A_109 = arith.constant 640 : i32
    %mul3A_110 = arith.muli %arg1, %mul3A_109 : i32
    %mul3A_111 = arith.constant 64 : i32
    %mul3A_112 = arith.muli %arg0, %mul3A_111 : i32
    "tpu.region"() ({
      %run_scoped3A = tpu.sem_alloc : memref<!tpu.dma_semaphore, #tpu.memory_space<semaphore_mem>>
      %dma_start3A_113 = tpu.memref_slice %arg5[%mul3A_110, %mul3A_112] : memref<10240x128xf32, #tpu.memory_space<hbm>> -> memref<640x64xf32, #tpu.memory_space<hbm>>
      %dma_start3A_114 = arith.constant 0 : i32
      %dma_start3A_115 = tpu.memref_slice %arg10[%mul3A_108, %dma_start3A_114] : memref<10240x64xf32, #tpu.memory_space<vmem_shared>> -> memref<640x64xf32, #tpu.memory_space<vmem_shared>>
      tpu.enqueue_dma source(%dma_start3A_115 : memref<640x64xf32, #tpu.memory_space<vmem_shared>>) target(%dma_start3A_113 : memref<640x64xf32, #tpu.memory_space<hbm>>) target_semaphore(%run_scoped3A : memref<!tpu.dma_semaphore, #tpu.memory_space<semaphore_mem>>)
      %dma_wait3A_116 = tpu.memref_slice %arg5[%mul3A_110, %mul3A_112] : memref<10240x128xf32, #tpu.memory_space<hbm>> -> memref<640x64xf32, #tpu.memory_space<hbm>>
      %dma_wait3A_117 = arith.constant 0 : i32
      %dma_wait3A_118 = tpu.memref_slice %arg10[%mul3A_108, %dma_wait3A_117] : memref<10240x64xf32, #tpu.memory_space<vmem_shared>> -> memref<640x64xf32, #tpu.memory_space<vmem_shared>>
      tpu.wait_dma2 semaphore(%run_scoped3A : memref<!tpu.dma_semaphore, #tpu.memory_space<semaphore_mem>>) src(%dma_wait3A_118 : memref<640x64xf32, #tpu.memory_space<vmem_shared>>) dst(%dma_wait3A_116 : memref<640x64xf32, #tpu.memory_space<hbm>>)
      tpu.yield
    }) : () -> ()
    return
  }
}

#map = affine_map<(d0, d1) -> (0, 0)>
module attributes {stable_mosaic.version = 14 : i64} {
  func.func @_deg_kernel(%arg0: i32, %arg1: i32, %arg2: memref<2560x125xi32, #tpu.memory_space<hbm>>, %arg3: memref<2x10240xf32, #tpu.memory_space<hbm>>, %arg4: memref<80x125xi32, #tpu.memory_space<vmem>>, %arg5: memref<128xf32, #tpu.memory_space<vmem>>, %arg6: memref<640xf32, #tpu.memory_space<vmem>>, %arg7: memref<10240xf32, #tpu.memory_space<vmem_shared>>, %arg8: memref<8x!tpu.dma_semaphore, #tpu.memory_space<semaphore_mem>>) attributes {dimension_semantics = [#tpu.dimension_semantics<core_parallel>, #tpu.dimension_semantics<subcore_parallel>], iteration_bounds = array<i64: 2, 16>, scalar_prefetch = 0 : i64, scratch_operands = 5 : i64, tpu.core_type = #tpu.core_type<sc_vector_subcore>, window_params = [{transform_indices = #map}, {transform_indices = #map}]} {
    %mul3A = arith.constant 2 : i32
    %mul3A_0 = arith.muli %arg1, %mul3A : i32
    %add3A = arith.addi %mul3A_0, %arg0 : i32
    %broadcast_in_dim3A = arith.constant 1.000000e+00 : f32
    %broadcast_in_dim3A_1 = vector.broadcast %broadcast_in_dim3A : f32 to vector<16xf32>
    %swap3A = arith.constant 0 : index
    %swap3A_2 = tpu.vector_load %arg5[%swap3A] {strides = array<i32>} : memref<128xf32, #tpu.memory_space<vmem>>, vector<16xf32>,
    %swap3A_3 = vector.shape_cast %swap3A_2 : vector<16xf32> to vector<16xf32>
    %swap3A_4 = vector.shape_cast %broadcast_in_dim3A_1 : vector<16xf32> to vector<16xf32>
    tpu.vector_store %arg5[%swap3A], %swap3A_4 {strides = array<i32>} : memref<128xf32, #tpu.memory_space<vmem>>, vector<16xf32>,
    %broadcast_in_dim3A_5 = arith.constant 1.000000e+00 : f32
    %broadcast_in_dim3A_6 = vector.broadcast %broadcast_in_dim3A_5 : f32 to vector<16xf32>
    %swap3A_7 = arith.constant 16 : index
    %swap3A_8 = tpu.vector_load %arg5[%swap3A_7] {strides = array<i32>} : memref<128xf32, #tpu.memory_space<vmem>>, vector<16xf32>,
    %swap3A_9 = vector.shape_cast %swap3A_8 : vector<16xf32> to vector<16xf32>
    %swap3A_10 = vector.shape_cast %broadcast_in_dim3A_6 : vector<16xf32> to vector<16xf32>
    tpu.vector_store %arg5[%swap3A_7], %swap3A_10 {strides = array<i32>} : memref<128xf32, #tpu.memory_space<vmem>>, vector<16xf32>,
    %broadcast_in_dim3A_11 = arith.constant 1.000000e+00 : f32
    %broadcast_in_dim3A_12 = vector.broadcast %broadcast_in_dim3A_11 : f32 to vector<16xf32>
    %swap3A_13 = arith.constant 32 : index
    %swap3A_14 = tpu.vector_load %arg5[%swap3A_13] {strides = array<i32>} : memref<128xf32, #tpu.memory_space<vmem>>, vector<16xf32>,
    %swap3A_15 = vector.shape_cast %swap3A_14 : vector<16xf32> to vector<16xf32>
    %swap3A_16 = vector.shape_cast %broadcast_in_dim3A_12 : vector<16xf32> to vector<16xf32>
    tpu.vector_store %arg5[%swap3A_13], %swap3A_16 {strides = array<i32>} : memref<128xf32, #tpu.memory_space<vmem>>, vector<16xf32>,
    %broadcast_in_dim3A_17 = arith.constant 1.000000e+00 : f32
    %broadcast_in_dim3A_18 = vector.broadcast %broadcast_in_dim3A_17 : f32 to vector<16xf32>
    %swap3A_19 = arith.constant 48 : index
    %swap3A_20 = tpu.vector_load %arg5[%swap3A_19] {strides = array<i32>} : memref<128xf32, #tpu.memory_space<vmem>>, vector<16xf32>,
    %swap3A_21 = vector.shape_cast %swap3A_20 : vector<16xf32> to vector<16xf32>
    %swap3A_22 = vector.shape_cast %broadcast_in_dim3A_18 : vector<16xf32> to vector<16xf32>
    tpu.vector_store %arg5[%swap3A_19], %swap3A_22 {strides = array<i32>} : memref<128xf32, #tpu.memory_space<vmem>>, vector<16xf32>,
    %broadcast_in_dim3A_23 = arith.constant 1.000000e+00 : f32
    %broadcast_in_dim3A_24 = vector.broadcast %broadcast_in_dim3A_23 : f32 to vector<16xf32>
    %swap3A_25 = arith.constant 64 : index
    %swap3A_26 = tpu.vector_load %arg5[%swap3A_25] {strides = array<i32>} : memref<128xf32, #tpu.memory_space<vmem>>, vector<16xf32>,
    %swap3A_27 = vector.shape_cast %swap3A_26 : vector<16xf32> to vector<16xf32>
    %swap3A_28 = vector.shape_cast %broadcast_in_dim3A_24 : vector<16xf32> to vector<16xf32>
    tpu.vector_store %arg5[%swap3A_25], %swap3A_28 {strides = array<i32>} : memref<128xf32, #tpu.memory_space<vmem>>, vector<16xf32>,
    %broadcast_in_dim3A_29 = arith.constant 1.000000e+00 : f32
    %broadcast_in_dim3A_30 = vector.broadcast %broadcast_in_dim3A_29 : f32 to vector<16xf32>
    %swap3A_31 = arith.constant 80 : index
    %swap3A_32 = tpu.vector_load %arg5[%swap3A_31] {strides = array<i32>} : memref<128xf32, #tpu.memory_space<vmem>>, vector<16xf32>,
    %swap3A_33 = vector.shape_cast %swap3A_32 : vector<16xf32> to vector<16xf32>
    %swap3A_34 = vector.shape_cast %broadcast_in_dim3A_30 : vector<16xf32> to vector<16xf32>
    tpu.vector_store %arg5[%swap3A_31], %swap3A_34 {strides = array<i32>} : memref<128xf32, #tpu.memory_space<vmem>>, vector<16xf32>,
    %broadcast_in_dim3A_35 = arith.constant 1.000000e+00 : f32
    %broadcast_in_dim3A_36 = vector.broadcast %broadcast_in_dim3A_35 : f32 to vector<16xf32>
    %swap3A_37 = arith.constant 96 : index
    %swap3A_38 = tpu.vector_load %arg5[%swap3A_37] {strides = array<i32>} : memref<128xf32, #tpu.memory_space<vmem>>, vector<16xf32>,
    %swap3A_39 = vector.shape_cast %swap3A_38 : vector<16xf32> to vector<16xf32>
    %swap3A_40 = vector.shape_cast %broadcast_in_dim3A_36 : vector<16xf32> to vector<16xf32>
    tpu.vector_store %arg5[%swap3A_37], %swap3A_40 {strides = array<i32>} : memref<128xf32, #tpu.memory_space<vmem>>, vector<16xf32>,
    %broadcast_in_dim3A_41 = arith.constant 1.000000e+00 : f32
    %broadcast_in_dim3A_42 = vector.broadcast %broadcast_in_dim3A_41 : f32 to vector<16xf32>
    %swap3A_43 = arith.constant 112 : index
    %swap3A_44 = tpu.vector_load %arg5[%swap3A_43] {strides = array<i32>} : memref<128xf32, #tpu.memory_space<vmem>>, vector<16xf32>,
    %swap3A_45 = vector.shape_cast %swap3A_44 : vector<16xf32> to vector<16xf32>
    %swap3A_46 = vector.shape_cast %broadcast_in_dim3A_42 : vector<16xf32> to vector<16xf32>
    tpu.vector_store %arg5[%swap3A_43], %swap3A_46 {strides = array<i32>} : memref<128xf32, #tpu.memory_space<vmem>>, vector<16xf32>,
    %broadcast_in_dim3A_47 = arith.constant 0.000000e+00 : f32
    %broadcast_in_dim3A_48 = vector.broadcast %broadcast_in_dim3A_47 : f32 to vector<16xf32>
    %swap3A_49 = arith.constant 0 : index
    %swap3A_50 = tpu.vector_load %arg6[%swap3A_49] {strides = array<i32>} : memref<640xf32, #tpu.memory_space<vmem>>, vector<16xf32>,
    %swap3A_51 = vector.shape_cast %swap3A_50 : vector<16xf32> to vector<16xf32>
    %swap3A_52 = vector.shape_cast %broadcast_in_dim3A_48 : vector<16xf32> to vector<16xf32>
    tpu.vector_store %arg6[%swap3A_49], %swap3A_52 {strides = array<i32>} : memref<640xf32, #tpu.memory_space<vmem>>, vector<16xf32>,
    %broadcast_in_dim3A_53 = arith.constant 0.000000e+00 : f32
    %broadcast_in_dim3A_54 = vector.broadcast %broadcast_in_dim3A_53 : f32 to vector<16xf32>
    %swap3A_55 = arith.constant 16 : index
    %swap3A_56 = tpu.vector_load %arg6[%swap3A_55] {strides = array<i32>} : memref<640xf32, #tpu.memory_space<vmem>>, vector<16xf32>,
    %swap3A_57 = vector.shape_cast %swap3A_56 : vector<16xf32> to vector<16xf32>
    %swap3A_58 = vector.shape_cast %broadcast_in_dim3A_54 : vector<16xf32> to vector<16xf32>
    tpu.vector_store %arg6[%swap3A_55], %swap3A_58 {strides = array<i32>} : memref<640xf32, #tpu.memory_space<vmem>>, vector<16xf32>,
    %broadcast_in_dim3A_59 = arith.constant 0.000000e+00 : f32
    %broadcast_in_dim3A_60 = vector.broadcast %broadcast_in_dim3A_59 : f32 to vector<16xf32>
    %swap3A_61 = arith.constant 32 : index
    %swap3A_62 = tpu.vector_load %arg6[%swap3A_61] {strides = array<i32>} : memref<640xf32, #tpu.memory_space<vmem>>, vector<16xf32>,
    %swap3A_63 = vector.shape_cast %swap3A_62 : vector<16xf32> to vector<16xf32>
    %swap3A_64 = vector.shape_cast %broadcast_in_dim3A_60 : vector<16xf32> to vector<16xf32>
    tpu.vector_store %arg6[%swap3A_61], %swap3A_64 {strides = array<i32>} : memref<640xf32, #tpu.memory_space<vmem>>, vector<16xf32>,
    %broadcast_in_dim3A_65 = arith.constant 0.000000e+00 : f32
    %broadcast_in_dim3A_66 = vector.broadcast %broadcast_in_dim3A_65 : f32 to vector<16xf32>
    %swap3A_67 = arith.constant 48 : index
    %swap3A_68 = tpu.vector_load %arg6[%swap3A_67] {strides = array<i32>} : memref<640xf32, #tpu.memory_space<vmem>>, vector<16xf32>,
    %swap3A_69 = vector.shape_cast %swap3A_68 : vector<16xf32> to vector<16xf32>
    %swap3A_70 = vector.shape_cast %broadcast_in_dim3A_66 : vector<16xf32> to vector<16xf32>
    tpu.vector_store %arg6[%swap3A_67], %swap3A_70 {strides = array<i32>} : memref<640xf32, #tpu.memory_space<vmem>>, vector<16xf32>,
    %broadcast_in_dim3A_71 = arith.constant 0.000000e+00 : f32
    %broadcast_in_dim3A_72 = vector.broadcast %broadcast_in_dim3A_71 : f32 to vector<16xf32>
    %swap3A_73 = arith.constant 64 : index
    %swap3A_74 = tpu.vector_load %arg6[%swap3A_73] {strides = array<i32>} : memref<640xf32, #tpu.memory_space<vmem>>, vector<16xf32>,
    %swap3A_75 = vector.shape_cast %swap3A_74 : vector<16xf32> to vector<16xf32>
    %swap3A_76 = vector.shape_cast %broadcast_in_dim3A_72 : vector<16xf32> to vector<16xf32>
    tpu.vector_store %arg6[%swap3A_73], %swap3A_76 {strides = array<i32>} : memref<640xf32, #tpu.memory_space<vmem>>, vector<16xf32>,
    %broadcast_in_dim3A_77 = arith.constant 0.000000e+00 : f32
    %broadcast_in_dim3A_78 = vector.broadcast %broadcast_in_dim3A_77 : f32 to vector<16xf32>
    %swap3A_79 = arith.constant 80 : index
    %swap3A_80 = tpu.vector_load %arg6[%swap3A_79] {strides = array<i32>} : memref<640xf32, #tpu.memory_space<vmem>>, vector<16xf32>,
    %swap3A_81 = vector.shape_cast %swap3A_80 : vector<16xf32> to vector<16xf32>
    %swap3A_82 = vector.shape_cast %broadcast_in_dim3A_78 : vector<16xf32> to vector<16xf32>
    tpu.vector_store %arg6[%swap3A_79], %swap3A_82 {strides = array<i32>} : memref<640xf32, #tpu.memory_space<vmem>>, vector<16xf32>,
    %broadcast_in_dim3A_83 = arith.constant 0.000000e+00 : f32
    %broadcast_in_dim3A_84 = vector.broadcast %broadcast_in_dim3A_83 : f32 to vector<16xf32>
    %swap3A_85 = arith.constant 96 : index
    %swap3A_86 = tpu.vector_load %arg6[%swap3A_85] {strides = array<i32>} : memref<640xf32, #tpu.memory_space<vmem>>, vector<16xf32>,
    %swap3A_87 = vector.shape_cast %swap3A_86 : vector<16xf32> to vector<16xf32>
    %swap3A_88 = vector.shape_cast %broadcast_in_dim3A_84 : vector<16xf32> to vector<16xf32>
    tpu.vector_store %arg6[%swap3A_85], %swap3A_88 {strides = array<i32>} : memref<640xf32, #tpu.memory_space<vmem>>, vector<16xf32>,
    %broadcast_in_dim3A_89 = arith.constant 0.000000e+00 : f32
    %broadcast_in_dim3A_90 = vector.broadcast %broadcast_in_dim3A_89 : f32 to vector<16xf32>
    %swap3A_91 = arith.constant 112 : index
    %swap3A_92 = tpu.vector_load %arg6[%swap3A_91] {strides = array<i32>} : memref<640xf32, #tpu.memory_space<vmem>>, vector<16xf32>,
    %swap3A_93 = vector.shape_cast %swap3A_92 : vector<16xf32> to vector<16xf32>
    %swap3A_94 = vector.shape_cast %broadcast_in_dim3A_90 : vector<16xf32> to vector<16xf32>
    tpu.vector_store %arg6[%swap3A_91], %swap3A_94 {strides = array<i32>} : memref<640xf32, #tpu.memory_space<vmem>>, vector<16xf32>,
    %broadcast_in_dim3A_95 = arith.constant 0.000000e+00 : f32
    %broadcast_in_dim3A_96 = vector.broadcast %broadcast_in_dim3A_95 : f32 to vector<16xf32>
    %swap3A_97 = arith.constant 128 : index
    %swap3A_98 = tpu.vector_load %arg6[%swap3A_97] {strides = array<i32>} : memref<640xf32, #tpu.memory_space<vmem>>, vector<16xf32>,
    %swap3A_99 = vector.shape_cast %swap3A_98 : vector<16xf32> to vector<16xf32>
    %swap3A_100 = vector.shape_cast %broadcast_in_dim3A_96 : vector<16xf32> to vector<16xf32>
    tpu.vector_store %arg6[%swap3A_97], %swap3A_100 {strides = array<i32>} : memref<640xf32, #tpu.memory_space<vmem>>, vector<16xf32>,
    %broadcast_in_dim3A_101 = arith.constant 0.000000e+00 : f32
    %broadcast_in_dim3A_102 = vector.broadcast %broadcast_in_dim3A_101 : f32 to vector<16xf32>
    %swap3A_103 = arith.constant 144 : index
    %swap3A_104 = tpu.vector_load %arg6[%swap3A_103] {strides = array<i32>} : memref<640xf32, #tpu.memory_space<vmem>>, vector<16xf32>,
    %swap3A_105 = vector.shape_cast %swap3A_104 : vector<16xf32> to vector<16xf32>
    %swap3A_106 = vector.shape_cast %broadcast_in_dim3A_102 : vector<16xf32> to vector<16xf32>
    tpu.vector_store %arg6[%swap3A_103], %swap3A_106 {strides = array<i32>} : memref<640xf32, #tpu.memory_space<vmem>>, vector<16xf32>,
    %broadcast_in_dim3A_107 = arith.constant 0.000000e+00 : f32
    %broadcast_in_dim3A_108 = vector.broadcast %broadcast_in_dim3A_107 : f32 to vector<16xf32>
    %swap3A_109 = arith.constant 160 : index
    %swap3A_110 = tpu.vector_load %arg6[%swap3A_109] {strides = array<i32>} : memref<640xf32, #tpu.memory_space<vmem>>, vector<16xf32>,
    %swap3A_111 = vector.shape_cast %swap3A_110 : vector<16xf32> to vector<16xf32>
    %swap3A_112 = vector.shape_cast %broadcast_in_dim3A_108 : vector<16xf32> to vector<16xf32>
    tpu.vector_store %arg6[%swap3A_109], %swap3A_112 {strides = array<i32>} : memref<640xf32, #tpu.memory_space<vmem>>, vector<16xf32>,
    %broadcast_in_dim3A_113 = arith.constant 0.000000e+00 : f32
    %broadcast_in_dim3A_114 = vector.broadcast %broadcast_in_dim3A_113 : f32 to vector<16xf32>
    %swap3A_115 = arith.constant 176 : index
    %swap3A_116 = tpu.vector_load %arg6[%swap3A_115] {strides = array<i32>} : memref<640xf32, #tpu.memory_space<vmem>>, vector<16xf32>,
    %swap3A_117 = vector.shape_cast %swap3A_116 : vector<16xf32> to vector<16xf32>
    %swap3A_118 = vector.shape_cast %broadcast_in_dim3A_114 : vector<16xf32> to vector<16xf32>
    tpu.vector_store %arg6[%swap3A_115], %swap3A_118 {strides = array<i32>} : memref<640xf32, #tpu.memory_space<vmem>>, vector<16xf32>,
    %broadcast_in_dim3A_119 = arith.constant 0.000000e+00 : f32
    %broadcast_in_dim3A_120 = vector.broadcast %broadcast_in_dim3A_119 : f32 to vector<16xf32>
    %swap3A_121 = arith.constant 192 : index
    %swap3A_122 = tpu.vector_load %arg6[%swap3A_121] {strides = array<i32>} : memref<640xf32, #tpu.memory_space<vmem>>, vector<16xf32>,
    %swap3A_123 = vector.shape_cast %swap3A_122 : vector<16xf32> to vector<16xf32>
    %swap3A_124 = vector.shape_cast %broadcast_in_dim3A_120 : vector<16xf32> to vector<16xf32>
    tpu.vector_store %arg6[%swap3A_121], %swap3A_124 {strides = array<i32>} : memref<640xf32, #tpu.memory_space<vmem>>, vector<16xf32>,
    %broadcast_in_dim3A_125 = arith.constant 0.000000e+00 : f32
    %broadcast_in_dim3A_126 = vector.broadcast %broadcast_in_dim3A_125 : f32 to vector<16xf32>
    %swap3A_127 = arith.constant 208 : index
    %swap3A_128 = tpu.vector_load %arg6[%swap3A_127] {strides = array<i32>} : memref<640xf32, #tpu.memory_space<vmem>>, vector<16xf32>,
    %swap3A_129 = vector.shape_cast %swap3A_128 : vector<16xf32> to vector<16xf32>
    %swap3A_130 = vector.shape_cast %broadcast_in_dim3A_126 : vector<16xf32> to vector<16xf32>
    tpu.vector_store %arg6[%swap3A_127], %swap3A_130 {strides = array<i32>} : memref<640xf32, #tpu.memory_space<vmem>>, vector<16xf32>,
    %broadcast_in_dim3A_131 = arith.constant 0.000000e+00 : f32
    %broadcast_in_dim3A_132 = vector.broadcast %broadcast_in_dim3A_131 : f32 to vector<16xf32>
    %swap3A_133 = arith.constant 224 : index
    %swap3A_134 = tpu.vector_load %arg6[%swap3A_133] {strides = array<i32>} : memref<640xf32, #tpu.memory_space<vmem>>, vector<16xf32>,
    %swap3A_135 = vector.shape_cast %swap3A_134 : vector<16xf32> to vector<16xf32>
    %swap3A_136 = vector.shape_cast %broadcast_in_dim3A_132 : vector<16xf32> to vector<16xf32>
    tpu.vector_store %arg6[%swap3A_133], %swap3A_136 {strides = array<i32>} : memref<640xf32, #tpu.memory_space<vmem>>, vector<16xf32>,
    %broadcast_in_dim3A_137 = arith.constant 0.000000e+00 : f32
    %broadcast_in_dim3A_138 = vector.broadcast %broadcast_in_dim3A_137 : f32 to vector<16xf32>
    %swap3A_139 = arith.constant 240 : index
    %swap3A_140 = tpu.vector_load %arg6[%swap3A_139] {strides = array<i32>} : memref<640xf32, #tpu.memory_space<vmem>>, vector<16xf32>,
    %swap3A_141 = vector.shape_cast %swap3A_140 : vector<16xf32> to vector<16xf32>
    %swap3A_142 = vector.shape_cast %broadcast_in_dim3A_138 : vector<16xf32> to vector<16xf32>
    tpu.vector_store %arg6[%swap3A_139], %swap3A_142 {strides = array<i32>} : memref<640xf32, #tpu.memory_space<vmem>>, vector<16xf32>,
    %broadcast_in_dim3A_143 = arith.constant 0.000000e+00 : f32
    %broadcast_in_dim3A_144 = vector.broadcast %broadcast_in_dim3A_143 : f32 to vector<16xf32>
    %swap3A_145 = arith.constant 256 : index
    %swap3A_146 = tpu.vector_load %arg6[%swap3A_145] {strides = array<i32>} : memref<640xf32, #tpu.memory_space<vmem>>, vector<16xf32>,
    %swap3A_147 = vector.shape_cast %swap3A_146 : vector<16xf32> to vector<16xf32>
    %swap3A_148 = vector.shape_cast %broadcast_in_dim3A_144 : vector<16xf32> to vector<16xf32>
    tpu.vector_store %arg6[%swap3A_145], %swap3A_148 {strides = array<i32>} : memref<640xf32, #tpu.memory_space<vmem>>, vector<16xf32>,
    %broadcast_in_dim3A_149 = arith.constant 0.000000e+00 : f32
    %broadcast_in_dim3A_150 = vector.broadcast %broadcast_in_dim3A_149 : f32 to vector<16xf32>
    %swap3A_151 = arith.constant 272 : index
    %swap3A_152 = tpu.vector_load %arg6[%swap3A_151] {strides = array<i32>} : memref<640xf32, #tpu.memory_space<vmem>>, vector<16xf32>,
    %swap3A_153 = vector.shape_cast %swap3A_152 : vector<16xf32> to vector<16xf32>
    %swap3A_154 = vector.shape_cast %broadcast_in_dim3A_150 : vector<16xf32> to vector<16xf32>
    tpu.vector_store %arg6[%swap3A_151], %swap3A_154 {strides = array<i32>} : memref<640xf32, #tpu.memory_space<vmem>>, vector<16xf32>,
    %broadcast_in_dim3A_155 = arith.constant 0.000000e+00 : f32
    %broadcast_in_dim3A_156 = vector.broadcast %broadcast_in_dim3A_155 : f32 to vector<16xf32>
    %swap3A_157 = arith.constant 288 : index
    %swap3A_158 = tpu.vector_load %arg6[%swap3A_157] {strides = array<i32>} : memref<640xf32, #tpu.memory_space<vmem>>, vector<16xf32>,
    %swap3A_159 = vector.shape_cast %swap3A_158 : vector<16xf32> to vector<16xf32>
    %swap3A_160 = vector.shape_cast %broadcast_in_dim3A_156 : vector<16xf32> to vector<16xf32>
    tpu.vector_store %arg6[%swap3A_157], %swap3A_160 {strides = array<i32>} : memref<640xf32, #tpu.memory_space<vmem>>, vector<16xf32>,
    %broadcast_in_dim3A_161 = arith.constant 0.000000e+00 : f32
    %broadcast_in_dim3A_162 = vector.broadcast %broadcast_in_dim3A_161 : f32 to vector<16xf32>
    %swap3A_163 = arith.constant 304 : index
    %swap3A_164 = tpu.vector_load %arg6[%swap3A_163] {strides = array<i32>} : memref<640xf32, #tpu.memory_space<vmem>>, vector<16xf32>,
    %swap3A_165 = vector.shape_cast %swap3A_164 : vector<16xf32> to vector<16xf32>
    %swap3A_166 = vector.shape_cast %broadcast_in_dim3A_162 : vector<16xf32> to vector<16xf32>
    tpu.vector_store %arg6[%swap3A_163], %swap3A_166 {strides = array<i32>} : memref<640xf32, #tpu.memory_space<vmem>>, vector<16xf32>,
    %broadcast_in_dim3A_167 = arith.constant 0.000000e+00 : f32
    %broadcast_in_dim3A_168 = vector.broadcast %broadcast_in_dim3A_167 : f32 to vector<16xf32>
    %swap3A_169 = arith.constant 320 : index
    %swap3A_170 = tpu.vector_load %arg6[%swap3A_169] {strides = array<i32>} : memref<640xf32, #tpu.memory_space<vmem>>, vector<16xf32>,
    %swap3A_171 = vector.shape_cast %swap3A_170 : vector<16xf32> to vector<16xf32>
    %swap3A_172 = vector.shape_cast %broadcast_in_dim3A_168 : vector<16xf32> to vector<16xf32>
    tpu.vector_store %arg6[%swap3A_169], %swap3A_172 {strides = array<i32>} : memref<640xf32, #tpu.memory_space<vmem>>, vector<16xf32>,
    %broadcast_in_dim3A_173 = arith.constant 0.000000e+00 : f32
    %broadcast_in_dim3A_174 = vector.broadcast %broadcast_in_dim3A_173 : f32 to vector<16xf32>
    %swap3A_175 = arith.constant 336 : index
    %swap3A_176 = tpu.vector_load %arg6[%swap3A_175] {strides = array<i32>} : memref<640xf32, #tpu.memory_space<vmem>>, vector<16xf32>,
    %swap3A_177 = vector.shape_cast %swap3A_176 : vector<16xf32> to vector<16xf32>
    %swap3A_178 = vector.shape_cast %broadcast_in_dim3A_174 : vector<16xf32> to vector<16xf32>
    tpu.vector_store %arg6[%swap3A_175], %swap3A_178 {strides = array<i32>} : memref<640xf32, #tpu.memory_space<vmem>>, vector<16xf32>,
    %broadcast_in_dim3A_179 = arith.constant 0.000000e+00 : f32
    %broadcast_in_dim3A_180 = vector.broadcast %broadcast_in_dim3A_179 : f32 to vector<16xf32>
    %swap3A_181 = arith.constant 352 : index
    %swap3A_182 = tpu.vector_load %arg6[%swap3A_181] {strides = array<i32>} : memref<640xf32, #tpu.memory_space<vmem>>, vector<16xf32>,
    %swap3A_183 = vector.shape_cast %swap3A_182 : vector<16xf32> to vector<16xf32>
    %swap3A_184 = vector.shape_cast %broadcast_in_dim3A_180 : vector<16xf32> to vector<16xf32>
    tpu.vector_store %arg6[%swap3A_181], %swap3A_184 {strides = array<i32>} : memref<640xf32, #tpu.memory_space<vmem>>, vector<16xf32>,
    %broadcast_in_dim3A_185 = arith.constant 0.000000e+00 : f32
    %broadcast_in_dim3A_186 = vector.broadcast %broadcast_in_dim3A_185 : f32 to vector<16xf32>
    %swap3A_187 = arith.constant 368 : index
    %swap3A_188 = tpu.vector_load %arg6[%swap3A_187] {strides = array<i32>} : memref<640xf32, #tpu.memory_space<vmem>>, vector<16xf32>,
    %swap3A_189 = vector.shape_cast %swap3A_188 : vector<16xf32> to vector<16xf32>
    %swap3A_190 = vector.shape_cast %broadcast_in_dim3A_186 : vector<16xf32> to vector<16xf32>
    tpu.vector_store %arg6[%swap3A_187], %swap3A_190 {strides = array<i32>} : memref<640xf32, #tpu.memory_space<vmem>>, vector<16xf32>,
    %broadcast_in_dim3A_191 = arith.constant 0.000000e+00 : f32
    %broadcast_in_dim3A_192 = vector.broadcast %broadcast_in_dim3A_191 : f32 to vector<16xf32>
    %swap3A_193 = arith.constant 384 : index
    %swap3A_194 = tpu.vector_load %arg6[%swap3A_193] {strides = array<i32>} : memref<640xf32, #tpu.memory_space<vmem>>, vector<16xf32>,
    %swap3A_195 = vector.shape_cast %swap3A_194 : vector<16xf32> to vector<16xf32>
    %swap3A_196 = vector.shape_cast %broadcast_in_dim3A_192 : vector<16xf32> to vector<16xf32>
    tpu.vector_store %arg6[%swap3A_193], %swap3A_196 {strides = array<i32>} : memref<640xf32, #tpu.memory_space<vmem>>, vector<16xf32>,
    %broadcast_in_dim3A_197 = arith.constant 0.000000e+00 : f32
    %broadcast_in_dim3A_198 = vector.broadcast %broadcast_in_dim3A_197 : f32 to vector<16xf32>
    %swap3A_199 = arith.constant 400 : index
    %swap3A_200 = tpu.vector_load %arg6[%swap3A_199] {strides = array<i32>} : memref<640xf32, #tpu.memory_space<vmem>>, vector<16xf32>,
    %swap3A_201 = vector.shape_cast %swap3A_200 : vector<16xf32> to vector<16xf32>
    %swap3A_202 = vector.shape_cast %broadcast_in_dim3A_198 : vector<16xf32> to vector<16xf32>
    tpu.vector_store %arg6[%swap3A_199], %swap3A_202 {strides = array<i32>} : memref<640xf32, #tpu.memory_space<vmem>>, vector<16xf32>,
    %broadcast_in_dim3A_203 = arith.constant 0.000000e+00 : f32
    %broadcast_in_dim3A_204 = vector.broadcast %broadcast_in_dim3A_203 : f32 to vector<16xf32>
    %swap3A_205 = arith.constant 416 : index
    %swap3A_206 = tpu.vector_load %arg6[%swap3A_205] {strides = array<i32>} : memref<640xf32, #tpu.memory_space<vmem>>, vector<16xf32>,
    %swap3A_207 = vector.shape_cast %swap3A_206 : vector<16xf32> to vector<16xf32>
    %swap3A_208 = vector.shape_cast %broadcast_in_dim3A_204 : vector<16xf32> to vector<16xf32>
    tpu.vector_store %arg6[%swap3A_205], %swap3A_208 {strides = array<i32>} : memref<640xf32, #tpu.memory_space<vmem>>, vector<16xf32>,
    %broadcast_in_dim3A_209 = arith.constant 0.000000e+00 : f32
    %broadcast_in_dim3A_210 = vector.broadcast %broadcast_in_dim3A_209 : f32 to vector<16xf32>
    %swap3A_211 = arith.constant 432 : index
    %swap3A_212 = tpu.vector_load %arg6[%swap3A_211] {strides = array<i32>} : memref<640xf32, #tpu.memory_space<vmem>>, vector<16xf32>,
    %swap3A_213 = vector.shape_cast %swap3A_212 : vector<16xf32> to vector<16xf32>
    %swap3A_214 = vector.shape_cast %broadcast_in_dim3A_210 : vector<16xf32> to vector<16xf32>
    tpu.vector_store %arg6[%swap3A_211], %swap3A_214 {strides = array<i32>} : memref<640xf32, #tpu.memory_space<vmem>>, vector<16xf32>,
    %broadcast_in_dim3A_215 = arith.constant 0.000000e+00 : f32
    %broadcast_in_dim3A_216 = vector.broadcast %broadcast_in_dim3A_215 : f32 to vector<16xf32>
    %swap3A_217 = arith.constant 448 : index
    %swap3A_218 = tpu.vector_load %arg6[%swap3A_217] {strides = array<i32>} : memref<640xf32, #tpu.memory_space<vmem>>, vector<16xf32>,
    %swap3A_219 = vector.shape_cast %swap3A_218 : vector<16xf32> to vector<16xf32>
    %swap3A_220 = vector.shape_cast %broadcast_in_dim3A_216 : vector<16xf32> to vector<16xf32>
    tpu.vector_store %arg6[%swap3A_217], %swap3A_220 {strides = array<i32>} : memref<640xf32, #tpu.memory_space<vmem>>, vector<16xf32>,
    %broadcast_in_dim3A_221 = arith.constant 0.000000e+00 : f32
    %broadcast_in_dim3A_222 = vector.broadcast %broadcast_in_dim3A_221 : f32 to vector<16xf32>
    %swap3A_223 = arith.constant 464 : index
    %swap3A_224 = tpu.vector_load %arg6[%swap3A_223] {strides = array<i32>} : memref<640xf32, #tpu.memory_space<vmem>>, vector<16xf32>,
    %swap3A_225 = vector.shape_cast %swap3A_224 : vector<16xf32> to vector<16xf32>
    %swap3A_226 = vector.shape_cast %broadcast_in_dim3A_222 : vector<16xf32> to vector<16xf32>
    tpu.vector_store %arg6[%swap3A_223], %swap3A_226 {strides = array<i32>} : memref<640xf32, #tpu.memory_space<vmem>>, vector<16xf32>,
    %broadcast_in_dim3A_227 = arith.constant 0.000000e+00 : f32
    %broadcast_in_dim3A_228 = vector.broadcast %broadcast_in_dim3A_227 : f32 to vector<16xf32>
    %swap3A_229 = arith.constant 480 : index
    %swap3A_230 = tpu.vector_load %arg6[%swap3A_229] {strides = array<i32>} : memref<640xf32, #tpu.memory_space<vmem>>, vector<16xf32>,
    %swap3A_231 = vector.shape_cast %swap3A_230 : vector<16xf32> to vector<16xf32>
    %swap3A_232 = vector.shape_cast %broadcast_in_dim3A_228 : vector<16xf32> to vector<16xf32>
    tpu.vector_store %arg6[%swap3A_229], %swap3A_232 {strides = array<i32>} : memref<640xf32, #tpu.memory_space<vmem>>, vector<16xf32>,
    %broadcast_in_dim3A_233 = arith.constant 0.000000e+00 : f32
    %broadcast_in_dim3A_234 = vector.broadcast %broadcast_in_dim3A_233 : f32 to vector<16xf32>
    %swap3A_235 = arith.constant 496 : index
    %swap3A_236 = tpu.vector_load %arg6[%swap3A_235] {strides = array<i32>} : memref<640xf32, #tpu.memory_space<vmem>>, vector<16xf32>,
    %swap3A_237 = vector.shape_cast %swap3A_236 : vector<16xf32> to vector<16xf32>
    %swap3A_238 = vector.shape_cast %broadcast_in_dim3A_234 : vector<16xf32> to vector<16xf32>
    tpu.vector_store %arg6[%swap3A_235], %swap3A_238 {strides = array<i32>} : memref<640xf32, #tpu.memory_space<vmem>>, vector<16xf32>,
    %broadcast_in_dim3A_239 = arith.constant 0.000000e+00 : f32
    %broadcast_in_dim3A_240 = vector.broadcast %broadcast_in_dim3A_239 : f32 to vector<16xf32>
    %swap3A_241 = arith.constant 512 : index
    %swap3A_242 = tpu.vector_load %arg6[%swap3A_241] {strides = array<i32>} : memref<640xf32, #tpu.memory_space<vmem>>, vector<16xf32>,
    %swap3A_243 = vector.shape_cast %swap3A_242 : vector<16xf32> to vector<16xf32>
    %swap3A_244 = vector.shape_cast %broadcast_in_dim3A_240 : vector<16xf32> to vector<16xf32>
    tpu.vector_store %arg6[%swap3A_241], %swap3A_244 {strides = array<i32>} : memref<640xf32, #tpu.memory_space<vmem>>, vector<16xf32>,
    %broadcast_in_dim3A_245 = arith.constant 0.000000e+00 : f32
    %broadcast_in_dim3A_246 = vector.broadcast %broadcast_in_dim3A_245 : f32 to vector<16xf32>
    %swap3A_247 = arith.constant 528 : index
    %swap3A_248 = tpu.vector_load %arg6[%swap3A_247] {strides = array<i32>} : memref<640xf32, #tpu.memory_space<vmem>>, vector<16xf32>,
    %swap3A_249 = vector.shape_cast %swap3A_248 : vector<16xf32> to vector<16xf32>
    %swap3A_250 = vector.shape_cast %broadcast_in_dim3A_246 : vector<16xf32> to vector<16xf32>
    tpu.vector_store %arg6[%swap3A_247], %swap3A_250 {strides = array<i32>} : memref<640xf32, #tpu.memory_space<vmem>>, vector<16xf32>,
    %broadcast_in_dim3A_251 = arith.constant 0.000000e+00 : f32
    %broadcast_in_dim3A_252 = vector.broadcast %broadcast_in_dim3A_251 : f32 to vector<16xf32>
    %swap3A_253 = arith.constant 544 : index
    %swap3A_254 = tpu.vector_load %arg6[%swap3A_253] {strides = array<i32>} : memref<640xf32, #tpu.memory_space<vmem>>, vector<16xf32>,
    %swap3A_255 = vector.shape_cast %swap3A_254 : vector<16xf32> to vector<16xf32>
    %swap3A_256 = vector.shape_cast %broadcast_in_dim3A_252 : vector<16xf32> to vector<16xf32>
    tpu.vector_store %arg6[%swap3A_253], %swap3A_256 {strides = array<i32>} : memref<640xf32, #tpu.memory_space<vmem>>, vector<16xf32>,
    %broadcast_in_dim3A_257 = arith.constant 0.000000e+00 : f32
    %broadcast_in_dim3A_258 = vector.broadcast %broadcast_in_dim3A_257 : f32 to vector<16xf32>
    %swap3A_259 = arith.constant 560 : index
    %swap3A_260 = tpu.vector_load %arg6[%swap3A_259] {strides = array<i32>} : memref<640xf32, #tpu.memory_space<vmem>>, vector<16xf32>,
    %swap3A_261 = vector.shape_cast %swap3A_260 : vector<16xf32> to vector<16xf32>
    %swap3A_262 = vector.shape_cast %broadcast_in_dim3A_258 : vector<16xf32> to vector<16xf32>
    tpu.vector_store %arg6[%swap3A_259], %swap3A_262 {strides = array<i32>} : memref<640xf32, #tpu.memory_space<vmem>>, vector<16xf32>,
    %broadcast_in_dim3A_263 = arith.constant 0.000000e+00 : f32
    %broadcast_in_dim3A_264 = vector.broadcast %broadcast_in_dim3A_263 : f32 to vector<16xf32>
    %swap3A_265 = arith.constant 576 : index
    %swap3A_266 = tpu.vector_load %arg6[%swap3A_265] {strides = array<i32>} : memref<640xf32, #tpu.memory_space<vmem>>, vector<16xf32>,
    %swap3A_267 = vector.shape_cast %swap3A_266 : vector<16xf32> to vector<16xf32>
    %swap3A_268 = vector.shape_cast %broadcast_in_dim3A_264 : vector<16xf32> to vector<16xf32>
    tpu.vector_store %arg6[%swap3A_265], %swap3A_268 {strides = array<i32>} : memref<640xf32, #tpu.memory_space<vmem>>, vector<16xf32>,
    %broadcast_in_dim3A_269 = arith.constant 0.000000e+00 : f32
    %broadcast_in_dim3A_270 = vector.broadcast %broadcast_in_dim3A_269 : f32 to vector<16xf32>
    %swap3A_271 = arith.constant 592 : index
    %swap3A_272 = tpu.vector_load %arg6[%swap3A_271] {strides = array<i32>} : memref<640xf32, #tpu.memory_space<vmem>>, vector<16xf32>,
    %swap3A_273 = vector.shape_cast %swap3A_272 : vector<16xf32> to vector<16xf32>
    %swap3A_274 = vector.shape_cast %broadcast_in_dim3A_270 : vector<16xf32> to vector<16xf32>
    tpu.vector_store %arg6[%swap3A_271], %swap3A_274 {strides = array<i32>} : memref<640xf32, #tpu.memory_space<vmem>>, vector<16xf32>,
    %broadcast_in_dim3A_275 = arith.constant 0.000000e+00 : f32
    %broadcast_in_dim3A_276 = vector.broadcast %broadcast_in_dim3A_275 : f32 to vector<16xf32>
    %swap3A_277 = arith.constant 608 : index
    %swap3A_278 = tpu.vector_load %arg6[%swap3A_277] {strides = array<i32>} : memref<640xf32, #tpu.memory_space<vmem>>, vector<16xf32>,
    %swap3A_279 = vector.shape_cast %swap3A_278 : vector<16xf32> to vector<16xf32>
    %swap3A_280 = vector.shape_cast %broadcast_in_dim3A_276 : vector<16xf32> to vector<16xf32>
    tpu.vector_store %arg6[%swap3A_277], %swap3A_280 {strides = array<i32>} : memref<640xf32, #tpu.memory_space<vmem>>, vector<16xf32>,
    %broadcast_in_dim3A_281 = arith.constant 0.000000e+00 : f32
    %broadcast_in_dim3A_282 = vector.broadcast %broadcast_in_dim3A_281 : f32 to vector<16xf32>
    %swap3A_283 = arith.constant 624 : index
    %swap3A_284 = tpu.vector_load %arg6[%swap3A_283] {strides = array<i32>} : memref<640xf32, #tpu.memory_space<vmem>>, vector<16xf32>,
    %swap3A_285 = vector.shape_cast %swap3A_284 : vector<16xf32> to vector<16xf32>
    %swap3A_286 = vector.shape_cast %broadcast_in_dim3A_282 : vector<16xf32> to vector<16xf32>
    tpu.vector_store %arg6[%swap3A_283], %swap3A_286 {strides = array<i32>} : memref<640xf32, #tpu.memory_space<vmem>>, vector<16xf32>,
    %mul3A_287 = arith.constant 640 : i32
    %mul3A_288 = arith.muli %arg1, %mul3A_287 : i32
    "tpu.region"() ({
      %run_scoped3A = tpu.sem_alloc : memref<!tpu.dma_semaphore, #tpu.memory_space<semaphore_mem>>
      %dma_start3A = tpu.memref_slice %arg7[%mul3A_288] : memref<10240xf32, #tpu.memory_space<vmem_shared>> -> memref<640xf32, #tpu.memory_space<vmem_shared>>
      %dma_start3A_388 = tpu.memref_slice %arg7[%mul3A_288] : memref<10240xf32, #tpu.memory_space<vmem_shared>> -> memref<640xf32, #tpu.memory_space<vmem_shared>>
      tpu.enqueue_dma source(%arg6 : memref<640xf32, #tpu.memory_space<vmem>>) target(%dma_start3A_388 : memref<640xf32, #tpu.memory_space<vmem_shared>>) target_semaphore(%run_scoped3A : memref<!tpu.dma_semaphore, #tpu.memory_space<semaphore_mem>>)
      %dma_wait3A_389 = tpu.memref_slice %arg7[%mul3A_288] : memref<10240xf32, #tpu.memory_space<vmem_shared>> -> memref<640xf32, #tpu.memory_space<vmem_shared>>
      %dma_wait3A_390 = tpu.memref_slice %arg7[%mul3A_288] : memref<10240xf32, #tpu.memory_space<vmem_shared>> -> memref<640xf32, #tpu.memory_space<vmem_shared>>
      tpu.wait_dma2 semaphore(%run_scoped3A : memref<!tpu.dma_semaphore, #tpu.memory_space<semaphore_mem>>) src(%arg6 : memref<640xf32, #tpu.memory_space<vmem>>) dst(%dma_wait3A_390 : memref<640xf32, #tpu.memory_space<vmem_shared>>)
      tpu.yield
    }) : () -> ()
    %mul3A_289 = arith.constant 80 : i32
    %mul3A_290 = arith.muli %add3A, %mul3A_289 : i32
    "tpu.region"() ({
      %run_scoped3A = tpu.sem_alloc : memref<!tpu.dma_semaphore, #tpu.memory_space<semaphore_mem>>
      %dma_start3A = arith.constant 0 : i32
      %dma_start3A_388 = tpu.memref_slice %arg2[%mul3A_290, %dma_start3A] : memref<2560x125xi32, #tpu.memory_space<hbm>> -> memref<80x125xi32, #tpu.memory_space<hbm>>
      %dma_start3A_389 = arith.constant 0 : i32
      %dma_start3A_390 = tpu.memref_slice %arg2[%mul3A_290, %dma_start3A_389] : memref<2560x125xi32, #tpu.memory_space<hbm>> -> memref<80x125xi32, #tpu.memory_space<hbm>>
      tpu.enqueue_dma source(%dma_start3A_390 : memref<80x125xi32, #tpu.memory_space<hbm>>) target(%arg4 : memref<80x125xi32, #tpu.memory_space<vmem>>) target_semaphore(%run_scoped3A : memref<!tpu.dma_semaphore, #tpu.memory_space<semaphore_mem>>)
      %dma_wait3A_391 = arith.constant 0 : i32
      %dma_wait3A_392 = tpu.memref_slice %arg2[%mul3A_290, %dma_wait3A_391] : memref<2560x125xi32, #tpu.memory_space<hbm>> -> memref<80x125xi32, #tpu.memory_space<hbm>>
      %dma_wait3A_393 = arith.constant 0 : i32
      %dma_wait3A_394 = tpu.memref_slice %arg2[%mul3A_290, %dma_wait3A_393] : memref<2560x125xi32, #tpu.memory_space<hbm>> -> memref<80x125xi32, #tpu.memory_space<hbm>>
      tpu.wait_dma2 semaphore(%run_scoped3A : memref<!tpu.dma_semaphore, #tpu.memory_space<semaphore_mem>>) src(%dma_wait3A_394 : memref<80x125xi32, #tpu.memory_space<hbm>>) dst(%arg4 : memref<80x125xi32, #tpu.memory_space<vmem>>)
      tpu.yield
    }) : () -> ()
    %barrier3A = arith.constant 0 : index
    tpu.barrier barrier_id(%barrier3A)
    %scan3A = arith.constant 0 : i32
    %scan3A_291 = arith.constant 0 : i32
    %scan3A_292 = arith.constant 80 : i32
    %scan3A_293 = arith.addi %scan3A_291, %scan3A_292 : i32
    %scan3A_294 = arith.constant 1 : i32
    scf.for %scan3A_388 = %scan3A_291 to %scan3A_293 step %scan3A_294  : i32 {
      %ge3A = arith.constant 8 : i32
      %ge3A_389 = arith.cmpi sge, %scan3A_388, %ge3A : i32
      %convert_element_type3A = arith.extui %ge3A_389 : i1 to i32
      %cond3A = arith.constant 0 : i32
      %cond3A_390 = arith.cmpi ne, %convert_element_type3A, %cond3A : i32
      scf.if %cond3A_390 {
        %sub3A = arith.constant 8 : i32
        %sub3A_408 = arith.subi %scan3A_388, %sub3A : i32
        %jit3A_409 = arith.constant 8 : i32
        %eq3A_410 = arith.constant 0 : i32
        %eq3A_411 = arith.cmpi eq, %jit3A_409, %eq3A_410 : i32
        %jit3A_412 = arith.constant 1 : i32
        %select_n3A_413 = arith.select %eq3A_411, %jit3A_412, %jit3A_409 : i32
        %rem3A_414 = arith.remsi %sub3A_408, %select_n3A_413 : i32
        %ne3A_415 = arith.constant 0 : i32
        %ne3A_416 = arith.cmpi ne, %rem3A_414, %ne3A_415 : i32
        %lt3A_417 = arith.constant 0 : i32
        %lt3A_418 = arith.cmpi slt, %rem3A_414, %lt3A_417 : i32
        %lt3A_419 = arith.constant 0 : i32
        %lt3A_420 = arith.cmpi slt, %select_n3A_413, %lt3A_419 : i32
        %ne3A_421 = arith.xori %lt3A_418, %lt3A_420 : i1
        %and3A_422 = arith.andi %ne3A_421, %ne3A_416 : i1
        %add3A_423 = arith.addi %rem3A_414, %select_n3A_413 : i32
        %select_n3A_424 = arith.select %and3A_422, %add3A_423, %rem3A_414 : i32
        %dma_wait3A_425 = arith.constant 0 : i32
        %dma_wait3A_426 = tpu.memref_slice %arg5[%dma_wait3A_425] : memref<128xf32, #tpu.memory_space<vmem>> -> memref<125xf32, #tpu.memory_space<vmem>>
        %dma_wait3A_427 = arith.constant 0 : i32
        %dma_wait3A_428 = tpu.memref_slice %arg4[%sub3A_408, %dma_wait3A_427] : memref<80x125xi32, #tpu.memory_space<vmem>> -> memref<1x125xi32, #tpu.memory_space<vmem>>
        %dma_wait3A_429 = tpu.memref_squeeze %dma_wait3A_428 : memref<1x125xi32, #tpu.memory_space<vmem>> -> memref<125xi32, #tpu.memory_space<vmem>>
        %dma_wait3A_430 = arith.constant 0 : i32
        %dma_wait3A_431 = tpu.memref_slice %arg7[%dma_wait3A_430] : memref<10240xf32, #tpu.memory_space<vmem_shared>> -> memref<10240xf32, #tpu.memory_space<vmem_shared>>
        %dma_wait3A_432 = tpu.memref_slice %arg8[%select_n3A_424] : memref<8x!tpu.dma_semaphore, #tpu.memory_space<semaphore_mem>> -> memref<1x!tpu.dma_semaphore, #tpu.memory_space<semaphore_mem>>
        %dma_wait3A_433 = tpu.memref_squeeze %dma_wait3A_432 : memref<1x!tpu.dma_semaphore, #tpu.memory_space<semaphore_mem>> -> memref<!tpu.dma_semaphore, #tpu.memory_space<semaphore_mem>>
        tpu.wait_indirect_dma semaphore(%dma_wait3A_433 : memref<!tpu.dma_semaphore, #tpu.memory_space<semaphore_mem>>) src(%dma_wait3A_426 : memref<125xf32, #tpu.memory_space<vmem>>) dst(%dma_wait3A_431 : memref<10240xf32, #tpu.memory_space<vmem_shared>>)
      } else {
      }
      %jit3A = arith.constant 8 : i32
      %eq3A = arith.constant 0 : i32
      %eq3A_391 = arith.cmpi eq, %jit3A, %eq3A : i32
      %jit3A_392 = arith.constant 1 : i32
      %select_n3A = arith.select %eq3A_391, %jit3A_392, %jit3A : i32
      %rem3A = arith.remsi %scan3A_388, %select_n3A : i32
      %ne3A = arith.constant 0 : i32
      %ne3A_393 = arith.cmpi ne, %rem3A, %ne3A : i32
      %lt3A = arith.constant 0 : i32
      %lt3A_394 = arith.cmpi slt, %rem3A, %lt3A : i32
      %lt3A_395 = arith.constant 0 : i32
      %lt3A_396 = arith.cmpi slt, %select_n3A, %lt3A_395 : i32
      %ne3A_397 = arith.xori %lt3A_394, %lt3A_396 : i1
      %and3A = arith.andi %ne3A_397, %ne3A_393 : i1
      %add3A_398 = arith.addi %rem3A, %select_n3A : i32
      %select_n3A_399 = arith.select %and3A, %add3A_398, %rem3A : i32
      %dma_start3A = arith.constant 0 : i32
      %dma_start3A_400 = tpu.memref_slice %arg5[%dma_start3A] : memref<128xf32, #tpu.memory_space<vmem>> -> memref<125xf32, #tpu.memory_space<vmem>>
      %dma_start3A_401 = arith.constant 0 : i32
      %dma_start3A_402 = tpu.memref_slice %arg4[%scan3A_388, %dma_start3A_401] : memref<80x125xi32, #tpu.memory_space<vmem>> -> memref<1x125xi32, #tpu.memory_space<vmem>>
      %dma_start3A_403 = tpu.memref_squeeze %dma_start3A_402 : memref<1x125xi32, #tpu.memory_space<vmem>> -> memref<125xi32, #tpu.memory_space<vmem>>
      %dma_start3A_404 = arith.constant 0 : i32
      %dma_start3A_405 = tpu.memref_slice %arg7[%dma_start3A_404] : memref<10240xf32, #tpu.memory_space<vmem_shared>> -> memref<10240xf32, #tpu.memory_space<vmem_shared>>
      %dma_start3A_406 = tpu.memref_slice %arg8[%select_n3A_399] : memref<8x!tpu.dma_semaphore, #tpu.memory_space<semaphore_mem>> -> memref<1x!tpu.dma_semaphore, #tpu.memory_space<semaphore_mem>>
      %dma_start3A_407 = tpu.memref_squeeze %dma_start3A_406 : memref<1x!tpu.dma_semaphore, #tpu.memory_space<semaphore_mem>> -> memref<!tpu.dma_semaphore, #tpu.memory_space<semaphore_mem>>
      tpu.enqueue_indirect_dma source(%dma_start3A_400 : memref<125xf32, #tpu.memory_space<vmem>>) target(%dma_start3A_405 : memref<10240xf32, #tpu.memory_space<vmem_shared>>) offsets(%dma_start3A_403 : memref<125xi32, #tpu.memory_space<vmem>>) semaphore(%dma_start3A_407 : memref<!tpu.dma_semaphore, #tpu.memory_space<semaphore_mem>>) {add = true}
    }
    %scan3A_295 = arith.constant 80 : i32
    %dma_wait3A = arith.constant 72 : i32
    %dma_wait3A_296 = arith.constant 0 : i32
    %dma_wait3A_297 = arith.constant 0 : i32
    %dma_wait3A_298 = tpu.memref_slice %arg5[%dma_wait3A_297] : memref<128xf32, #tpu.memory_space<vmem>> -> memref<125xf32, #tpu.memory_space<vmem>>
    %dma_wait3A_299 = arith.constant 0 : i32
    %dma_wait3A_300 = tpu.memref_slice %arg4[%dma_wait3A, %dma_wait3A_299] : memref<80x125xi32, #tpu.memory_space<vmem>> -> memref<1x125xi32, #tpu.memory_space<vmem>>
    %dma_wait3A_301 = tpu.memref_squeeze %dma_wait3A_300 : memref<1x125xi32, #tpu.memory_space<vmem>> -> memref<125xi32, #tpu.memory_space<vmem>>
    %dma_wait3A_302 = arith.constant 0 : i32
    %dma_wait3A_303 = tpu.memref_slice %arg7[%dma_wait3A_302] : memref<10240xf32, #tpu.memory_space<vmem_shared>> -> memref<10240xf32, #tpu.memory_space<vmem_shared>>
    %dma_wait3A_304 = tpu.memref_slice %arg8[%dma_wait3A_296] : memref<8x!tpu.dma_semaphore, #tpu.memory_space<semaphore_mem>> -> memref<1x!tpu.dma_semaphore, #tpu.memory_space<semaphore_mem>>
    %dma_wait3A_305 = tpu.memref_squeeze %dma_wait3A_304 : memref<1x!tpu.dma_semaphore, #tpu.memory_space<semaphore_mem>> -> memref<!tpu.dma_semaphore, #tpu.memory_space<semaphore_mem>>
    tpu.wait_indirect_dma semaphore(%dma_wait3A_305 : memref<!tpu.dma_semaphore, #tpu.memory_space<semaphore_mem>>) src(%dma_wait3A_298 : memref<125xf32, #tpu.memory_space<vmem>>) dst(%dma_wait3A_303 : memref<10240xf32, #tpu.memory_space<vmem_shared>>)
    %dma_wait3A_306 = arith.constant 73 : i32
    %dma_wait3A_307 = arith.constant 1 : i32
    %dma_wait3A_308 = arith.constant 0 : i32
    %dma_wait3A_309 = tpu.memref_slice %arg5[%dma_wait3A_308] : memref<128xf32, #tpu.memory_space<vmem>> -> memref<125xf32, #tpu.memory_space<vmem>>
    %dma_wait3A_310 = arith.constant 0 : i32
    %dma_wait3A_311 = tpu.memref_slice %arg4[%dma_wait3A_306, %dma_wait3A_310] : memref<80x125xi32, #tpu.memory_space<vmem>> -> memref<1x125xi32, #tpu.memory_space<vmem>>
    %dma_wait3A_312 = tpu.memref_squeeze %dma_wait3A_311 : memref<1x125xi32, #tpu.memory_space<vmem>> -> memref<125xi32, #tpu.memory_space<vmem>>
    %dma_wait3A_313 = arith.constant 0 : i32
    %dma_wait3A_314 = tpu.memref_slice %arg7[%dma_wait3A_313] : memref<10240xf32, #tpu.memory_space<vmem_shared>> -> memref<10240xf32, #tpu.memory_space<vmem_shared>>
    %dma_wait3A_315 = tpu.memref_slice %arg8[%dma_wait3A_307] : memref<8x!tpu.dma_semaphore, #tpu.memory_space<semaphore_mem>> -> memref<1x!tpu.dma_semaphore, #tpu.memory_space<semaphore_mem>>
    %dma_wait3A_316 = tpu.memref_squeeze %dma_wait3A_315 : memref<1x!tpu.dma_semaphore, #tpu.memory_space<semaphore_mem>> -> memref<!tpu.dma_semaphore, #tpu.memory_space<semaphore_mem>>
    tpu.wait_indirect_dma semaphore(%dma_wait3A_316 : memref<!tpu.dma_semaphore, #tpu.memory_space<semaphore_mem>>) src(%dma_wait3A_309 : memref<125xf32, #tpu.memory_space<vmem>>) dst(%dma_wait3A_314 : memref<10240xf32, #tpu.memory_space<vmem_shared>>)
    %dma_wait3A_317 = arith.constant 74 : i32
    %dma_wait3A_318 = arith.constant 2 : i32
    %dma_wait3A_319 = arith.constant 0 : i32
    %dma_wait3A_320 = tpu.memref_slice %arg5[%dma_wait3A_319] : memref<128xf32, #tpu.memory_space<vmem>> -> memref<125xf32, #tpu.memory_space<vmem>>
    %dma_wait3A_321 = arith.constant 0 : i32
    %dma_wait3A_322 = tpu.memref_slice %arg4[%dma_wait3A_317, %dma_wait3A_321] : memref<80x125xi32, #tpu.memory_space<vmem>> -> memref<1x125xi32, #tpu.memory_space<vmem>>
    %dma_wait3A_323 = tpu.memref_squeeze %dma_wait3A_322 : memref<1x125xi32, #tpu.memory_space<vmem>> -> memref<125xi32, #tpu.memory_space<vmem>>
    %dma_wait3A_324 = arith.constant 0 : i32
    %dma_wait3A_325 = tpu.memref_slice %arg7[%dma_wait3A_324] : memref<10240xf32, #tpu.memory_space<vmem_shared>> -> memref<10240xf32, #tpu.memory_space<vmem_shared>>
    %dma_wait3A_326 = tpu.memref_slice %arg8[%dma_wait3A_318] : memref<8x!tpu.dma_semaphore, #tpu.memory_space<semaphore_mem>> -> memref<1x!tpu.dma_semaphore, #tpu.memory_space<semaphore_mem>>
    %dma_wait3A_327 = tpu.memref_squeeze %dma_wait3A_326 : memref<1x!tpu.dma_semaphore, #tpu.memory_space<semaphore_mem>> -> memref<!tpu.dma_semaphore, #tpu.memory_space<semaphore_mem>>
    tpu.wait_indirect_dma semaphore(%dma_wait3A_327 : memref<!tpu.dma_semaphore, #tpu.memory_space<semaphore_mem>>) src(%dma_wait3A_320 : memref<125xf32, #tpu.memory_space<vmem>>) dst(%dma_wait3A_325 : memref<10240xf32, #tpu.memory_space<vmem_shared>>)
    %dma_wait3A_328 = arith.constant 75 : i32
    %dma_wait3A_329 = arith.constant 3 : i32
    %dma_wait3A_330 = arith.constant 0 : i32
    %dma_wait3A_331 = tpu.memref_slice %arg5[%dma_wait3A_330] : memref<128xf32, #tpu.memory_space<vmem>> -> memref<125xf32, #tpu.memory_space<vmem>>
    %dma_wait3A_332 = arith.constant 0 : i32
    %dma_wait3A_333 = tpu.memref_slice %arg4[%dma_wait3A_328, %dma_wait3A_332] : memref<80x125xi32, #tpu.memory_space<vmem>> -> memref<1x125xi32, #tpu.memory_space<vmem>>
    %dma_wait3A_334 = tpu.memref_squeeze %dma_wait3A_333 : memref<1x125xi32, #tpu.memory_space<vmem>> -> memref<125xi32, #tpu.memory_space<vmem>>
    %dma_wait3A_335 = arith.constant 0 : i32
    %dma_wait3A_336 = tpu.memref_slice %arg7[%dma_wait3A_335] : memref<10240xf32, #tpu.memory_space<vmem_shared>> -> memref<10240xf32, #tpu.memory_space<vmem_shared>>
    %dma_wait3A_337 = tpu.memref_slice %arg8[%dma_wait3A_329] : memref<8x!tpu.dma_semaphore, #tpu.memory_space<semaphore_mem>> -> memref<1x!tpu.dma_semaphore, #tpu.memory_space<semaphore_mem>>
    %dma_wait3A_338 = tpu.memref_squeeze %dma_wait3A_337 : memref<1x!tpu.dma_semaphore, #tpu.memory_space<semaphore_mem>> -> memref<!tpu.dma_semaphore, #tpu.memory_space<semaphore_mem>>
    tpu.wait_indirect_dma semaphore(%dma_wait3A_338 : memref<!tpu.dma_semaphore, #tpu.memory_space<semaphore_mem>>) src(%dma_wait3A_331 : memref<125xf32, #tpu.memory_space<vmem>>) dst(%dma_wait3A_336 : memref<10240xf32, #tpu.memory_space<vmem_shared>>)
    %dma_wait3A_339 = arith.constant 76 : i32
    %dma_wait3A_340 = arith.constant 4 : i32
    %dma_wait3A_341 = arith.constant 0 : i32
    %dma_wait3A_342 = tpu.memref_slice %arg5[%dma_wait3A_341] : memref<128xf32, #tpu.memory_space<vmem>> -> memref<125xf32, #tpu.memory_space<vmem>>
    %dma_wait3A_343 = arith.constant 0 : i32
    %dma_wait3A_344 = tpu.memref_slice %arg4[%dma_wait3A_339, %dma_wait3A_343] : memref<80x125xi32, #tpu.memory_space<vmem>> -> memref<1x125xi32, #tpu.memory_space<vmem>>
    %dma_wait3A_345 = tpu.memref_squeeze %dma_wait3A_344 : memref<1x125xi32, #tpu.memory_space<vmem>> -> memref<125xi32, #tpu.memory_space<vmem>>
    %dma_wait3A_346 = arith.constant 0 : i32
    %dma_wait3A_347 = tpu.memref_slice %arg7[%dma_wait3A_346] : memref<10240xf32, #tpu.memory_space<vmem_shared>> -> memref<10240xf32, #tpu.memory_space<vmem_shared>>
    %dma_wait3A_348 = tpu.memref_slice %arg8[%dma_wait3A_340] : memref<8x!tpu.dma_semaphore, #tpu.memory_space<semaphore_mem>> -> memref<1x!tpu.dma_semaphore, #tpu.memory_space<semaphore_mem>>
    %dma_wait3A_349 = tpu.memref_squeeze %dma_wait3A_348 : memref<1x!tpu.dma_semaphore, #tpu.memory_space<semaphore_mem>> -> memref<!tpu.dma_semaphore, #tpu.memory_space<semaphore_mem>>
    tpu.wait_indirect_dma semaphore(%dma_wait3A_349 : memref<!tpu.dma_semaphore, #tpu.memory_space<semaphore_mem>>) src(%dma_wait3A_342 : memref<125xf32, #tpu.memory_space<vmem>>) dst(%dma_wait3A_347 : memref<10240xf32, #tpu.memory_space<vmem_shared>>)
    %dma_wait3A_350 = arith.constant 77 : i32
    %dma_wait3A_351 = arith.constant 5 : i32
    %dma_wait3A_352 = arith.constant 0 : i32
    %dma_wait3A_353 = tpu.memref_slice %arg5[%dma_wait3A_352] : memref<128xf32, #tpu.memory_space<vmem>> -> memref<125xf32, #tpu.memory_space<vmem>>
    %dma_wait3A_354 = arith.constant 0 : i32
    %dma_wait3A_355 = tpu.memref_slice %arg4[%dma_wait3A_350, %dma_wait3A_354] : memref<80x125xi32, #tpu.memory_space<vmem>> -> memref<1x125xi32, #tpu.memory_space<vmem>>
    %dma_wait3A_356 = tpu.memref_squeeze %dma_wait3A_355 : memref<1x125xi32, #tpu.memory_space<vmem>> -> memref<125xi32, #tpu.memory_space<vmem>>
    %dma_wait3A_357 = arith.constant 0 : i32
    %dma_wait3A_358 = tpu.memref_slice %arg7[%dma_wait3A_357] : memref<10240xf32, #tpu.memory_space<vmem_shared>> -> memref<10240xf32, #tpu.memory_space<vmem_shared>>
    %dma_wait3A_359 = tpu.memref_slice %arg8[%dma_wait3A_351] : memref<8x!tpu.dma_semaphore, #tpu.memory_space<semaphore_mem>> -> memref<1x!tpu.dma_semaphore, #tpu.memory_space<semaphore_mem>>
    %dma_wait3A_360 = tpu.memref_squeeze %dma_wait3A_359 : memref<1x!tpu.dma_semaphore, #tpu.memory_space<semaphore_mem>> -> memref<!tpu.dma_semaphore, #tpu.memory_space<semaphore_mem>>
    tpu.wait_indirect_dma semaphore(%dma_wait3A_360 : memref<!tpu.dma_semaphore, #tpu.memory_space<semaphore_mem>>) src(%dma_wait3A_353 : memref<125xf32, #tpu.memory_space<vmem>>) dst(%dma_wait3A_358 : memref<10240xf32, #tpu.memory_space<vmem_shared>>)
    %dma_wait3A_361 = arith.constant 78 : i32
    %dma_wait3A_362 = arith.constant 6 : i32
    %dma_wait3A_363 = arith.constant 0 : i32
    %dma_wait3A_364 = tpu.memref_slice %arg5[%dma_wait3A_363] : memref<128xf32, #tpu.memory_space<vmem>> -> memref<125xf32, #tpu.memory_space<vmem>>
    %dma_wait3A_365 = arith.constant 0 : i32
    %dma_wait3A_366 = tpu.memref_slice %arg4[%dma_wait3A_361, %dma_wait3A_365] : memref<80x125xi32, #tpu.memory_space<vmem>> -> memref<1x125xi32, #tpu.memory_space<vmem>>
    %dma_wait3A_367 = tpu.memref_squeeze %dma_wait3A_366 : memref<1x125xi32, #tpu.memory_space<vmem>> -> memref<125xi32, #tpu.memory_space<vmem>>
    %dma_wait3A_368 = arith.constant 0 : i32
    %dma_wait3A_369 = tpu.memref_slice %arg7[%dma_wait3A_368] : memref<10240xf32, #tpu.memory_space<vmem_shared>> -> memref<10240xf32, #tpu.memory_space<vmem_shared>>
    %dma_wait3A_370 = tpu.memref_slice %arg8[%dma_wait3A_362] : memref<8x!tpu.dma_semaphore, #tpu.memory_space<semaphore_mem>> -> memref<1x!tpu.dma_semaphore, #tpu.memory_space<semaphore_mem>>
    %dma_wait3A_371 = tpu.memref_squeeze %dma_wait3A_370 : memref<1x!tpu.dma_semaphore, #tpu.memory_space<semaphore_mem>> -> memref<!tpu.dma_semaphore, #tpu.memory_space<semaphore_mem>>
    tpu.wait_indirect_dma semaphore(%dma_wait3A_371 : memref<!tpu.dma_semaphore, #tpu.memory_space<semaphore_mem>>) src(%dma_wait3A_364 : memref<125xf32, #tpu.memory_space<vmem>>) dst(%dma_wait3A_369 : memref<10240xf32, #tpu.memory_space<vmem_shared>>)
    %dma_wait3A_372 = arith.constant 79 : i32
    %dma_wait3A_373 = arith.constant 7 : i32
    %dma_wait3A_374 = arith.constant 0 : i32
    %dma_wait3A_375 = tpu.memref_slice %arg5[%dma_wait3A_374] : memref<128xf32, #tpu.memory_space<vmem>> -> memref<125xf32, #tpu.memory_space<vmem>>
    %dma_wait3A_376 = arith.constant 0 : i32
    %dma_wait3A_377 = tpu.memref_slice %arg4[%dma_wait3A_372, %dma_wait3A_376] : memref<80x125xi32, #tpu.memory_space<vmem>> -> memref<1x125xi32, #tpu.memory_space<vmem>>
    %dma_wait3A_378 = tpu.memref_squeeze %dma_wait3A_377 : memref<1x125xi32, #tpu.memory_space<vmem>> -> memref<125xi32, #tpu.memory_space<vmem>>
    %dma_wait3A_379 = arith.constant 0 : i32
    %dma_wait3A_380 = tpu.memref_slice %arg7[%dma_wait3A_379] : memref<10240xf32, #tpu.memory_space<vmem_shared>> -> memref<10240xf32, #tpu.memory_space<vmem_shared>>
    %dma_wait3A_381 = tpu.memref_slice %arg8[%dma_wait3A_373] : memref<8x!tpu.dma_semaphore, #tpu.memory_space<semaphore_mem>> -> memref<1x!tpu.dma_semaphore, #tpu.memory_space<semaphore_mem>>
    %dma_wait3A_382 = tpu.memref_squeeze %dma_wait3A_381 : memref<1x!tpu.dma_semaphore, #tpu.memory_space<semaphore_mem>> -> memref<!tpu.dma_semaphore, #tpu.memory_space<semaphore_mem>>
    tpu.wait_indirect_dma semaphore(%dma_wait3A_382 : memref<!tpu.dma_semaphore, #tpu.memory_space<semaphore_mem>>) src(%dma_wait3A_375 : memref<125xf32, #tpu.memory_space<vmem>>) dst(%dma_wait3A_380 : memref<10240xf32, #tpu.memory_space<vmem_shared>>)
    %barrier3A_383 = arith.constant 0 : index
    tpu.barrier barrier_id(%barrier3A_383)
    %mul3A_384 = arith.constant 640 : i32
    %mul3A_385 = arith.muli %arg1, %mul3A_384 : i32
    "tpu.region"() ({
      %run_scoped3A = tpu.sem_alloc : memref<!tpu.dma_semaphore, #tpu.memory_space<semaphore_mem>>
      %dma_start3A = tpu.memref_slice %arg7[%mul3A_385] : memref<10240xf32, #tpu.memory_space<vmem_shared>> -> memref<640xf32, #tpu.memory_space<vmem_shared>>
      %dma_start3A_388 = tpu.memref_slice %arg7[%mul3A_385] : memref<10240xf32, #tpu.memory_space<vmem_shared>> -> memref<640xf32, #tpu.memory_space<vmem_shared>>
      tpu.enqueue_dma source(%dma_start3A_388 : memref<640xf32, #tpu.memory_space<vmem_shared>>) target(%arg6 : memref<640xf32, #tpu.memory_space<vmem>>) target_semaphore(%run_scoped3A : memref<!tpu.dma_semaphore, #tpu.memory_space<semaphore_mem>>)
      %dma_wait3A_389 = tpu.memref_slice %arg7[%mul3A_385] : memref<10240xf32, #tpu.memory_space<vmem_shared>> -> memref<640xf32, #tpu.memory_space<vmem_shared>>
      %dma_wait3A_390 = tpu.memref_slice %arg7[%mul3A_385] : memref<10240xf32, #tpu.memory_space<vmem_shared>> -> memref<640xf32, #tpu.memory_space<vmem_shared>>
      tpu.wait_dma2 semaphore(%run_scoped3A : memref<!tpu.dma_semaphore, #tpu.memory_space<semaphore_mem>>) src(%dma_wait3A_390 : memref<640xf32, #tpu.memory_space<vmem_shared>>) dst(%arg6 : memref<640xf32, #tpu.memory_space<vmem>>)
      tpu.yield
    }) : () -> ()
    %mul3A_386 = arith.constant 640 : i32
    %mul3A_387 = arith.muli %arg1, %mul3A_386 : i32
    "tpu.region"() ({
      %run_scoped3A = tpu.sem_alloc : memref<!tpu.dma_semaphore, #tpu.memory_space<semaphore_mem>>
      %dma_start3A = tpu.memref_slice %arg3[%arg0, %mul3A_387] : memref<2x10240xf32, #tpu.memory_space<hbm>> -> memref<1x640xf32, #tpu.memory_space<hbm>>
      %dma_start3A_388 = tpu.memref_squeeze %dma_start3A : memref<1x640xf32, #tpu.memory_space<hbm>> -> memref<640xf32, #tpu.memory_space<hbm>>
      %dma_start3A_389 = tpu.memref_slice %arg3[%arg0, %mul3A_387] : memref<2x10240xf32, #tpu.memory_space<hbm>> -> memref<1x640xf32, #tpu.memory_space<hbm>>
      %dma_start3A_390 = tpu.memref_squeeze %dma_start3A_389 : memref<1x640xf32, #tpu.memory_space<hbm>> -> memref<640xf32, #tpu.memory_space<hbm>>
      tpu.enqueue_dma source(%arg6 : memref<640xf32, #tpu.memory_space<vmem>>) target(%dma_start3A_390 : memref<640xf32, #tpu.memory_space<hbm>>) target_semaphore(%run_scoped3A : memref<!tpu.dma_semaphore, #tpu.memory_space<semaphore_mem>>)
      %dma_wait3A_391 = tpu.memref_slice %arg3[%arg0, %mul3A_387] : memref<2x10240xf32, #tpu.memory_space<hbm>> -> memref<1x640xf32, #tpu.memory_space<hbm>>
      %dma_wait3A_392 = tpu.memref_squeeze %dma_wait3A_391 : memref<1x640xf32, #tpu.memory_space<hbm>> -> memref<640xf32, #tpu.memory_space<hbm>>
      %dma_wait3A_393 = tpu.memref_slice %arg3[%arg0, %mul3A_387] : memref<2x10240xf32, #tpu.memory_space<hbm>> -> memref<1x640xf32, #tpu.memory_space<hbm>>
      %dma_wait3A_394 = tpu.memref_squeeze %dma_wait3A_393 : memref<1x640xf32, #tpu.memory_space<hbm>> -> memref<640xf32, #tpu.memory_space<hbm>>
      tpu.wait_dma2 semaphore(%run_scoped3A : memref<!tpu.dma_semaphore, #tpu.memory_space<semaphore_mem>>) src(%arg6 : memref<640xf32, #tpu.memory_space<vmem>>) dst(%dma_wait3A_394 : memref<640xf32, #tpu.memory_space<hbm>>)
      tpu.yield
    }) : () -> ()
    return
  }
}

#map = affine_map<(d0, d1) -> (0, 0)>
#map1 = affine_map<(d0, d1) -> (0, 0, 0)>
module attributes {stable_mosaic.version = 14 : i64} {
  func.func @_agg_kernel(%arg0: i32, %arg1: i32, %arg2: memref<20000x64xf32, #tpu.memory_space<hbm>>, %arg3: memref<2x2560x125xi32, #tpu.memory_space<hbm>>, %arg4: memref<2560x125xi32, #tpu.memory_space<hbm>>, %arg5: memref<10240x128xf32, #tpu.memory_space<hbm>>, %arg6: memref<160x125xi32, #tpu.memory_space<vmem>>, %arg7: memref<160x125xi32, #tpu.memory_space<vmem>>, %arg8: memref<5x125x64xf32, #tpu.memory_space<vmem>>, %arg9: memref<128x64xf32, #tpu.memory_space<vmem>>, %arg10: memref<10240x64xf32, #tpu.memory_space<vmem_shared>>, %arg11: memref<5x!tpu.dma_semaphore, #tpu.memory_space<semaphore_mem>>, %arg12: memref<5x!tpu.dma_semaphore, #tpu.memory_space<semaphore_mem>>) attributes {dimension_semantics = [#tpu.dimension_semantics<core_parallel>, #tpu.dimension_semantics<subcore_parallel>], iteration_bounds = array<i64: 2, 16>, scalar_prefetch = 0 : i64, scratch_operands = 7 : i64, tpu.core_type = #tpu.core_type<sc_vector_subcore>, window_params = [{transform_indices = #map}, {transform_indices = #map1}, {transform_indices = #map}, {transform_indices = #map}]} {
    %scan3A = arith.constant 0 : i32
    %scan3A_0 = arith.constant 0 : i32
    %scan3A_1 = arith.constant 128 : i32
    %scan3A_2 = arith.addi %scan3A_0, %scan3A_1 : i32
    %scan3A_3 = arith.constant 1 : i32
    scf.for %scan3A_113 = %scan3A_0 to %scan3A_2 step %scan3A_3  : i32 {
      %broadcast_in_dim3A = arith.constant 0.000000e+00 : f32
      %broadcast_in_dim3A_114 = vector.broadcast %broadcast_in_dim3A : f32 to vector<16xf32>
      %swap3A = arith.index_cast %scan3A_113 : i32 to index
      %swap3A_115 = arith.constant 0 : index
      %swap3A_116 = tpu.vector_load %arg9[%swap3A, %swap3A_115] {strides = array<i32>} : memref<128x64xf32, #tpu.memory_space<vmem>>, vector<1x16xf32>,
      %swap3A_117 = vector.shape_cast %swap3A_116 : vector<1x16xf32> to vector<16xf32>
      %swap3A_118 = vector.shape_cast %broadcast_in_dim3A_114 : vector<16xf32> to vector<1x16xf32>
      tpu.vector_store %arg9[%swap3A, %swap3A_115], %swap3A_118 {strides = array<i32>} : memref<128x64xf32, #tpu.memory_space<vmem>>, vector<1x16xf32>,
      %broadcast_in_dim3A_119 = arith.constant 0.000000e+00 : f32
      %broadcast_in_dim3A_120 = vector.broadcast %broadcast_in_dim3A_119 : f32 to vector<16xf32>
      %swap3A_121 = arith.index_cast %scan3A_113 : i32 to index
      %swap3A_122 = arith.constant 16 : index
      %swap3A_123 = tpu.vector_load %arg9[%swap3A_121, %swap3A_122] {strides = array<i32>} : memref<128x64xf32, #tpu.memory_space<vmem>>, vector<1x16xf32>,
      %swap3A_124 = vector.shape_cast %swap3A_123 : vector<1x16xf32> to vector<16xf32>
      %swap3A_125 = vector.shape_cast %broadcast_in_dim3A_120 : vector<16xf32> to vector<1x16xf32>
      tpu.vector_store %arg9[%swap3A_121, %swap3A_122], %swap3A_125 {strides = array<i32>} : memref<128x64xf32, #tpu.memory_space<vmem>>, vector<1x16xf32>,
      %broadcast_in_dim3A_126 = arith.constant 0.000000e+00 : f32
      %broadcast_in_dim3A_127 = vector.broadcast %broadcast_in_dim3A_126 : f32 to vector<16xf32>
      %swap3A_128 = arith.index_cast %scan3A_113 : i32 to index
      %swap3A_129 = arith.constant 32 : index
      %swap3A_130 = tpu.vector_load %arg9[%swap3A_128, %swap3A_129] {strides = array<i32>} : memref<128x64xf32, #tpu.memory_space<vmem>>, vector<1x16xf32>,
      %swap3A_131 = vector.shape_cast %swap3A_130 : vector<1x16xf32> to vector<16xf32>
      %swap3A_132 = vector.shape_cast %broadcast_in_dim3A_127 : vector<16xf32> to vector<1x16xf32>
      tpu.vector_store %arg9[%swap3A_128, %swap3A_129], %swap3A_132 {strides = array<i32>} : memref<128x64xf32, #tpu.memory_space<vmem>>, vector<1x16xf32>,
      %broadcast_in_dim3A_133 = arith.constant 0.000000e+00 : f32
      %broadcast_in_dim3A_134 = vector.broadcast %broadcast_in_dim3A_133 : f32 to vector<16xf32>
      %swap3A_135 = arith.index_cast %scan3A_113 : i32 to index
      %swap3A_136 = arith.constant 48 : index
      %swap3A_137 = tpu.vector_load %arg9[%swap3A_135, %swap3A_136] {strides = array<i32>} : memref<128x64xf32, #tpu.memory_space<vmem>>, vector<1x16xf32>,
      %swap3A_138 = vector.shape_cast %swap3A_137 : vector<1x16xf32> to vector<16xf32>
      %swap3A_139 = vector.shape_cast %broadcast_in_dim3A_134 : vector<16xf32> to vector<1x16xf32>
      tpu.vector_store %arg9[%swap3A_135, %swap3A_136], %swap3A_139 {strides = array<i32>} : memref<128x64xf32, #tpu.memory_space<vmem>>, vector<1x16xf32>,
    }
    %scan3A_4 = arith.constant 128 : i32
    %mul3A = arith.constant 640 : i32
    %mul3A_5 = arith.muli %arg1, %mul3A : i32
    %add3A = arith.constant 0 : i32
    %add3A_6 = arith.addi %mul3A_5, %add3A : i32
    "tpu.region"() ({
      %run_scoped3A = tpu.sem_alloc : memref<!tpu.dma_semaphore, #tpu.memory_space<semaphore_mem>>
      %dma_start3A_113 = arith.constant 0 : i32
      %dma_start3A_114 = tpu.memref_slice %arg10[%add3A_6, %dma_start3A_113] : memref<10240x64xf32, #tpu.memory_space<vmem_shared>> -> memref<128x64xf32, #tpu.memory_space<vmem_shared>>
      %dma_start3A_115 = arith.constant 0 : i32
      %dma_start3A_116 = tpu.memref_slice %arg10[%add3A_6, %dma_start3A_115] : memref<10240x64xf32, #tpu.memory_space<vmem_shared>> -> memref<128x64xf32, #tpu.memory_space<vmem_shared>>
      tpu.enqueue_dma source(%arg9 : memref<128x64xf32, #tpu.memory_space<vmem>>) target(%dma_start3A_116 : memref<128x64xf32, #tpu.memory_space<vmem_shared>>) target_semaphore(%run_scoped3A : memref<!tpu.dma_semaphore, #tpu.memory_space<semaphore_mem>>)
      %dma_wait3A_117 = arith.constant 0 : i32
      %dma_wait3A_118 = tpu.memref_slice %arg10[%add3A_6, %dma_wait3A_117] : memref<10240x64xf32, #tpu.memory_space<vmem_shared>> -> memref<128x64xf32, #tpu.memory_space<vmem_shared>>
      %dma_wait3A_119 = arith.constant 0 : i32
      %dma_wait3A_120 = tpu.memref_slice %arg10[%add3A_6, %dma_wait3A_119] : memref<10240x64xf32, #tpu.memory_space<vmem_shared>> -> memref<128x64xf32, #tpu.memory_space<vmem_shared>>
      tpu.wait_dma2 semaphore(%run_scoped3A : memref<!tpu.dma_semaphore, #tpu.memory_space<semaphore_mem>>) src(%arg9 : memref<128x64xf32, #tpu.memory_space<vmem>>) dst(%dma_wait3A_120 : memref<128x64xf32, #tpu.memory_space<vmem_shared>>)
      tpu.yield
    }) : () -> ()
    %mul3A_7 = arith.constant 640 : i32
    %mul3A_8 = arith.muli %arg1, %mul3A_7 : i32
    %add3A_9 = arith.constant 128 : i32
    %add3A_10 = arith.addi %mul3A_8, %add3A_9 : i32
    "tpu.region"() ({
      %run_scoped3A = tpu.sem_alloc : memref<!tpu.dma_semaphore, #tpu.memory_space<semaphore_mem>>
      %dma_start3A_113 = arith.constant 0 : i32
      %dma_start3A_114 = tpu.memref_slice %arg10[%add3A_10, %dma_start3A_113] : memref<10240x64xf32, #tpu.memory_space<vmem_shared>> -> memref<128x64xf32, #tpu.memory_space<vmem_shared>>
      %dma_start3A_115 = arith.constant 0 : i32
      %dma_start3A_116 = tpu.memref_slice %arg10[%add3A_10, %dma_start3A_115] : memref<10240x64xf32, #tpu.memory_space<vmem_shared>> -> memref<128x64xf32, #tpu.memory_space<vmem_shared>>
      tpu.enqueue_dma source(%arg9 : memref<128x64xf32, #tpu.memory_space<vmem>>) target(%dma_start3A_116 : memref<128x64xf32, #tpu.memory_space<vmem_shared>>) target_semaphore(%run_scoped3A : memref<!tpu.dma_semaphore, #tpu.memory_space<semaphore_mem>>)
      %dma_wait3A_117 = arith.constant 0 : i32
      %dma_wait3A_118 = tpu.memref_slice %arg10[%add3A_10, %dma_wait3A_117] : memref<10240x64xf32, #tpu.memory_space<vmem_shared>> -> memref<128x64xf32, #tpu.memory_space<vmem_shared>>
      %dma_wait3A_119 = arith.constant 0 : i32
      %dma_wait3A_120 = tpu.memref_slice %arg10[%add3A_10, %dma_wait3A_119] : memref<10240x64xf32, #tpu.memory_space<vmem_shared>> -> memref<128x64xf32, #tpu.memory_space<vmem_shared>>
      tpu.wait_dma2 semaphore(%run_scoped3A : memref<!tpu.dma_semaphore, #tpu.memory_space<semaphore_mem>>) src(%arg9 : memref<128x64xf32, #tpu.memory_space<vmem>>) dst(%dma_wait3A_120 : memref<128x64xf32, #tpu.memory_space<vmem_shared>>)
      tpu.yield
    }) : () -> ()
    %mul3A_11 = arith.constant 640 : i32
    %mul3A_12 = arith.muli %arg1, %mul3A_11 : i32
    %add3A_13 = arith.constant 256 : i32
    %add3A_14 = arith.addi %mul3A_12, %add3A_13 : i32
    "tpu.region"() ({
      %run_scoped3A = tpu.sem_alloc : memref<!tpu.dma_semaphore, #tpu.memory_space<semaphore_mem>>
      %dma_start3A_113 = arith.constant 0 : i32
      %dma_start3A_114 = tpu.memref_slice %arg10[%add3A_14, %dma_start3A_113] : memref<10240x64xf32, #tpu.memory_space<vmem_shared>> -> memref<128x64xf32, #tpu.memory_space<vmem_shared>>
      %dma_start3A_115 = arith.constant 0 : i32
      %dma_start3A_116 = tpu.memref_slice %arg10[%add3A_14, %dma_start3A_115] : memref<10240x64xf32, #tpu.memory_space<vmem_shared>> -> memref<128x64xf32, #tpu.memory_space<vmem_shared>>
      tpu.enqueue_dma source(%arg9 : memref<128x64xf32, #tpu.memory_space<vmem>>) target(%dma_start3A_116 : memref<128x64xf32, #tpu.memory_space<vmem_shared>>) target_semaphore(%run_scoped3A : memref<!tpu.dma_semaphore, #tpu.memory_space<semaphore_mem>>)
      %dma_wait3A_117 = arith.constant 0 : i32
      %dma_wait3A_118 = tpu.memref_slice %arg10[%add3A_14, %dma_wait3A_117] : memref<10240x64xf32, #tpu.memory_space<vmem_shared>> -> memref<128x64xf32, #tpu.memory_space<vmem_shared>>
      %dma_wait3A_119 = arith.constant 0 : i32
      %dma_wait3A_120 = tpu.memref_slice %arg10[%add3A_14, %dma_wait3A_119] : memref<10240x64xf32, #tpu.memory_space<vmem_shared>> -> memref<128x64xf32, #tpu.memory_space<vmem_shared>>
      tpu.wait_dma2 semaphore(%run_scoped3A : memref<!tpu.dma_semaphore, #tpu.memory_space<semaphore_mem>>) src(%arg9 : memref<128x64xf32, #tpu.memory_space<vmem>>) dst(%dma_wait3A_120 : memref<128x64xf32, #tpu.memory_space<vmem_shared>>)
      tpu.yield
    }) : () -> ()
    %mul3A_15 = arith.constant 640 : i32
    %mul3A_16 = arith.muli %arg1, %mul3A_15 : i32
    %add3A_17 = arith.constant 384 : i32
    %add3A_18 = arith.addi %mul3A_16, %add3A_17 : i32
    "tpu.region"() ({
      %run_scoped3A = tpu.sem_alloc : memref<!tpu.dma_semaphore, #tpu.memory_space<semaphore_mem>>
      %dma_start3A_113 = arith.constant 0 : i32
      %dma_start3A_114 = tpu.memref_slice %arg10[%add3A_18, %dma_start3A_113] : memref<10240x64xf32, #tpu.memory_space<vmem_shared>> -> memref<128x64xf32, #tpu.memory_space<vmem_shared>>
      %dma_start3A_115 = arith.constant 0 : i32
      %dma_start3A_116 = tpu.memref_slice %arg10[%add3A_18, %dma_start3A_115] : memref<10240x64xf32, #tpu.memory_space<vmem_shared>> -> memref<128x64xf32, #tpu.memory_space<vmem_shared>>
      tpu.enqueue_dma source(%arg9 : memref<128x64xf32, #tpu.memory_space<vmem>>) target(%dma_start3A_116 : memref<128x64xf32, #tpu.memory_space<vmem_shared>>) target_semaphore(%run_scoped3A : memref<!tpu.dma_semaphore, #tpu.memory_space<semaphore_mem>>)
      %dma_wait3A_117 = arith.constant 0 : i32
      %dma_wait3A_118 = tpu.memref_slice %arg10[%add3A_18, %dma_wait3A_117] : memref<10240x64xf32, #tpu.memory_space<vmem_shared>> -> memref<128x64xf32, #tpu.memory_space<vmem_shared>>
      %dma_wait3A_119 = arith.constant 0 : i32
      %dma_wait3A_120 = tpu.memref_slice %arg10[%add3A_18, %dma_wait3A_119] : memref<10240x64xf32, #tpu.memory_space<vmem_shared>> -> memref<128x64xf32, #tpu.memory_space<vmem_shared>>
      tpu.wait_dma2 semaphore(%run_scoped3A : memref<!tpu.dma_semaphore, #tpu.memory_space<semaphore_mem>>) src(%arg9 : memref<128x64xf32, #tpu.memory_space<vmem>>) dst(%dma_wait3A_120 : memref<128x64xf32, #tpu.memory_space<vmem_shared>>)
      tpu.yield
    }) : () -> ()
    %mul3A_19 = arith.constant 640 : i32
    %mul3A_20 = arith.muli %arg1, %mul3A_19 : i32
    %add3A_21 = arith.constant 512 : i32
    %add3A_22 = arith.addi %mul3A_20, %add3A_21 : i32
    "tpu.region"() ({
      %run_scoped3A = tpu.sem_alloc : memref<!tpu.dma_semaphore, #tpu.memory_space<semaphore_mem>>
      %dma_start3A_113 = arith.constant 0 : i32
      %dma_start3A_114 = tpu.memref_slice %arg10[%add3A_22, %dma_start3A_113] : memref<10240x64xf32, #tpu.memory_space<vmem_shared>> -> memref<128x64xf32, #tpu.memory_space<vmem_shared>>
      %dma_start3A_115 = arith.constant 0 : i32
      %dma_start3A_116 = tpu.memref_slice %arg10[%add3A_22, %dma_start3A_115] : memref<10240x64xf32, #tpu.memory_space<vmem_shared>> -> memref<128x64xf32, #tpu.memory_space<vmem_shared>>
      tpu.enqueue_dma source(%arg9 : memref<128x64xf32, #tpu.memory_space<vmem>>) target(%dma_start3A_116 : memref<128x64xf32, #tpu.memory_space<vmem_shared>>) target_semaphore(%run_scoped3A : memref<!tpu.dma_semaphore, #tpu.memory_space<semaphore_mem>>)
      %dma_wait3A_117 = arith.constant 0 : i32
      %dma_wait3A_118 = tpu.memref_slice %arg10[%add3A_22, %dma_wait3A_117] : memref<10240x64xf32, #tpu.memory_space<vmem_shared>> -> memref<128x64xf32, #tpu.memory_space<vmem_shared>>
      %dma_wait3A_119 = arith.constant 0 : i32
      %dma_wait3A_120 = tpu.memref_slice %arg10[%add3A_22, %dma_wait3A_119] : memref<10240x64xf32, #tpu.memory_space<vmem_shared>> -> memref<128x64xf32, #tpu.memory_space<vmem_shared>>
      tpu.wait_dma2 semaphore(%run_scoped3A : memref<!tpu.dma_semaphore, #tpu.memory_space<semaphore_mem>>) src(%arg9 : memref<128x64xf32, #tpu.memory_space<vmem>>) dst(%dma_wait3A_120 : memref<128x64xf32, #tpu.memory_space<vmem_shared>>)
      tpu.yield
    }) : () -> ()
    %mul3A_23 = arith.constant 160 : i32
    %mul3A_24 = arith.muli %arg1, %mul3A_23 : i32
    "tpu.region"() ({
      %run_scoped3A = tpu.sem_alloc : memref<!tpu.dma_semaphore, #tpu.memory_space<semaphore_mem>>
      %dma_start3A_113 = arith.constant 0 : i32
      %dma_start3A_114 = tpu.memref_slice %arg3[%arg0, %mul3A_24, %dma_start3A_113] : memref<2x2560x125xi32, #tpu.memory_space<hbm>> -> memref<1x160x125xi32, #tpu.memory_space<hbm>>
      %dma_start3A_115 = tpu.memref_squeeze %dma_start3A_114 : memref<1x160x125xi32, #tpu.memory_space<hbm>> -> memref<160x125xi32, #tpu.memory_space<hbm>>
      %dma_start3A_116 = arith.constant 0 : i32
      %dma_start3A_117 = tpu.memref_slice %arg3[%arg0, %mul3A_24, %dma_start3A_116] : memref<2x2560x125xi32, #tpu.memory_space<hbm>> -> memref<1x160x125xi32, #tpu.memory_space<hbm>>
      %dma_start3A_118 = tpu.memref_squeeze %dma_start3A_117 : memref<1x160x125xi32, #tpu.memory_space<hbm>> -> memref<160x125xi32, #tpu.memory_space<hbm>>
      tpu.enqueue_dma source(%dma_start3A_118 : memref<160x125xi32, #tpu.memory_space<hbm>>) target(%arg6 : memref<160x125xi32, #tpu.memory_space<vmem>>) target_semaphore(%run_scoped3A : memref<!tpu.dma_semaphore, #tpu.memory_space<semaphore_mem>>)
      %dma_wait3A_119 = arith.constant 0 : i32
      %dma_wait3A_120 = tpu.memref_slice %arg3[%arg0, %mul3A_24, %dma_wait3A_119] : memref<2x2560x125xi32, #tpu.memory_space<hbm>> -> memref<1x160x125xi32, #tpu.memory_space<hbm>>
      %dma_wait3A_121 = tpu.memref_squeeze %dma_wait3A_120 : memref<1x160x125xi32, #tpu.memory_space<hbm>> -> memref<160x125xi32, #tpu.memory_space<hbm>>
      %dma_wait3A_122 = arith.constant 0 : i32
      %dma_wait3A_123 = tpu.memref_slice %arg3[%arg0, %mul3A_24, %dma_wait3A_122] : memref<2x2560x125xi32, #tpu.memory_space<hbm>> -> memref<1x160x125xi32, #tpu.memory_space<hbm>>
      %dma_wait3A_124 = tpu.memref_squeeze %dma_wait3A_123 : memref<1x160x125xi32, #tpu.memory_space<hbm>> -> memref<160x125xi32, #tpu.memory_space<hbm>>
      tpu.wait_dma2 semaphore(%run_scoped3A : memref<!tpu.dma_semaphore, #tpu.memory_space<semaphore_mem>>) src(%dma_wait3A_124 : memref<160x125xi32, #tpu.memory_space<hbm>>) dst(%arg6 : memref<160x125xi32, #tpu.memory_space<vmem>>)
      tpu.yield
    }) : () -> ()
    %mul3A_25 = arith.constant 160 : i32
    %mul3A_26 = arith.muli %arg1, %mul3A_25 : i32
    "tpu.region"() ({
      %run_scoped3A = tpu.sem_alloc : memref<!tpu.dma_semaphore, #tpu.memory_space<semaphore_mem>>
      %dma_start3A_113 = arith.constant 0 : i32
      %dma_start3A_114 = tpu.memref_slice %arg4[%mul3A_26, %dma_start3A_113] : memref<2560x125xi32, #tpu.memory_space<hbm>> -> memref<160x125xi32, #tpu.memory_space<hbm>>
      %dma_start3A_115 = arith.constant 0 : i32
      %dma_start3A_116 = tpu.memref_slice %arg4[%mul3A_26, %dma_start3A_115] : memref<2560x125xi32, #tpu.memory_space<hbm>> -> memref<160x125xi32, #tpu.memory_space<hbm>>
      tpu.enqueue_dma source(%dma_start3A_116 : memref<160x125xi32, #tpu.memory_space<hbm>>) target(%arg7 : memref<160x125xi32, #tpu.memory_space<vmem>>) target_semaphore(%run_scoped3A : memref<!tpu.dma_semaphore, #tpu.memory_space<semaphore_mem>>)
      %dma_wait3A_117 = arith.constant 0 : i32
      %dma_wait3A_118 = tpu.memref_slice %arg4[%mul3A_26, %dma_wait3A_117] : memref<2560x125xi32, #tpu.memory_space<hbm>> -> memref<160x125xi32, #tpu.memory_space<hbm>>
      %dma_wait3A_119 = arith.constant 0 : i32
      %dma_wait3A_120 = tpu.memref_slice %arg4[%mul3A_26, %dma_wait3A_119] : memref<2560x125xi32, #tpu.memory_space<hbm>> -> memref<160x125xi32, #tpu.memory_space<hbm>>
      tpu.wait_dma2 semaphore(%run_scoped3A : memref<!tpu.dma_semaphore, #tpu.memory_space<semaphore_mem>>) src(%dma_wait3A_120 : memref<160x125xi32, #tpu.memory_space<hbm>>) dst(%arg7 : memref<160x125xi32, #tpu.memory_space<vmem>>)
      tpu.yield
    }) : () -> ()
    %barrier3A = arith.constant 0 : index
    tpu.barrier barrier_id(%barrier3A)
    %dma_start3A = arith.constant 0 : i32
    %dma_start3A_27 = arith.constant 0 : i32
    %dma_start3A_28 = arith.constant 0 : i32
    %dma_start3A_29 = arith.constant 0 : i32
    %dma_start3A_30 = arith.constant 0 : i32
    %dma_start3A_31 = tpu.memref_slice %arg8[%dma_start3A_27, %dma_start3A_29, %dma_start3A_30] : memref<5x125x64xf32, #tpu.memory_space<vmem>> -> memref<1x125x64xf32, #tpu.memory_space<vmem>>
    %dma_start3A_32 = tpu.memref_squeeze %dma_start3A_31 : memref<1x125x64xf32, #tpu.memory_space<vmem>> -> memref<125x64xf32, #tpu.memory_space<vmem>>
    %dma_start3A_33 = arith.constant 0 : i32
    %dma_start3A_34 = tpu.memref_slice %arg6[%dma_start3A, %dma_start3A_33] : memref<160x125xi32, #tpu.memory_space<vmem>> -> memref<1x125xi32, #tpu.memory_space<vmem>>
    %dma_start3A_35 = tpu.memref_squeeze %dma_start3A_34 : memref<1x125xi32, #tpu.memory_space<vmem>> -> memref<125xi32, #tpu.memory_space<vmem>>
    %dma_start3A_36 = arith.constant 0 : i32
    %dma_start3A_37 = arith.constant 0 : i32
    %dma_start3A_38 = tpu.memref_slice %arg2[%dma_start3A_36, %dma_start3A_37] : memref<20000x64xf32, #tpu.memory_space<hbm>> -> memref<20000x64xf32, #tpu.memory_space<hbm>>
    %dma_start3A_39 = tpu.memref_slice %arg11[%dma_start3A_28] : memref<5x!tpu.dma_semaphore, #tpu.memory_space<semaphore_mem>> -> memref<1x!tpu.dma_semaphore, #tpu.memory_space<semaphore_mem>>
    %dma_start3A_40 = tpu.memref_squeeze %dma_start3A_39 : memref<1x!tpu.dma_semaphore, #tpu.memory_space<semaphore_mem>> -> memref<!tpu.dma_semaphore, #tpu.memory_space<semaphore_mem>>
    tpu.enqueue_indirect_dma source(%dma_start3A_38 : memref<20000x64xf32, #tpu.memory_space<hbm>>) target(%dma_start3A_32 : memref<125x64xf32, #tpu.memory_space<vmem>>) offsets(%dma_start3A_35 : memref<125xi32, #tpu.memory_space<vmem>>) semaphore(%dma_start3A_40 : memref<!tpu.dma_semaphore, #tpu.memory_space<semaphore_mem>>)
    %dma_start3A_41 = arith.constant 1 : i32
    %dma_start3A_42 = arith.constant 1 : i32
    %dma_start3A_43 = arith.constant 1 : i32
    %dma_start3A_44 = arith.constant 0 : i32
    %dma_start3A_45 = arith.constant 0 : i32
    %dma_start3A_46 = tpu.memref_slice %arg8[%dma_start3A_42, %dma_start3A_44, %dma_start3A_45] : memref<5x125x64xf32, #tpu.memory_space<vmem>> -> memref<1x125x64xf32, #tpu.memory_space<vmem>>
    %dma_start3A_47 = tpu.memref_squeeze %dma_start3A_46 : memref<1x125x64xf32, #tpu.memory_space<vmem>> -> memref<125x64xf32, #tpu.memory_space<vmem>>
    %dma_start3A_48 = arith.constant 0 : i32
    %dma_start3A_49 = tpu.memref_slice %arg6[%dma_start3A_41, %dma_start3A_48] : memref<160x125xi32, #tpu.memory_space<vmem>> -> memref<1x125xi32, #tpu.memory_space<vmem>>
    %dma_start3A_50 = tpu.memref_squeeze %dma_start3A_49 : memref<1x125xi32, #tpu.memory_space<vmem>> -> memref<125xi32, #tpu.memory_space<vmem>>
    %dma_start3A_51 = arith.constant 0 : i32
    %dma_start3A_52 = arith.constant 0 : i32
    %dma_start3A_53 = tpu.memref_slice %arg2[%dma_start3A_51, %dma_start3A_52] : memref<20000x64xf32, #tpu.memory_space<hbm>> -> memref<20000x64xf32, #tpu.memory_space<hbm>>
    %dma_start3A_54 = tpu.memref_slice %arg11[%dma_start3A_43] : memref<5x!tpu.dma_semaphore, #tpu.memory_space<semaphore_mem>> -> memref<1x!tpu.dma_semaphore, #tpu.memory_space<semaphore_mem>>
    %dma_start3A_55 = tpu.memref_squeeze %dma_start3A_54 : memref<1x!tpu.dma_semaphore, #tpu.memory_space<semaphore_mem>> -> memref<!tpu.dma_semaphore, #tpu.memory_space<semaphore_mem>>
    tpu.enqueue_indirect_dma source(%dma_start3A_53 : memref<20000x64xf32, #tpu.memory_space<hbm>>) target(%dma_start3A_47 : memref<125x64xf32, #tpu.memory_space<vmem>>) offsets(%dma_start3A_50 : memref<125xi32, #tpu.memory_space<vmem>>) semaphore(%dma_start3A_55 : memref<!tpu.dma_semaphore, #tpu.memory_space<semaphore_mem>>)
    %dma_start3A_56 = arith.constant 2 : i32
    %dma_start3A_57 = arith.constant 2 : i32
    %dma_start3A_58 = arith.constant 2 : i32
    %dma_start3A_59 = arith.constant 0 : i32
    %dma_start3A_60 = arith.constant 0 : i32
    %dma_start3A_61 = tpu.memref_slice %arg8[%dma_start3A_57, %dma_start3A_59, %dma_start3A_60] : memref<5x125x64xf32, #tpu.memory_space<vmem>> -> memref<1x125x64xf32, #tpu.memory_space<vmem>>
    %dma_start3A_62 = tpu.memref_squeeze %dma_start3A_61 : memref<1x125x64xf32, #tpu.memory_space<vmem>> -> memref<125x64xf32, #tpu.memory_space<vmem>>
    %dma_start3A_63 = arith.constant 0 : i32
    %dma_start3A_64 = tpu.memref_slice %arg6[%dma_start3A_56, %dma_start3A_63] : memref<160x125xi32, #tpu.memory_space<vmem>> -> memref<1x125xi32, #tpu.memory_space<vmem>>
    %dma_start3A_65 = tpu.memref_squeeze %dma_start3A_64 : memref<1x125xi32, #tpu.memory_space<vmem>> -> memref<125xi32, #tpu.memory_space<vmem>>
    %dma_start3A_66 = arith.constant 0 : i32
    %dma_start3A_67 = arith.constant 0 : i32
    %dma_start3A_68 = tpu.memref_slice %arg2[%dma_start3A_66, %dma_start3A_67] : memref<20000x64xf32, #tpu.memory_space<hbm>> -> memref<20000x64xf32, #tpu.memory_space<hbm>>
    %dma_start3A_69 = tpu.memref_slice %arg11[%dma_start3A_58] : memref<5x!tpu.dma_semaphore, #tpu.memory_space<semaphore_mem>> -> memref<1x!tpu.dma_semaphore, #tpu.memory_space<semaphore_mem>>
    %dma_start3A_70 = tpu.memref_squeeze %dma_start3A_69 : memref<1x!tpu.dma_semaphore, #tpu.memory_space<semaphore_mem>> -> memref<!tpu.dma_semaphore, #tpu.memory_space<semaphore_mem>>
    tpu.enqueue_indirect_dma source(%dma_start3A_68 : memref<20000x64xf32, #tpu.memory_space<hbm>>) target(%dma_start3A_62 : memref<125x64xf32, #tpu.memory_space<vmem>>) offsets(%dma_start3A_65 : memref<125xi32, #tpu.memory_space<vmem>>) semaphore(%dma_start3A_70 : memref<!tpu.dma_semaphore, #tpu.memory_space<semaphore_mem>>)
    %scan3A_71 = arith.constant 0 : i32
    %scan3A_72 = arith.constant 0 : i32
    %scan3A_73 = arith.constant 32 : i32
    %scan3A_74 = arith.addi %scan3A_72, %scan3A_73 : i32
    %scan3A_75 = arith.constant 1 : i32
    scf.for %scan3A_113 = %scan3A_72 to %scan3A_74 step %scan3A_75  : i32 {
      %mul3A_114 = arith.constant 5 : i32
      %mul3A_115 = arith.muli %scan3A_113, %mul3A_114 : i32
      %add3A_116 = arith.constant 0 : i32
      %add3A_117 = arith.addi %mul3A_115, %add3A_116 : i32
      %add3A_118 = arith.constant 3 : i32
      %add3A_119 = arith.addi %add3A_117, %add3A_118 : i32
      %sub3A = arith.constant 5 : i32
      %sub3A_120 = arith.subi %add3A_119, %sub3A : i32
      %ge3A = arith.constant 0 : i32
      %ge3A_121 = arith.cmpi sge, %sub3A_120, %ge3A : i32
      %convert_element_type3A = arith.extui %ge3A_121 : i1 to i32
      %cond3A = arith.constant 0 : i32
      %cond3A_122 = arith.cmpi ne, %convert_element_type3A, %cond3A : i32
      scf.if %cond3A_122 {
        %add3A_349 = arith.constant 3 : i32
        %add3A_350 = arith.addi %add3A_117, %add3A_349 : i32
        %sub3A_351 = arith.constant 5 : i32
        %sub3A_352 = arith.subi %add3A_350, %sub3A_351 : i32
        %dma_wait3A_353 = arith.constant 3 : i32
        %dma_wait3A_354 = arith.constant 3 : i32
        %dma_wait3A_355 = arith.constant 0 : i32
        %dma_wait3A_356 = arith.constant 0 : i32
        %dma_wait3A_357 = tpu.memref_slice %arg8[%dma_wait3A_353, %dma_wait3A_355, %dma_wait3A_356] : memref<5x125x64xf32, #tpu.memory_space<vmem>> -> memref<1x125x64xf32, #tpu.memory_space<vmem>>
        %dma_wait3A_358 = tpu.memref_squeeze %dma_wait3A_357 : memref<1x125x64xf32, #tpu.memory_space<vmem>> -> memref<125x64xf32, #tpu.memory_space<vmem>>
        %dma_wait3A_359 = arith.constant 0 : i32
        %dma_wait3A_360 = tpu.memref_slice %arg7[%sub3A_352, %dma_wait3A_359] : memref<160x125xi32, #tpu.memory_space<vmem>> -> memref<1x125xi32, #tpu.memory_space<vmem>>
        %dma_wait3A_361 = tpu.memref_squeeze %dma_wait3A_360 : memref<1x125xi32, #tpu.memory_space<vmem>> -> memref<125xi32, #tpu.memory_space<vmem>>
        %dma_wait3A_362 = arith.constant 0 : i32
        %dma_wait3A_363 = arith.constant 0 : i32
        %dma_wait3A_364 = tpu.memref_slice %arg10[%dma_wait3A_362, %dma_wait3A_363] : memref<10240x64xf32, #tpu.memory_space<vmem_shared>> -> memref<10240x64xf32, #tpu.memory_space<vmem_shared>>
        %dma_wait3A_365 = tpu.memref_slice %arg12[%dma_wait3A_354] : memref<5x!tpu.dma_semaphore, #tpu.memory_space<semaphore_mem>> -> memref<1x!tpu.dma_semaphore, #tpu.memory_space<semaphore_mem>>
        %dma_wait3A_366 = tpu.memref_squeeze %dma_wait3A_365 : memref<1x!tpu.dma_semaphore, #tpu.memory_space<semaphore_mem>> -> memref<!tpu.dma_semaphore, #tpu.memory_space<semaphore_mem>>
        tpu.wait_indirect_dma semaphore(%dma_wait3A_366 : memref<!tpu.dma_semaphore, #tpu.memory_space<semaphore_mem>>) src(%dma_wait3A_358 : memref<125x64xf32, #tpu.memory_space<vmem>>) dst(%dma_wait3A_364 : memref<10240x64xf32, #tpu.memory_space<vmem_shared>>)
      } else {
      }
      %add3A_123 = arith.constant 3 : i32
      %add3A_124 = arith.addi %add3A_117, %add3A_123 : i32
      %lt3A = arith.constant 160 : i32
      %lt3A_125 = arith.cmpi slt, %add3A_124, %lt3A : i32
      %convert_element_type3A_126 = arith.extui %lt3A_125 : i1 to i32
      %cond3A_127 = arith.constant 0 : i32
      %cond3A_128 = arith.cmpi ne, %convert_element_type3A_126, %cond3A_127 : i32
      scf.if %cond3A_128 {
        %add3A_349 = arith.constant 3 : i32
        %add3A_350 = arith.addi %add3A_117, %add3A_349 : i32
        %dma_start3A_351 = arith.constant 3 : i32
        %dma_start3A_352 = arith.constant 3 : i32
        %dma_start3A_353 = arith.constant 0 : i32
        %dma_start3A_354 = arith.constant 0 : i32
        %dma_start3A_355 = tpu.memref_slice %arg8[%dma_start3A_351, %dma_start3A_353, %dma_start3A_354] : memref<5x125x64xf32, #tpu.memory_space<vmem>> -> memref<1x125x64xf32, #tpu.memory_space<vmem>>
        %dma_start3A_356 = tpu.memref_squeeze %dma_start3A_355 : memref<1x125x64xf32, #tpu.memory_space<vmem>> -> memref<125x64xf32, #tpu.memory_space<vmem>>
        %dma_start3A_357 = arith.constant 0 : i32
        %dma_start3A_358 = tpu.memref_slice %arg6[%add3A_350, %dma_start3A_357] : memref<160x125xi32, #tpu.memory_space<vmem>> -> memref<1x125xi32, #tpu.memory_space<vmem>>
        %dma_start3A_359 = tpu.memref_squeeze %dma_start3A_358 : memref<1x125xi32, #tpu.memory_space<vmem>> -> memref<125xi32, #tpu.memory_space<vmem>>
        %dma_start3A_360 = arith.constant 0 : i32
        %dma_start3A_361 = arith.constant 0 : i32
        %dma_start3A_362 = tpu.memref_slice %arg2[%dma_start3A_360, %dma_start3A_361] : memref<20000x64xf32, #tpu.memory_space<hbm>> -> memref<20000x64xf32, #tpu.memory_space<hbm>>
        %dma_start3A_363 = tpu.memref_slice %arg11[%dma_start3A_352] : memref<5x!tpu.dma_semaphore, #tpu.memory_space<semaphore_mem>> -> memref<1x!tpu.dma_semaphore, #tpu.memory_space<semaphore_mem>>
        %dma_start3A_364 = tpu.memref_squeeze %dma_start3A_363 : memref<1x!tpu.dma_semaphore, #tpu.memory_space<semaphore_mem>> -> memref<!tpu.dma_semaphore, #tpu.memory_space<semaphore_mem>>
        tpu.enqueue_indirect_dma source(%dma_start3A_362 : memref<20000x64xf32, #tpu.memory_space<hbm>>) target(%dma_start3A_356 : memref<125x64xf32, #tpu.memory_space<vmem>>) offsets(%dma_start3A_359 : memref<125xi32, #tpu.memory_space<vmem>>) semaphore(%dma_start3A_364 : memref<!tpu.dma_semaphore, #tpu.memory_space<semaphore_mem>>)
      } else {
      }
      %dma_wait3A_129 = arith.constant 0 : i32
      %dma_wait3A_130 = arith.constant 0 : i32
      %dma_wait3A_131 = arith.constant 0 : i32
      %dma_wait3A_132 = arith.constant 0 : i32
      %dma_wait3A_133 = tpu.memref_slice %arg8[%dma_wait3A_129, %dma_wait3A_131, %dma_wait3A_132] : memref<5x125x64xf32, #tpu.memory_space<vmem>> -> memref<1x125x64xf32, #tpu.memory_space<vmem>>
      %dma_wait3A_134 = tpu.memref_squeeze %dma_wait3A_133 : memref<1x125x64xf32, #tpu.memory_space<vmem>> -> memref<125x64xf32, #tpu.memory_space<vmem>>
      %dma_wait3A_135 = arith.constant 0 : i32
      %dma_wait3A_136 = tpu.memref_slice %arg6[%add3A_117, %dma_wait3A_135] : memref<160x125xi32, #tpu.memory_space<vmem>> -> memref<1x125xi32, #tpu.memory_space<vmem>>
      %dma_wait3A_137 = tpu.memref_squeeze %dma_wait3A_136 : memref<1x125xi32, #tpu.memory_space<vmem>> -> memref<125xi32, #tpu.memory_space<vmem>>
      %dma_wait3A_138 = arith.constant 0 : i32
      %dma_wait3A_139 = arith.constant 0 : i32
      %dma_wait3A_140 = tpu.memref_slice %arg2[%dma_wait3A_138, %dma_wait3A_139] : memref<20000x64xf32, #tpu.memory_space<hbm>> -> memref<20000x64xf32, #tpu.memory_space<hbm>>
      %dma_wait3A_141 = tpu.memref_slice %arg11[%dma_wait3A_130] : memref<5x!tpu.dma_semaphore, #tpu.memory_space<semaphore_mem>> -> memref<1x!tpu.dma_semaphore, #tpu.memory_space<semaphore_mem>>
      %dma_wait3A_142 = tpu.memref_squeeze %dma_wait3A_141 : memref<1x!tpu.dma_semaphore, #tpu.memory_space<semaphore_mem>> -> memref<!tpu.dma_semaphore, #tpu.memory_space<semaphore_mem>>
      tpu.wait_indirect_dma semaphore(%dma_wait3A_142 : memref<!tpu.dma_semaphore, #tpu.memory_space<semaphore_mem>>) src(%dma_wait3A_140 : memref<20000x64xf32, #tpu.memory_space<hbm>>) dst(%dma_wait3A_134 : memref<125x64xf32, #tpu.memory_space<vmem>>)
      %dma_start3A_143 = arith.constant 0 : i32
      %dma_start3A_144 = arith.constant 0 : i32
      %dma_start3A_145 = arith.constant 0 : i32
      %dma_start3A_146 = arith.constant 0 : i32
      %dma_start3A_147 = tpu.memref_slice %arg8[%dma_start3A_143, %dma_start3A_145, %dma_start3A_146] : memref<5x125x64xf32, #tpu.memory_space<vmem>> -> memref<1x125x64xf32, #tpu.memory_space<vmem>>
      %dma_start3A_148 = tpu.memref_squeeze %dma_start3A_147 : memref<1x125x64xf32, #tpu.memory_space<vmem>> -> memref<125x64xf32, #tpu.memory_space<vmem>>
      %dma_start3A_149 = arith.constant 0 : i32
      %dma_start3A_150 = tpu.memref_slice %arg7[%add3A_117, %dma_start3A_149] : memref<160x125xi32, #tpu.memory_space<vmem>> -> memref<1x125xi32, #tpu.memory_space<vmem>>
      %dma_start3A_151 = tpu.memref_squeeze %dma_start3A_150 : memref<1x125xi32, #tpu.memory_space<vmem>> -> memref<125xi32, #tpu.memory_space<vmem>>
      %dma_start3A_152 = arith.constant 0 : i32
      %dma_start3A_153 = arith.constant 0 : i32
      %dma_start3A_154 = tpu.memref_slice %arg10[%dma_start3A_152, %dma_start3A_153] : memref<10240x64xf32, #tpu.memory_space<vmem_shared>> -> memref<10240x64xf32, #tpu.memory_space<vmem_shared>>
      %dma_start3A_155 = tpu.memref_slice %arg12[%dma_start3A_144] : memref<5x!tpu.dma_semaphore, #tpu.memory_space<semaphore_mem>> -> memref<1x!tpu.dma_semaphore, #tpu.memory_space<semaphore_mem>>
      %dma_start3A_156 = tpu.memref_squeeze %dma_start3A_155 : memref<1x!tpu.dma_semaphore, #tpu.memory_space<semaphore_mem>> -> memref<!tpu.dma_semaphore, #tpu.memory_space<semaphore_mem>>
      tpu.enqueue_indirect_dma source(%dma_start3A_148 : memref<125x64xf32, #tpu.memory_space<vmem>>) target(%dma_start3A_154 : memref<10240x64xf32, #tpu.memory_space<vmem_shared>>) offsets(%dma_start3A_151 : memref<125xi32, #tpu.memory_space<vmem>>) semaphore(%dma_start3A_156 : memref<!tpu.dma_semaphore, #tpu.memory_space<semaphore_mem>>) {add = true}
      %mul3A_157 = arith.constant 5 : i32
      %mul3A_158 = arith.muli %scan3A_113, %mul3A_157 : i32
      %add3A_159 = arith.constant 1 : i32
      %add3A_160 = arith.addi %mul3A_158, %add3A_159 : i32
      %add3A_161 = arith.constant 3 : i32
      %add3A_162 = arith.addi %add3A_160, %add3A_161 : i32
      %sub3A_163 = arith.constant 5 : i32
      %sub3A_164 = arith.subi %add3A_162, %sub3A_163 : i32
      %ge3A_165 = arith.constant 0 : i32
      %ge3A_166 = arith.cmpi sge, %sub3A_164, %ge3A_165 : i32
      %convert_element_type3A_167 = arith.extui %ge3A_166 : i1 to i32
      %cond3A_168 = arith.constant 0 : i32
      %cond3A_169 = arith.cmpi ne, %convert_element_type3A_167, %cond3A_168 : i32
      scf.if %cond3A_169 {
        %add3A_349 = arith.constant 3 : i32
        %add3A_350 = arith.addi %add3A_160, %add3A_349 : i32
        %sub3A_351 = arith.constant 5 : i32
        %sub3A_352 = arith.subi %add3A_350, %sub3A_351 : i32
        %dma_wait3A_353 = arith.constant 4 : i32
        %dma_wait3A_354 = arith.constant 4 : i32
        %dma_wait3A_355 = arith.constant 0 : i32
        %dma_wait3A_356 = arith.constant 0 : i32
        %dma_wait3A_357 = tpu.memref_slice %arg8[%dma_wait3A_353, %dma_wait3A_355, %dma_wait3A_356] : memref<5x125x64xf32, #tpu.memory_space<vmem>> -> memref<1x125x64xf32, #tpu.memory_space<vmem>>
        %dma_wait3A_358 = tpu.memref_squeeze %dma_wait3A_357 : memref<1x125x64xf32, #tpu.memory_space<vmem>> -> memref<125x64xf32, #tpu.memory_space<vmem>>
        %dma_wait3A_359 = arith.constant 0 : i32
        %dma_wait3A_360 = tpu.memref_slice %arg7[%sub3A_352, %dma_wait3A_359] : memref<160x125xi32, #tpu.memory_space<vmem>> -> memref<1x125xi32, #tpu.memory_space<vmem>>
        %dma_wait3A_361 = tpu.memref_squeeze %dma_wait3A_360 : memref<1x125xi32, #tpu.memory_space<vmem>> -> memref<125xi32, #tpu.memory_space<vmem>>
        %dma_wait3A_362 = arith.constant 0 : i32
        %dma_wait3A_363 = arith.constant 0 : i32
        %dma_wait3A_364 = tpu.memref_slice %arg10[%dma_wait3A_362, %dma_wait3A_363] : memref<10240x64xf32, #tpu.memory_space<vmem_shared>> -> memref<10240x64xf32, #tpu.memory_space<vmem_shared>>
        %dma_wait3A_365 = tpu.memref_slice %arg12[%dma_wait3A_354] : memref<5x!tpu.dma_semaphore, #tpu.memory_space<semaphore_mem>> -> memref<1x!tpu.dma_semaphore, #tpu.memory_space<semaphore_mem>>
        %dma_wait3A_366 = tpu.memref_squeeze %dma_wait3A_365 : memref<1x!tpu.dma_semaphore, #tpu.memory_space<semaphore_mem>> -> memref<!tpu.dma_semaphore, #tpu.memory_space<semaphore_mem>>
        tpu.wait_indirect_dma semaphore(%dma_wait3A_366 : memref<!tpu.dma_semaphore, #tpu.memory_space<semaphore_mem>>) src(%dma_wait3A_358 : memref<125x64xf32, #tpu.memory_space<vmem>>) dst(%dma_wait3A_364 : memref<10240x64xf32, #tpu.memory_space<vmem_shared>>)
      } else {
      }
      %add3A_170 = arith.constant 3 : i32
      %add3A_171 = arith.addi %add3A_160, %add3A_170 : i32
      %lt3A_172 = arith.constant 160 : i32
      %lt3A_173 = arith.cmpi slt, %add3A_171, %lt3A_172 : i32
      %convert_element_type3A_174 = arith.extui %lt3A_173 : i1 to i32
      %cond3A_175 = arith.constant 0 : i32
      %cond3A_176 = arith.cmpi ne, %convert_element_type3A_174, %cond3A_175 : i32
      scf.if %cond3A_176 {
        %add3A_349 = arith.constant 3 : i32
        %add3A_350 = arith.addi %add3A_160, %add3A_349 : i32
        %dma_start3A_351 = arith.constant 4 : i32
        %dma_start3A_352 = arith.constant 4 : i32
        %dma_start3A_353 = arith.constant 0 : i32
        %dma_start3A_354 = arith.constant 0 : i32
        %dma_start3A_355 = tpu.memref_slice %arg8[%dma_start3A_351, %dma_start3A_353, %dma_start3A_354] : memref<5x125x64xf32, #tpu.memory_space<vmem>> -> memref<1x125x64xf32, #tpu.memory_space<vmem>>
        %dma_start3A_356 = tpu.memref_squeeze %dma_start3A_355 : memref<1x125x64xf32, #tpu.memory_space<vmem>> -> memref<125x64xf32, #tpu.memory_space<vmem>>
        %dma_start3A_357 = arith.constant 0 : i32
        %dma_start3A_358 = tpu.memref_slice %arg6[%add3A_350, %dma_start3A_357] : memref<160x125xi32, #tpu.memory_space<vmem>> -> memref<1x125xi32, #tpu.memory_space<vmem>>
        %dma_start3A_359 = tpu.memref_squeeze %dma_start3A_358 : memref<1x125xi32, #tpu.memory_space<vmem>> -> memref<125xi32, #tpu.memory_space<vmem>>
        %dma_start3A_360 = arith.constant 0 : i32
        %dma_start3A_361 = arith.constant 0 : i32
        %dma_start3A_362 = tpu.memref_slice %arg2[%dma_start3A_360, %dma_start3A_361] : memref<20000x64xf32, #tpu.memory_space<hbm>> -> memref<20000x64xf32, #tpu.memory_space<hbm>>
        %dma_start3A_363 = tpu.memref_slice %arg11[%dma_start3A_352] : memref<5x!tpu.dma_semaphore, #tpu.memory_space<semaphore_mem>> -> memref<1x!tpu.dma_semaphore, #tpu.memory_space<semaphore_mem>>
        %dma_start3A_364 = tpu.memref_squeeze %dma_start3A_363 : memref<1x!tpu.dma_semaphore, #tpu.memory_space<semaphore_mem>> -> memref<!tpu.dma_semaphore, #tpu.memory_space<semaphore_mem>>
        tpu.enqueue_indirect_dma source(%dma_start3A_362 : memref<20000x64xf32, #tpu.memory_space<hbm>>) target(%dma_start3A_356 : memref<125x64xf32, #tpu.memory_space<vmem>>) offsets(%dma_start3A_359 : memref<125xi32, #tpu.memory_space<vmem>>) semaphore(%dma_start3A_364 : memref<!tpu.dma_semaphore, #tpu.memory_space<semaphore_mem>>)
      } else {
      }
      %dma_wait3A_177 = arith.constant 1 : i32
      %dma_wait3A_178 = arith.constant 1 : i32
      %dma_wait3A_179 = arith.constant 0 : i32
      %dma_wait3A_180 = arith.constant 0 : i32
      %dma_wait3A_181 = tpu.memref_slice %arg8[%dma_wait3A_177, %dma_wait3A_179, %dma_wait3A_180] : memref<5x125x64xf32, #tpu.memory_space<vmem>> -> memref<1x125x64xf32, #tpu.memory_space<vmem>>
      %dma_wait3A_182 = tpu.memref_squeeze %dma_wait3A_181 : memref<1x125x64xf32, #tpu.memory_space<vmem>> -> memref<125x64xf32, #tpu.memory_space<vmem>>
      %dma_wait3A_183 = arith.constant 0 : i32
      %dma_wait3A_184 = tpu.memref_slice %arg6[%add3A_160, %dma_wait3A_183] : memref<160x125xi32, #tpu.memory_space<vmem>> -> memref<1x125xi32, #tpu.memory_space<vmem>>
      %dma_wait3A_185 = tpu.memref_squeeze %dma_wait3A_184 : memref<1x125xi32, #tpu.memory_space<vmem>> -> memref<125xi32, #tpu.memory_space<vmem>>
      %dma_wait3A_186 = arith.constant 0 : i32
      %dma_wait3A_187 = arith.constant 0 : i32
      %dma_wait3A_188 = tpu.memref_slice %arg2[%dma_wait3A_186, %dma_wait3A_187] : memref<20000x64xf32, #tpu.memory_space<hbm>> -> memref<20000x64xf32, #tpu.memory_space<hbm>>
      %dma_wait3A_189 = tpu.memref_slice %arg11[%dma_wait3A_178] : memref<5x!tpu.dma_semaphore, #tpu.memory_space<semaphore_mem>> -> memref<1x!tpu.dma_semaphore, #tpu.memory_space<semaphore_mem>>
      %dma_wait3A_190 = tpu.memref_squeeze %dma_wait3A_189 : memref<1x!tpu.dma_semaphore, #tpu.memory_space<semaphore_mem>> -> memref<!tpu.dma_semaphore, #tpu.memory_space<semaphore_mem>>
      tpu.wait_indirect_dma semaphore(%dma_wait3A_190 : memref<!tpu.dma_semaphore, #tpu.memory_space<semaphore_mem>>) src(%dma_wait3A_188 : memref<20000x64xf32, #tpu.memory_space<hbm>>) dst(%dma_wait3A_182 : memref<125x64xf32, #tpu.memory_space<vmem>>)
      %dma_start3A_191 = arith.constant 1 : i32
      %dma_start3A_192 = arith.constant 1 : i32
      %dma_start3A_193 = arith.constant 0 : i32
      %dma_start3A_194 = arith.constant 0 : i32
      %dma_start3A_195 = tpu.memref_slice %arg8[%dma_start3A_191, %dma_start3A_193, %dma_start3A_194] : memref<5x125x64xf32, #tpu.memory_space<vmem>> -> memref<1x125x64xf32, #tpu.memory_space<vmem>>
      %dma_start3A_196 = tpu.memref_squeeze %dma_start3A_195 : memref<1x125x64xf32, #tpu.memory_space<vmem>> -> memref<125x64xf32, #tpu.memory_space<vmem>>
      %dma_start3A_197 = arith.constant 0 : i32
      %dma_start3A_198 = tpu.memref_slice %arg7[%add3A_160, %dma_start3A_197] : memref<160x125xi32, #tpu.memory_space<vmem>> -> memref<1x125xi32, #tpu.memory_space<vmem>>
      %dma_start3A_199 = tpu.memref_squeeze %dma_start3A_198 : memref<1x125xi32, #tpu.memory_space<vmem>> -> memref<125xi32, #tpu.memory_space<vmem>>
      %dma_start3A_200 = arith.constant 0 : i32
      %dma_start3A_201 = arith.constant 0 : i32
      %dma_start3A_202 = tpu.memref_slice %arg10[%dma_start3A_200, %dma_start3A_201] : memref<10240x64xf32, #tpu.memory_space<vmem_shared>> -> memref<10240x64xf32, #tpu.memory_space<vmem_shared>>
      %dma_start3A_203 = tpu.memref_slice %arg12[%dma_start3A_192] : memref<5x!tpu.dma_semaphore, #tpu.memory_space<semaphore_mem>> -> memref<1x!tpu.dma_semaphore, #tpu.memory_space<semaphore_mem>>
      %dma_start3A_204 = tpu.memref_squeeze %dma_start3A_203 : memref<1x!tpu.dma_semaphore, #tpu.memory_space<semaphore_mem>> -> memref<!tpu.dma_semaphore, #tpu.memory_space<semaphore_mem>>
      tpu.enqueue_indirect_dma source(%dma_start3A_196 : memref<125x64xf32, #tpu.memory_space<vmem>>) target(%dma_start3A_202 : memref<10240x64xf32, #tpu.memory_space<vmem_shared>>) offsets(%dma_start3A_199 : memref<125xi32, #tpu.memory_space<vmem>>) semaphore(%dma_start3A_204 : memref<!tpu.dma_semaphore, #tpu.memory_space<semaphore_mem>>) {add = true}
      %mul3A_205 = arith.constant 5 : i32
      %mul3A_206 = arith.muli %scan3A_113, %mul3A_205 : i32
      %add3A_207 = arith.constant 2 : i32
      %add3A_208 = arith.addi %mul3A_206, %add3A_207 : i32
      %add3A_209 = arith.constant 3 : i32
      %add3A_210 = arith.addi %add3A_208, %add3A_209 : i32
      %sub3A_211 = arith.constant 5 : i32
      %sub3A_212 = arith.subi %add3A_210, %sub3A_211 : i32
      %ge3A_213 = arith.constant 0 : i32
      %ge3A_214 = arith.cmpi sge, %sub3A_212, %ge3A_213 : i32
      %convert_element_type3A_215 = arith.extui %ge3A_214 : i1 to i32
      %cond3A_216 = arith.constant 0 : i32
      %cond3A_217 = arith.cmpi ne, %convert_element_type3A_215, %cond3A_216 : i32
      scf.if %cond3A_217 {
        %add3A_349 = arith.constant 3 : i32
        %add3A_350 = arith.addi %add3A_208, %add3A_349 : i32
        %sub3A_351 = arith.constant 5 : i32
        %sub3A_352 = arith.subi %add3A_350, %sub3A_351 : i32
        %dma_wait3A_353 = arith.constant 0 : i32
        %dma_wait3A_354 = arith.constant 0 : i32
        %dma_wait3A_355 = arith.constant 0 : i32
        %dma_wait3A_356 = arith.constant 0 : i32
        %dma_wait3A_357 = tpu.memref_slice %arg8[%dma_wait3A_353, %dma_wait3A_355, %dma_wait3A_356] : memref<5x125x64xf32, #tpu.memory_space<vmem>> -> memref<1x125x64xf32, #tpu.memory_space<vmem>>
        %dma_wait3A_358 = tpu.memref_squeeze %dma_wait3A_357 : memref<1x125x64xf32, #tpu.memory_space<vmem>> -> memref<125x64xf32, #tpu.memory_space<vmem>>
        %dma_wait3A_359 = arith.constant 0 : i32
        %dma_wait3A_360 = tpu.memref_slice %arg7[%sub3A_352, %dma_wait3A_359] : memref<160x125xi32, #tpu.memory_space<vmem>> -> memref<1x125xi32, #tpu.memory_space<vmem>>
        %dma_wait3A_361 = tpu.memref_squeeze %dma_wait3A_360 : memref<1x125xi32, #tpu.memory_space<vmem>> -> memref<125xi32, #tpu.memory_space<vmem>>
        %dma_wait3A_362 = arith.constant 0 : i32
        %dma_wait3A_363 = arith.constant 0 : i32
        %dma_wait3A_364 = tpu.memref_slice %arg10[%dma_wait3A_362, %dma_wait3A_363] : memref<10240x64xf32, #tpu.memory_space<vmem_shared>> -> memref<10240x64xf32, #tpu.memory_space<vmem_shared>>
        %dma_wait3A_365 = tpu.memref_slice %arg12[%dma_wait3A_354] : memref<5x!tpu.dma_semaphore, #tpu.memory_space<semaphore_mem>> -> memref<1x!tpu.dma_semaphore, #tpu.memory_space<semaphore_mem>>
        %dma_wait3A_366 = tpu.memref_squeeze %dma_wait3A_365 : memref<1x!tpu.dma_semaphore, #tpu.memory_space<semaphore_mem>> -> memref<!tpu.dma_semaphore, #tpu.memory_space<semaphore_mem>>
        tpu.wait_indirect_dma semaphore(%dma_wait3A_366 : memref<!tpu.dma_semaphore, #tpu.memory_space<semaphore_mem>>) src(%dma_wait3A_358 : memref<125x64xf32, #tpu.memory_space<vmem>>) dst(%dma_wait3A_364 : memref<10240x64xf32, #tpu.memory_space<vmem_shared>>)
      } else {
      }
      %add3A_218 = arith.constant 3 : i32
      %add3A_219 = arith.addi %add3A_208, %add3A_218 : i32
      %lt3A_220 = arith.constant 160 : i32
      %lt3A_221 = arith.cmpi slt, %add3A_219, %lt3A_220 : i32
      %convert_element_type3A_222 = arith.extui %lt3A_221 : i1 to i32
      %cond3A_223 = arith.constant 0 : i32
      %cond3A_224 = arith.cmpi ne, %convert_element_type3A_222, %cond3A_223 : i32
      scf.if %cond3A_224 {
        %add3A_349 = arith.constant 3 : i32
        %add3A_350 = arith.addi %add3A_208, %add3A_349 : i32
        %dma_start3A_351 = arith.constant 0 : i32
        %dma_start3A_352 = arith.constant 0 : i32
        %dma_start3A_353 = arith.constant 0 : i32
        %dma_start3A_354 = arith.constant 0 : i32
        %dma_start3A_355 = tpu.memref_slice %arg8[%dma_start3A_351, %dma_start3A_353, %dma_start3A_354] : memref<5x125x64xf32, #tpu.memory_space<vmem>> -> memref<1x125x64xf32, #tpu.memory_space<vmem>>
        %dma_start3A_356 = tpu.memref_squeeze %dma_start3A_355 : memref<1x125x64xf32, #tpu.memory_space<vmem>> -> memref<125x64xf32, #tpu.memory_space<vmem>>
        %dma_start3A_357 = arith.constant 0 : i32
        %dma_start3A_358 = tpu.memref_slice %arg6[%add3A_350, %dma_start3A_357] : memref<160x125xi32, #tpu.memory_space<vmem>> -> memref<1x125xi32, #tpu.memory_space<vmem>>
        %dma_start3A_359 = tpu.memref_squeeze %dma_start3A_358 : memref<1x125xi32, #tpu.memory_space<vmem>> -> memref<125xi32, #tpu.memory_space<vmem>>
        %dma_start3A_360 = arith.constant 0 : i32
        %dma_start3A_361 = arith.constant 0 : i32
        %dma_start3A_362 = tpu.memref_slice %arg2[%dma_start3A_360, %dma_start3A_361] : memref<20000x64xf32, #tpu.memory_space<hbm>> -> memref<20000x64xf32, #tpu.memory_space<hbm>>
        %dma_start3A_363 = tpu.memref_slice %arg11[%dma_start3A_352] : memref<5x!tpu.dma_semaphore, #tpu.memory_space<semaphore_mem>> -> memref<1x!tpu.dma_semaphore, #tpu.memory_space<semaphore_mem>>
        %dma_start3A_364 = tpu.memref_squeeze %dma_start3A_363 : memref<1x!tpu.dma_semaphore, #tpu.memory_space<semaphore_mem>> -> memref<!tpu.dma_semaphore, #tpu.memory_space<semaphore_mem>>
        tpu.enqueue_indirect_dma source(%dma_start3A_362 : memref<20000x64xf32, #tpu.memory_space<hbm>>) target(%dma_start3A_356 : memref<125x64xf32, #tpu.memory_space<vmem>>) offsets(%dma_start3A_359 : memref<125xi32, #tpu.memory_space<vmem>>) semaphore(%dma_start3A_364 : memref<!tpu.dma_semaphore, #tpu.memory_space<semaphore_mem>>)
      } else {
      }
      %dma_wait3A_225 = arith.constant 2 : i32
      %dma_wait3A_226 = arith.constant 2 : i32
      %dma_wait3A_227 = arith.constant 0 : i32
      %dma_wait3A_228 = arith.constant 0 : i32
      %dma_wait3A_229 = tpu.memref_slice %arg8[%dma_wait3A_225, %dma_wait3A_227, %dma_wait3A_228] : memref<5x125x64xf32, #tpu.memory_space<vmem>> -> memref<1x125x64xf32, #tpu.memory_space<vmem>>
      %dma_wait3A_230 = tpu.memref_squeeze %dma_wait3A_229 : memref<1x125x64xf32, #tpu.memory_space<vmem>> -> memref<125x64xf32, #tpu.memory_space<vmem>>
      %dma_wait3A_231 = arith.constant 0 : i32
      %dma_wait3A_232 = tpu.memref_slice %arg6[%add3A_208, %dma_wait3A_231] : memref<160x125xi32, #tpu.memory_space<vmem>> -> memref<1x125xi32, #tpu.memory_space<vmem>>
      %dma_wait3A_233 = tpu.memref_squeeze %dma_wait3A_232 : memref<1x125xi32, #tpu.memory_space<vmem>> -> memref<125xi32, #tpu.memory_space<vmem>>
      %dma_wait3A_234 = arith.constant 0 : i32
      %dma_wait3A_235 = arith.constant 0 : i32
      %dma_wait3A_236 = tpu.memref_slice %arg2[%dma_wait3A_234, %dma_wait3A_235] : memref<20000x64xf32, #tpu.memory_space<hbm>> -> memref<20000x64xf32, #tpu.memory_space<hbm>>
      %dma_wait3A_237 = tpu.memref_slice %arg11[%dma_wait3A_226] : memref<5x!tpu.dma_semaphore, #tpu.memory_space<semaphore_mem>> -> memref<1x!tpu.dma_semaphore, #tpu.memory_space<semaphore_mem>>
      %dma_wait3A_238 = tpu.memref_squeeze %dma_wait3A_237 : memref<1x!tpu.dma_semaphore, #tpu.memory_space<semaphore_mem>> -> memref<!tpu.dma_semaphore, #tpu.memory_space<semaphore_mem>>
      tpu.wait_indirect_dma semaphore(%dma_wait3A_238 : memref<!tpu.dma_semaphore, #tpu.memory_space<semaphore_mem>>) src(%dma_wait3A_236 : memref<20000x64xf32, #tpu.memory_space<hbm>>) dst(%dma_wait3A_230 : memref<125x64xf32, #tpu.memory_space<vmem>>)
      %dma_start3A_239 = arith.constant 2 : i32
      %dma_start3A_240 = arith.constant 2 : i32
      %dma_start3A_241 = arith.constant 0 : i32
      %dma_start3A_242 = arith.constant 0 : i32
      %dma_start3A_243 = tpu.memref_slice %arg8[%dma_start3A_239, %dma_start3A_241, %dma_start3A_242] : memref<5x125x64xf32, #tpu.memory_space<vmem>> -> memref<1x125x64xf32, #tpu.memory_space<vmem>>
      %dma_start3A_244 = tpu.memref_squeeze %dma_start3A_243 : memref<1x125x64xf32, #tpu.memory_space<vmem>> -> memref<125x64xf32, #tpu.memory_space<vmem>>
      %dma_start3A_245 = arith.constant 0 : i32
      %dma_start3A_246 = tpu.memref_slice %arg7[%add3A_208, %dma_start3A_245] : memref<160x125xi32, #tpu.memory_space<vmem>> -> memref<1x125xi32, #tpu.memory_space<vmem>>
      %dma_start3A_247 = tpu.memref_squeeze %dma_start3A_246 : memref<1x125xi32, #tpu.memory_space<vmem>> -> memref<125xi32, #tpu.memory_space<vmem>>
      %dma_start3A_248 = arith.constant 0 : i32
      %dma_start3A_249 = arith.constant 0 : i32
      %dma_start3A_250 = tpu.memref_slice %arg10[%dma_start3A_248, %dma_start3A_249] : memref<10240x64xf32, #tpu.memory_space<vmem_shared>> -> memref<10240x64xf32, #tpu.memory_space<vmem_shared>>
      %dma_start3A_251 = tpu.memref_slice %arg12[%dma_start3A_240] : memref<5x!tpu.dma_semaphore, #tpu.memory_space<semaphore_mem>> -> memref<1x!tpu.dma_semaphore, #tpu.memory_space<semaphore_mem>>
      %dma_start3A_252 = tpu.memref_squeeze %dma_start3A_251 : memref<1x!tpu.dma_semaphore, #tpu.memory_space<semaphore_mem>> -> memref<!tpu.dma_semaphore, #tpu.memory_space<semaphore_mem>>
      tpu.enqueue_indirect_dma source(%dma_start3A_244 : memref<125x64xf32, #tpu.memory_space<vmem>>) target(%dma_start3A_250 : memref<10240x64xf32, #tpu.memory_space<vmem_shared>>) offsets(%dma_start3A_247 : memref<125xi32, #tpu.memory_space<vmem>>) semaphore(%dma_start3A_252 : memref<!tpu.dma_semaphore, #tpu.memory_space<semaphore_mem>>) {add = true}
      %mul3A_253 = arith.constant 5 : i32
      %mul3A_254 = arith.muli %scan3A_113, %mul3A_253 : i32
      %add3A_255 = arith.constant 3 : i32
      %add3A_256 = arith.addi %mul3A_254, %add3A_255 : i32
      %add3A_257 = arith.constant 3 : i32
      %add3A_258 = arith.addi %add3A_256, %add3A_257 : i32
      %sub3A_259 = arith.constant 5 : i32
      %sub3A_260 = arith.subi %add3A_258, %sub3A_259 : i32
      %ge3A_261 = arith.constant 0 : i32
      %ge3A_262 = arith.cmpi sge, %sub3A_260, %ge3A_261 : i32
      %convert_element_type3A_263 = arith.extui %ge3A_262 : i1 to i32
      %cond3A_264 = arith.constant 0 : i32
      %cond3A_265 = arith.cmpi ne, %convert_element_type3A_263, %cond3A_264 : i32
      scf.if %cond3A_265 {
        %add3A_349 = arith.constant 3 : i32
        %add3A_350 = arith.addi %add3A_256, %add3A_349 : i32
        %sub3A_351 = arith.constant 5 : i32
        %sub3A_352 = arith.subi %add3A_350, %sub3A_351 : i32
        %dma_wait3A_353 = arith.constant 1 : i32
        %dma_wait3A_354 = arith.constant 1 : i32
        %dma_wait3A_355 = arith.constant 0 : i32
        %dma_wait3A_356 = arith.constant 0 : i32
        %dma_wait3A_357 = tpu.memref_slice %arg8[%dma_wait3A_353, %dma_wait3A_355, %dma_wait3A_356] : memref<5x125x64xf32, #tpu.memory_space<vmem>> -> memref<1x125x64xf32, #tpu.memory_space<vmem>>
        %dma_wait3A_358 = tpu.memref_squeeze %dma_wait3A_357 : memref<1x125x64xf32, #tpu.memory_space<vmem>> -> memref<125x64xf32, #tpu.memory_space<vmem>>
        %dma_wait3A_359 = arith.constant 0 : i32
        %dma_wait3A_360 = tpu.memref_slice %arg7[%sub3A_352, %dma_wait3A_359] : memref<160x125xi32, #tpu.memory_space<vmem>> -> memref<1x125xi32, #tpu.memory_space<vmem>>
        %dma_wait3A_361 = tpu.memref_squeeze %dma_wait3A_360 : memref<1x125xi32, #tpu.memory_space<vmem>> -> memref<125xi32, #tpu.memory_space<vmem>>
        %dma_wait3A_362 = arith.constant 0 : i32
        %dma_wait3A_363 = arith.constant 0 : i32
        %dma_wait3A_364 = tpu.memref_slice %arg10[%dma_wait3A_362, %dma_wait3A_363] : memref<10240x64xf32, #tpu.memory_space<vmem_shared>> -> memref<10240x64xf32, #tpu.memory_space<vmem_shared>>
        %dma_wait3A_365 = tpu.memref_slice %arg12[%dma_wait3A_354] : memref<5x!tpu.dma_semaphore, #tpu.memory_space<semaphore_mem>> -> memref<1x!tpu.dma_semaphore, #tpu.memory_space<semaphore_mem>>
        %dma_wait3A_366 = tpu.memref_squeeze %dma_wait3A_365 : memref<1x!tpu.dma_semaphore, #tpu.memory_space<semaphore_mem>> -> memref<!tpu.dma_semaphore, #tpu.memory_space<semaphore_mem>>
        tpu.wait_indirect_dma semaphore(%dma_wait3A_366 : memref<!tpu.dma_semaphore, #tpu.memory_space<semaphore_mem>>) src(%dma_wait3A_358 : memref<125x64xf32, #tpu.memory_space<vmem>>) dst(%dma_wait3A_364 : memref<10240x64xf32, #tpu.memory_space<vmem_shared>>)
      } else {
      }
      %add3A_266 = arith.constant 3 : i32
      %add3A_267 = arith.addi %add3A_256, %add3A_266 : i32
      %lt3A_268 = arith.constant 160 : i32
      %lt3A_269 = arith.cmpi slt, %add3A_267, %lt3A_268 : i32
      %convert_element_type3A_270 = arith.extui %lt3A_269 : i1 to i32
      %cond3A_271 = arith.constant 0 : i32
      %cond3A_272 = arith.cmpi ne, %convert_element_type3A_270, %cond3A_271 : i32
      scf.if %cond3A_272 {
        %add3A_349 = arith.constant 3 : i32
        %add3A_350 = arith.addi %add3A_256, %add3A_349 : i32
        %dma_start3A_351 = arith.constant 1 : i32
        %dma_start3A_352 = arith.constant 1 : i32
        %dma_start3A_353 = arith.constant 0 : i32
        %dma_start3A_354 = arith.constant 0 : i32
        %dma_start3A_355 = tpu.memref_slice %arg8[%dma_start3A_351, %dma_start3A_353, %dma_start3A_354] : memref<5x125x64xf32, #tpu.memory_space<vmem>> -> memref<1x125x64xf32, #tpu.memory_space<vmem>>
        %dma_start3A_356 = tpu.memref_squeeze %dma_start3A_355 : memref<1x125x64xf32, #tpu.memory_space<vmem>> -> memref<125x64xf32, #tpu.memory_space<vmem>>
        %dma_start3A_357 = arith.constant 0 : i32
        %dma_start3A_358 = tpu.memref_slice %arg6[%add3A_350, %dma_start3A_357] : memref<160x125xi32, #tpu.memory_space<vmem>> -> memref<1x125xi32, #tpu.memory_space<vmem>>
        %dma_start3A_359 = tpu.memref_squeeze %dma_start3A_358 : memref<1x125xi32, #tpu.memory_space<vmem>> -> memref<125xi32, #tpu.memory_space<vmem>>
        %dma_start3A_360 = arith.constant 0 : i32
        %dma_start3A_361 = arith.constant 0 : i32
        %dma_start3A_362 = tpu.memref_slice %arg2[%dma_start3A_360, %dma_start3A_361] : memref<20000x64xf32, #tpu.memory_space<hbm>> -> memref<20000x64xf32, #tpu.memory_space<hbm>>
        %dma_start3A_363 = tpu.memref_slice %arg11[%dma_start3A_352] : memref<5x!tpu.dma_semaphore, #tpu.memory_space<semaphore_mem>> -> memref<1x!tpu.dma_semaphore, #tpu.memory_space<semaphore_mem>>
        %dma_start3A_364 = tpu.memref_squeeze %dma_start3A_363 : memref<1x!tpu.dma_semaphore, #tpu.memory_space<semaphore_mem>> -> memref<!tpu.dma_semaphore, #tpu.memory_space<semaphore_mem>>
        tpu.enqueue_indirect_dma source(%dma_start3A_362 : memref<20000x64xf32, #tpu.memory_space<hbm>>) target(%dma_start3A_356 : memref<125x64xf32, #tpu.memory_space<vmem>>) offsets(%dma_start3A_359 : memref<125xi32, #tpu.memory_space<vmem>>) semaphore(%dma_start3A_364 : memref<!tpu.dma_semaphore, #tpu.memory_space<semaphore_mem>>)
      } else {
      }
      %dma_wait3A_273 = arith.constant 3 : i32
      %dma_wait3A_274 = arith.constant 3 : i32
      %dma_wait3A_275 = arith.constant 0 : i32
      %dma_wait3A_276 = arith.constant 0 : i32
      %dma_wait3A_277 = tpu.memref_slice %arg8[%dma_wait3A_273, %dma_wait3A_275, %dma_wait3A_276] : memref<5x125x64xf32, #tpu.memory_space<vmem>> -> memref<1x125x64xf32, #tpu.memory_space<vmem>>
      %dma_wait3A_278 = tpu.memref_squeeze %dma_wait3A_277 : memref<1x125x64xf32, #tpu.memory_space<vmem>> -> memref<125x64xf32, #tpu.memory_space<vmem>>
      %dma_wait3A_279 = arith.constant 0 : i32
      %dma_wait3A_280 = tpu.memref_slice %arg6[%add3A_256, %dma_wait3A_279] : memref<160x125xi32, #tpu.memory_space<vmem>> -> memref<1x125xi32, #tpu.memory_space<vmem>>
      %dma_wait3A_281 = tpu.memref_squeeze %dma_wait3A_280 : memref<1x125xi32, #tpu.memory_space<vmem>> -> memref<125xi32, #tpu.memory_space<vmem>>
      %dma_wait3A_282 = arith.constant 0 : i32
      %dma_wait3A_283 = arith.constant 0 : i32
      %dma_wait3A_284 = tpu.memref_slice %arg2[%dma_wait3A_282, %dma_wait3A_283] : memref<20000x64xf32, #tpu.memory_space<hbm>> -> memref<20000x64xf32, #tpu.memory_space<hbm>>
      %dma_wait3A_285 = tpu.memref_slice %arg11[%dma_wait3A_274] : memref<5x!tpu.dma_semaphore, #tpu.memory_space<semaphore_mem>> -> memref<1x!tpu.dma_semaphore, #tpu.memory_space<semaphore_mem>>
      %dma_wait3A_286 = tpu.memref_squeeze %dma_wait3A_285 : memref<1x!tpu.dma_semaphore, #tpu.memory_space<semaphore_mem>> -> memref<!tpu.dma_semaphore, #tpu.memory_space<semaphore_mem>>
      tpu.wait_indirect_dma semaphore(%dma_wait3A_286 : memref<!tpu.dma_semaphore, #tpu.memory_space<semaphore_mem>>) src(%dma_wait3A_284 : memref<20000x64xf32, #tpu.memory_space<hbm>>) dst(%dma_wait3A_278 : memref<125x64xf32, #tpu.memory_space<vmem>>)
      %dma_start3A_287 = arith.constant 3 : i32
      %dma_start3A_288 = arith.constant 3 : i32
      %dma_start3A_289 = arith.constant 0 : i32
      %dma_start3A_290 = arith.constant 0 : i32
      %dma_start3A_291 = tpu.memref_slice %arg8[%dma_start3A_287, %dma_start3A_289, %dma_start3A_290] : memref<5x125x64xf32, #tpu.memory_space<vmem>> -> memref<1x125x64xf32, #tpu.memory_space<vmem>>
      %dma_start3A_292 = tpu.memref_squeeze %dma_start3A_291 : memref<1x125x64xf32, #tpu.memory_space<vmem>> -> memref<125x64xf32, #tpu.memory_space<vmem>>
      %dma_start3A_293 = arith.constant 0 : i32
      %dma_start3A_294 = tpu.memref_slice %arg7[%add3A_256, %dma_start3A_293] : memref<160x125xi32, #tpu.memory_space<vmem>> -> memref<1x125xi32, #tpu.memory_space<vmem>>
      %dma_start3A_295 = tpu.memref_squeeze %dma_start3A_294 : memref<1x125xi32, #tpu.memory_space<vmem>> -> memref<125xi32, #tpu.memory_space<vmem>>
      %dma_start3A_296 = arith.constant 0 : i32
      %dma_start3A_297 = arith.constant 0 : i32
      %dma_start3A_298 = tpu.memref_slice %arg10[%dma_start3A_296, %dma_start3A_297] : memref<10240x64xf32, #tpu.memory_space<vmem_shared>> -> memref<10240x64xf32, #tpu.memory_space<vmem_shared>>
      %dma_start3A_299 = tpu.memref_slice %arg12[%dma_start3A_288] : memref<5x!tpu.dma_semaphore, #tpu.memory_space<semaphore_mem>> -> memref<1x!tpu.dma_semaphore, #tpu.memory_space<semaphore_mem>>
      %dma_start3A_300 = tpu.memref_squeeze %dma_start3A_299 : memref<1x!tpu.dma_semaphore, #tpu.memory_space<semaphore_mem>> -> memref<!tpu.dma_semaphore, #tpu.memory_space<semaphore_mem>>
      tpu.enqueue_indirect_dma source(%dma_start3A_292 : memref<125x64xf32, #tpu.memory_space<vmem>>) target(%dma_start3A_298 : memref<10240x64xf32, #tpu.memory_space<vmem_shared>>) offsets(%dma_start3A_295 : memref<125xi32, #tpu.memory_space<vmem>>) semaphore(%dma_start3A_300 : memref<!tpu.dma_semaphore, #tpu.memory_space<semaphore_mem>>) {add = true}
      %mul3A_301 = arith.constant 5 : i32
      %mul3A_302 = arith.muli %scan3A_113, %mul3A_301 : i32
      %add3A_303 = arith.constant 4 : i32
      %add3A_304 = arith.addi %mul3A_302, %add3A_303 : i32
      %add3A_305 = arith.constant 3 : i32
      %add3A_306 = arith.addi %add3A_304, %add3A_305 : i32
      %sub3A_307 = arith.constant 5 : i32
      %sub3A_308 = arith.subi %add3A_306, %sub3A_307 : i32
      %ge3A_309 = arith.constant 0 : i32
      %ge3A_310 = arith.cmpi sge, %sub3A_308, %ge3A_309 : i32
      %convert_element_type3A_311 = arith.extui %ge3A_310 : i1 to i32
      %cond3A_312 = arith.constant 0 : i32
      %cond3A_313 = arith.cmpi ne, %convert_element_type3A_311, %cond3A_312 : i32
      scf.if %cond3A_313 {
        %add3A_349 = arith.constant 3 : i32
        %add3A_350 = arith.addi %add3A_304, %add3A_349 : i32
        %sub3A_351 = arith.constant 5 : i32
        %sub3A_352 = arith.subi %add3A_350, %sub3A_351 : i32
        %dma_wait3A_353 = arith.constant 2 : i32
        %dma_wait3A_354 = arith.constant 2 : i32
        %dma_wait3A_355 = arith.constant 0 : i32
        %dma_wait3A_356 = arith.constant 0 : i32
        %dma_wait3A_357 = tpu.memref_slice %arg8[%dma_wait3A_353, %dma_wait3A_355, %dma_wait3A_356] : memref<5x125x64xf32, #tpu.memory_space<vmem>> -> memref<1x125x64xf32, #tpu.memory_space<vmem>>
        %dma_wait3A_358 = tpu.memref_squeeze %dma_wait3A_357 : memref<1x125x64xf32, #tpu.memory_space<vmem>> -> memref<125x64xf32, #tpu.memory_space<vmem>>
        %dma_wait3A_359 = arith.constant 0 : i32
        %dma_wait3A_360 = tpu.memref_slice %arg7[%sub3A_352, %dma_wait3A_359] : memref<160x125xi32, #tpu.memory_space<vmem>> -> memref<1x125xi32, #tpu.memory_space<vmem>>
        %dma_wait3A_361 = tpu.memref_squeeze %dma_wait3A_360 : memref<1x125xi32, #tpu.memory_space<vmem>> -> memref<125xi32, #tpu.memory_space<vmem>>
        %dma_wait3A_362 = arith.constant 0 : i32
        %dma_wait3A_363 = arith.constant 0 : i32
        %dma_wait3A_364 = tpu.memref_slice %arg10[%dma_wait3A_362, %dma_wait3A_363] : memref<10240x64xf32, #tpu.memory_space<vmem_shared>> -> memref<10240x64xf32, #tpu.memory_space<vmem_shared>>
        %dma_wait3A_365 = tpu.memref_slice %arg12[%dma_wait3A_354] : memref<5x!tpu.dma_semaphore, #tpu.memory_space<semaphore_mem>> -> memref<1x!tpu.dma_semaphore, #tpu.memory_space<semaphore_mem>>
        %dma_wait3A_366 = tpu.memref_squeeze %dma_wait3A_365 : memref<1x!tpu.dma_semaphore, #tpu.memory_space<semaphore_mem>> -> memref<!tpu.dma_semaphore, #tpu.memory_space<semaphore_mem>>
        tpu.wait_indirect_dma semaphore(%dma_wait3A_366 : memref<!tpu.dma_semaphore, #tpu.memory_space<semaphore_mem>>) src(%dma_wait3A_358 : memref<125x64xf32, #tpu.memory_space<vmem>>) dst(%dma_wait3A_364 : memref<10240x64xf32, #tpu.memory_space<vmem_shared>>)
      } else {
      }
      %add3A_314 = arith.constant 3 : i32
      %add3A_315 = arith.addi %add3A_304, %add3A_314 : i32
      %lt3A_316 = arith.constant 160 : i32
      %lt3A_317 = arith.cmpi slt, %add3A_315, %lt3A_316 : i32
      %convert_element_type3A_318 = arith.extui %lt3A_317 : i1 to i32
      %cond3A_319 = arith.constant 0 : i32
      %cond3A_320 = arith.cmpi ne, %convert_element_type3A_318, %cond3A_319 : i32
      scf.if %cond3A_320 {
        %add3A_349 = arith.constant 3 : i32
        %add3A_350 = arith.addi %add3A_304, %add3A_349 : i32
        %dma_start3A_351 = arith.constant 2 : i32
        %dma_start3A_352 = arith.constant 2 : i32
        %dma_start3A_353 = arith.constant 0 : i32
        %dma_start3A_354 = arith.constant 0 : i32
        %dma_start3A_355 = tpu.memref_slice %arg8[%dma_start3A_351, %dma_start3A_353, %dma_start3A_354] : memref<5x125x64xf32, #tpu.memory_space<vmem>> -> memref<1x125x64xf32, #tpu.memory_space<vmem>>
        %dma_start3A_356 = tpu.memref_squeeze %dma_start3A_355 : memref<1x125x64xf32, #tpu.memory_space<vmem>> -> memref<125x64xf32, #tpu.memory_space<vmem>>
        %dma_start3A_357 = arith.constant 0 : i32
        %dma_start3A_358 = tpu.memref_slice %arg6[%add3A_350, %dma_start3A_357] : memref<160x125xi32, #tpu.memory_space<vmem>> -> memref<1x125xi32, #tpu.memory_space<vmem>>
        %dma_start3A_359 = tpu.memref_squeeze %dma_start3A_358 : memref<1x125xi32, #tpu.memory_space<vmem>> -> memref<125xi32, #tpu.memory_space<vmem>>
        %dma_start3A_360 = arith.constant 0 : i32
        %dma_start3A_361 = arith.constant 0 : i32
        %dma_start3A_362 = tpu.memref_slice %arg2[%dma_start3A_360, %dma_start3A_361] : memref<20000x64xf32, #tpu.memory_space<hbm>> -> memref<20000x64xf32, #tpu.memory_space<hbm>>
        %dma_start3A_363 = tpu.memref_slice %arg11[%dma_start3A_352] : memref<5x!tpu.dma_semaphore, #tpu.memory_space<semaphore_mem>> -> memref<1x!tpu.dma_semaphore, #tpu.memory_space<semaphore_mem>>
        %dma_start3A_364 = tpu.memref_squeeze %dma_start3A_363 : memref<1x!tpu.dma_semaphore, #tpu.memory_space<semaphore_mem>> -> memref<!tpu.dma_semaphore, #tpu.memory_space<semaphore_mem>>
        tpu.enqueue_indirect_dma source(%dma_start3A_362 : memref<20000x64xf32, #tpu.memory_space<hbm>>) target(%dma_start3A_356 : memref<125x64xf32, #tpu.memory_space<vmem>>) offsets(%dma_start3A_359 : memref<125xi32, #tpu.memory_space<vmem>>) semaphore(%dma_start3A_364 : memref<!tpu.dma_semaphore, #tpu.memory_space<semaphore_mem>>)
      } else {
      }
      %dma_wait3A_321 = arith.constant 4 : i32
      %dma_wait3A_322 = arith.constant 4 : i32
      %dma_wait3A_323 = arith.constant 0 : i32
      %dma_wait3A_324 = arith.constant 0 : i32
      %dma_wait3A_325 = tpu.memref_slice %arg8[%dma_wait3A_321, %dma_wait3A_323, %dma_wait3A_324] : memref<5x125x64xf32, #tpu.memory_space<vmem>> -> memref<1x125x64xf32, #tpu.memory_space<vmem>>
      %dma_wait3A_326 = tpu.memref_squeeze %dma_wait3A_325 : memref<1x125x64xf32, #tpu.memory_space<vmem>> -> memref<125x64xf32, #tpu.memory_space<vmem>>
      %dma_wait3A_327 = arith.constant 0 : i32
      %dma_wait3A_328 = tpu.memref_slice %arg6[%add3A_304, %dma_wait3A_327] : memref<160x125xi32, #tpu.memory_space<vmem>> -> memref<1x125xi32, #tpu.memory_space<vmem>>
      %dma_wait3A_329 = tpu.memref_squeeze %dma_wait3A_328 : memref<1x125xi32, #tpu.memory_space<vmem>> -> memref<125xi32, #tpu.memory_space<vmem>>
      %dma_wait3A_330 = arith.constant 0 : i32
      %dma_wait3A_331 = arith.constant 0 : i32
      %dma_wait3A_332 = tpu.memref_slice %arg2[%dma_wait3A_330, %dma_wait3A_331] : memref<20000x64xf32, #tpu.memory_space<hbm>> -> memref<20000x64xf32, #tpu.memory_space<hbm>>
      %dma_wait3A_333 = tpu.memref_slice %arg11[%dma_wait3A_322] : memref<5x!tpu.dma_semaphore, #tpu.memory_space<semaphore_mem>> -> memref<1x!tpu.dma_semaphore, #tpu.memory_space<semaphore_mem>>
      %dma_wait3A_334 = tpu.memref_squeeze %dma_wait3A_333 : memref<1x!tpu.dma_semaphore, #tpu.memory_space<semaphore_mem>> -> memref<!tpu.dma_semaphore, #tpu.memory_space<semaphore_mem>>
      tpu.wait_indirect_dma semaphore(%dma_wait3A_334 : memref<!tpu.dma_semaphore, #tpu.memory_space<semaphore_mem>>) src(%dma_wait3A_332 : memref<20000x64xf32, #tpu.memory_space<hbm>>) dst(%dma_wait3A_326 : memref<125x64xf32, #tpu.memory_space<vmem>>)
      %dma_start3A_335 = arith.constant 4 : i32
      %dma_start3A_336 = arith.constant 4 : i32
      %dma_start3A_337 = arith.constant 0 : i32
      %dma_start3A_338 = arith.constant 0 : i32
      %dma_start3A_339 = tpu.memref_slice %arg8[%dma_start3A_335, %dma_start3A_337, %dma_start3A_338] : memref<5x125x64xf32, #tpu.memory_space<vmem>> -> memref<1x125x64xf32, #tpu.memory_space<vmem>>
      %dma_start3A_340 = tpu.memref_squeeze %dma_start3A_339 : memref<1x125x64xf32, #tpu.memory_space<vmem>> -> memref<125x64xf32, #tpu.memory_space<vmem>>
      %dma_start3A_341 = arith.constant 0 : i32
      %dma_start3A_342 = tpu.memref_slice %arg7[%add3A_304, %dma_start3A_341] : memref<160x125xi32, #tpu.memory_space<vmem>> -> memref<1x125xi32, #tpu.memory_space<vmem>>
      %dma_start3A_343 = tpu.memref_squeeze %dma_start3A_342 : memref<1x125xi32, #tpu.memory_space<vmem>> -> memref<125xi32, #tpu.memory_space<vmem>>
      %dma_start3A_344 = arith.constant 0 : i32
      %dma_start3A_345 = arith.constant 0 : i32
      %dma_start3A_346 = tpu.memref_slice %arg10[%dma_start3A_344, %dma_start3A_345] : memref<10240x64xf32, #tpu.memory_space<vmem_shared>> -> memref<10240x64xf32, #tpu.memory_space<vmem_shared>>
      %dma_start3A_347 = tpu.memref_slice %arg12[%dma_start3A_336] : memref<5x!tpu.dma_semaphore, #tpu.memory_space<semaphore_mem>> -> memref<1x!tpu.dma_semaphore, #tpu.memory_space<semaphore_mem>>
      %dma_start3A_348 = tpu.memref_squeeze %dma_start3A_347 : memref<1x!tpu.dma_semaphore, #tpu.memory_space<semaphore_mem>> -> memref<!tpu.dma_semaphore, #tpu.memory_space<semaphore_mem>>
      tpu.enqueue_indirect_dma source(%dma_start3A_340 : memref<125x64xf32, #tpu.memory_space<vmem>>) target(%dma_start3A_346 : memref<10240x64xf32, #tpu.memory_space<vmem_shared>>) offsets(%dma_start3A_343 : memref<125xi32, #tpu.memory_space<vmem>>) semaphore(%dma_start3A_348 : memref<!tpu.dma_semaphore, #tpu.memory_space<semaphore_mem>>) {add = true}
    }
    %scan3A_76 = arith.constant 32 : i32
    %dma_wait3A = arith.constant 3 : i32
    %dma_wait3A_77 = arith.constant 158 : i32
    %dma_wait3A_78 = arith.constant 3 : i32
    %dma_wait3A_79 = arith.constant 0 : i32
    %dma_wait3A_80 = arith.constant 0 : i32
    %dma_wait3A_81 = tpu.memref_slice %arg8[%dma_wait3A, %dma_wait3A_79, %dma_wait3A_80] : memref<5x125x64xf32, #tpu.memory_space<vmem>> -> memref<1x125x64xf32, #tpu.memory_space<vmem>>
    %dma_wait3A_82 = tpu.memref_squeeze %dma_wait3A_81 : memref<1x125x64xf32, #tpu.memory_space<vmem>> -> memref<125x64xf32, #tpu.memory_space<vmem>>
    %dma_wait3A_83 = arith.constant 0 : i32
    %dma_wait3A_84 = tpu.memref_slice %arg7[%dma_wait3A_77, %dma_wait3A_83] : memref<160x125xi32, #tpu.memory_space<vmem>> -> memref<1x125xi32, #tpu.memory_space<vmem>>
    %dma_wait3A_85 = tpu.memref_squeeze %dma_wait3A_84 : memref<1x125xi32, #tpu.memory_space<vmem>> -> memref<125xi32, #tpu.memory_space<vmem>>
    %dma_wait3A_86 = arith.constant 0 : i32
    %dma_wait3A_87 = arith.constant 0 : i32
    %dma_wait3A_88 = tpu.memref_slice %arg10[%dma_wait3A_86, %dma_wait3A_87] : memref<10240x64xf32, #tpu.memory_space<vmem_shared>> -> memref<10240x64xf32, #tpu.memory_space<vmem_shared>>
    %dma_wait3A_89 = tpu.memref_slice %arg12[%dma_wait3A_78] : memref<5x!tpu.dma_semaphore, #tpu.memory_space<semaphore_mem>> -> memref<1x!tpu.dma_semaphore, #tpu.memory_space<semaphore_mem>>
    %dma_wait3A_90 = tpu.memref_squeeze %dma_wait3A_89 : memref<1x!tpu.dma_semaphore, #tpu.memory_space<semaphore_mem>> -> memref<!tpu.dma_semaphore, #tpu.memory_space<semaphore_mem>>
    tpu.wait_indirect_dma semaphore(%dma_wait3A_90 : memref<!tpu.dma_semaphore, #tpu.memory_space<semaphore_mem>>) src(%dma_wait3A_82 : memref<125x64xf32, #tpu.memory_space<vmem>>) dst(%dma_wait3A_88 : memref<10240x64xf32, #tpu.memory_space<vmem_shared>>)
    %dma_wait3A_91 = arith.constant 4 : i32
    %dma_wait3A_92 = arith.constant 159 : i32
    %dma_wait3A_93 = arith.constant 4 : i32
    %dma_wait3A_94 = arith.constant 0 : i32
    %dma_wait3A_95 = arith.constant 0 : i32
    %dma_wait3A_96 = tpu.memref_slice %arg8[%dma_wait3A_91, %dma_wait3A_94, %dma_wait3A_95] : memref<5x125x64xf32, #tpu.memory_space<vmem>> -> memref<1x125x64xf32, #tpu.memory_space<vmem>>
    %dma_wait3A_97 = tpu.memref_squeeze %dma_wait3A_96 : memref<1x125x64xf32, #tpu.memory_space<vmem>> -> memref<125x64xf32, #tpu.memory_space<vmem>>
    %dma_wait3A_98 = arith.constant 0 : i32
    %dma_wait3A_99 = tpu.memref_slice %arg7[%dma_wait3A_92, %dma_wait3A_98] : memref<160x125xi32, #tpu.memory_space<vmem>> -> memref<1x125xi32, #tpu.memory_space<vmem>>
    %dma_wait3A_100 = tpu.memref_squeeze %dma_wait3A_99 : memref<1x125xi32, #tpu.memory_space<vmem>> -> memref<125xi32, #tpu.memory_space<vmem>>
    %dma_wait3A_101 = arith.constant 0 : i32
    %dma_wait3A_102 = arith.constant 0 : i32
    %dma_wait3A_103 = tpu.memref_slice %arg10[%dma_wait3A_101, %dma_wait3A_102] : memref<10240x64xf32, #tpu.memory_space<vmem_shared>> -> memref<10240x64xf32, #tpu.memory_space<vmem_shared>>
    %dma_wait3A_104 = tpu.memref_slice %arg12[%dma_wait3A_93] : memref<5x!tpu.dma_semaphore, #tpu.memory_space<semaphore_mem>> -> memref<1x!tpu.dma_semaphore, #tpu.memory_space<semaphore_mem>>
    %dma_wait3A_105 = tpu.memref_squeeze %dma_wait3A_104 : memref<1x!tpu.dma_semaphore, #tpu.memory_space<semaphore_mem>> -> memref<!tpu.dma_semaphore, #tpu.memory_space<semaphore_mem>>
    tpu.wait_indirect_dma semaphore(%dma_wait3A_105 : memref<!tpu.dma_semaphore, #tpu.memory_space<semaphore_mem>>) src(%dma_wait3A_97 : memref<125x64xf32, #tpu.memory_space<vmem>>) dst(%dma_wait3A_103 : memref<10240x64xf32, #tpu.memory_space<vmem_shared>>)
    %barrier3A_106 = arith.constant 0 : index
    tpu.barrier barrier_id(%barrier3A_106)
    %mul3A_107 = arith.constant 640 : i32
    %mul3A_108 = arith.muli %arg1, %mul3A_107 : i32
    %mul3A_109 = arith.constant 640 : i32
    %mul3A_110 = arith.muli %arg1, %mul3A_109 : i32
    %mul3A_111 = arith.constant 64 : i32
    %mul3A_112 = arith.muli %arg0, %mul3A_111 : i32
    "tpu.region"() ({
      %run_scoped3A = tpu.sem_alloc : memref<!tpu.dma_semaphore, #tpu.memory_space<semaphore_mem>>
      %dma_start3A_113 = tpu.memref_slice %arg5[%mul3A_110, %mul3A_112] : memref<10240x128xf32, #tpu.memory_space<hbm>> -> memref<640x64xf32, #tpu.memory_space<hbm>>
      %dma_start3A_114 = arith.constant 0 : i32
      %dma_start3A_115 = tpu.memref_slice %arg10[%mul3A_108, %dma_start3A_114] : memref<10240x64xf32, #tpu.memory_space<vmem_shared>> -> memref<640x64xf32, #tpu.memory_space<vmem_shared>>
      tpu.enqueue_dma source(%dma_start3A_115 : memref<640x64xf32, #tpu.memory_space<vmem_shared>>) target(%dma_start3A_113 : memref<640x64xf32, #tpu.memory_space<hbm>>) target_semaphore(%run_scoped3A : memref<!tpu.dma_semaphore, #tpu.memory_space<semaphore_mem>>)
      %dma_wait3A_116 = tpu.memref_slice %arg5[%mul3A_110, %mul3A_112] : memref<10240x128xf32, #tpu.memory_space<hbm>> -> memref<640x64xf32, #tpu.memory_space<hbm>>
      %dma_wait3A_117 = arith.constant 0 : i32
      %dma_wait3A_118 = tpu.memref_slice %arg10[%mul3A_108, %dma_wait3A_117] : memref<10240x64xf32, #tpu.memory_space<vmem_shared>> -> memref<640x64xf32, #tpu.memory_space<vmem_shared>>
      tpu.wait_dma2 semaphore(%run_scoped3A : memref<!tpu.dma_semaphore, #tpu.memory_space<semaphore_mem>>) src(%dma_wait3A_118 : memref<640x64xf32, #tpu.memory_space<vmem_shared>>) dst(%dma_wait3A_116 : memref<640x64xf32, #tpu.memory_space<hbm>>)
      tpu.yield
    }) : () -> ()
    return
  }
}

module attributes {stable_mosaic.version = 14 : i64} {
  func.func @_tc1_body(%arg0: memref<2x10240xf32, #tpu.memory_space<vmem>>, %arg1: memref<10000x128xf32, #tpu.memory_space<vmem>>, %arg2: memref<128x128xf32, #tpu.memory_space<vmem>>, %arg3: memref<10000x128xf32, #tpu.memory_space<vmem>>, %arg4: memref<10000x1xf32, #tpu.memory_space<vmem>>) attributes {dimension_semantics = [], scalar_prefetch = 0 : i64, scratch_operands = 0 : i64, tpu.core_type = #tpu.core_type<tc>} {
    %get3A = arith.constant 0 : index
    %get3A_0 = arith.constant 0 : index
    %get3A_1 = vector.load %arg0[%get3A, %get3A_0] : memref<2x10240xf32, #tpu.memory_space<vmem>>, vector<1x10000xf32>
    %get3A_2 = vector.shape_cast %get3A_1 : vector<1x10000xf32> to vector<10000xf32>
    %get3A_3 = arith.constant 1 : index
    %get3A_4 = arith.constant 0 : index
    %get3A_5 = vector.load %arg0[%get3A_3, %get3A_4] : memref<2x10240xf32, #tpu.memory_space<vmem>>, vector<1x10000xf32>
    %get3A_6 = vector.shape_cast %get3A_5 : vector<1x10000xf32> to vector<10000xf32>
    %add3A = arith.addf %get3A_2, %get3A_6 : vector<10000xf32>
    %add3A_7 = arith.constant 1.000000e+00 : f32
    %add3A_8 = vector.broadcast %add3A_7 : f32 to vector<10000xf32>
    %add3A_9 = arith.addf %add3A, %add3A_8 : vector<10000xf32>
    %rsqrt3A = math.rsqrt %add3A_9 : vector<10000xf32>
    %broadcast_in_dim3A = vector.shape_cast %rsqrt3A : vector<10000xf32> to vector<10000x1xf32>
    %swap3A = arith.constant 0 : index
    %swap3A_10 = arith.constant 0 : index
    %swap3A_11 = vector.load %arg4[%swap3A, %swap3A_10] : memref<10000x1xf32, #tpu.memory_space<vmem>>, vector<10000x1xf32>
    tpu.vector_store %arg4[%swap3A, %swap3A_10], %broadcast_in_dim3A {strides = array<i32>} : memref<10000x1xf32, #tpu.memory_space<vmem>>, vector<10000x1xf32>,
    %get3A_12 = arith.constant 0 : index
    %get3A_13 = arith.constant 0 : index
    %get3A_14 = vector.load %arg1[%get3A_12, %get3A_13] : memref<10000x128xf32, #tpu.memory_space<vmem>>, vector<10000x128xf32>
    %get3A_15 = arith.constant 0 : index
    %get3A_16 = arith.constant 0 : index
    %get3A_17 = vector.load %arg2[%get3A_15, %get3A_16] : memref<128x128xf32, #tpu.memory_space<vmem>>, vector<128x128xf32>
    %dot_general3A = arith.constant dense<0.000000e+00> : vector<10000x128xf32>
    %dot_general3A_18 = tpu.matmul %get3A_14, %get3A_17, %dot_general3A {dimension_numbers = #tpu.dot_dimension_numbers<[1], [0], [0], [1], [0, 0, 1, 1], [], []>, transpose_lhs_hint = false} : vector<10000x128xf32>, vector<128x128xf32>, vector<10000x128xf32> -> vector<10000x128xf32>
    %mul3A = vector.broadcast %broadcast_in_dim3A : vector<10000x1xf32> to vector<10000x128xf32>
    %mul3A_19 = arith.mulf %dot_general3A_18, %mul3A : vector<10000x128xf32>
    %swap3A_20 = arith.constant 0 : index
    %swap3A_21 = arith.constant 0 : index
    %swap3A_22 = vector.load %arg3[%swap3A_20, %swap3A_21] : memref<10000x128xf32, #tpu.memory_space<vmem>>, vector<10000x128xf32>
    tpu.vector_store %arg3[%swap3A_20, %swap3A_21], %mul3A_19 {strides = array<i32>} : memref<10000x128xf32, #tpu.memory_space<vmem>>, vector<10000x128xf32>,
    return
  }
}

module attributes {stable_mosaic.version = 14 : i64} {
  func.func @_tc2_body(%arg0: memref<10240x128xf32, #tpu.memory_space<vmem>>, %arg1: memref<10000x128xf32, #tpu.memory_space<vmem>>, %arg2: memref<10000x1xf32, #tpu.memory_space<vmem>>, %arg3: memref<1x128xf32, #tpu.memory_space<vmem>>, %arg4: memref<128x128xf32, #tpu.memory_space<vmem>>, %arg5: memref<10000x128xf32, #tpu.memory_space<vmem>>) attributes {dimension_semantics = [], scalar_prefetch = 0 : i64, scratch_operands = 0 : i64, tpu.core_type = #tpu.core_type<tc>} {
    %get3A = arith.constant 0 : index
    %get3A_0 = arith.constant 0 : index
    %get3A_1 = vector.load %arg2[%get3A, %get3A_0] : memref<10000x1xf32, #tpu.memory_space<vmem>>, vector<10000x1xf32>
    %get3A_2 = arith.constant 0 : index
    %get3A_3 = arith.constant 0 : index
    %get3A_4 = vector.load %arg0[%get3A_2, %get3A_3] : memref<10240x128xf32, #tpu.memory_space<vmem>>, vector<10000x128xf32>
    %get3A_5 = arith.constant 0 : index
    %get3A_6 = arith.constant 0 : index
    %get3A_7 = vector.load %arg1[%get3A_5, %get3A_6] : memref<10000x128xf32, #tpu.memory_space<vmem>>, vector<10000x128xf32>
    %add3A = arith.addf %get3A_4, %get3A_7 : vector<10000x128xf32>
    %mul3A = vector.broadcast %get3A_1 : vector<10000x1xf32> to vector<10000x128xf32>
    %mul3A_8 = arith.mulf %mul3A, %add3A : vector<10000x128xf32>
    %get3A_9 = arith.constant 0 : index
    %get3A_10 = arith.constant 0 : index
    %get3A_11 = vector.load %arg3[%get3A_9, %get3A_10] : memref<1x128xf32, #tpu.memory_space<vmem>>, vector<1x128xf32>
    %add3A_12 = vector.broadcast %get3A_11 : vector<1x128xf32> to vector<10000x128xf32>
    %add3A_13 = arith.addf %mul3A_8, %add3A_12 : vector<10000x128xf32>
    %max3A = arith.constant 0.000000e+00 : f32
    %max3A_14 = vector.broadcast %max3A : f32 to vector<10000x128xf32>
    %max3A_15 = arith.maximumf %add3A_13, %max3A_14 : vector<10000x128xf32>
    %get3A_16 = arith.constant 0 : index
    %get3A_17 = arith.constant 0 : index
    %get3A_18 = vector.load %arg4[%get3A_16, %get3A_17] : memref<128x128xf32, #tpu.memory_space<vmem>>, vector<128x128xf32>
    %dot_general3A = arith.constant dense<0.000000e+00> : vector<10000x128xf32>
    %dot_general3A_19 = tpu.matmul %max3A_15, %get3A_18, %dot_general3A {dimension_numbers = #tpu.dot_dimension_numbers<[1], [0], [0], [1], [0, 0, 1, 1], [], []>, transpose_lhs_hint = false} : vector<10000x128xf32>, vector<128x128xf32>, vector<10000x128xf32> -> vector<10000x128xf32>
    %get3A_20 = arith.constant 0 : index
    %get3A_21 = arith.constant 0 : index
    %get3A_22 = vector.load %arg2[%get3A_20, %get3A_21] : memref<10000x1xf32, #tpu.memory_space<vmem>>, vector<10000x1xf32>
    %mul3A_23 = vector.broadcast %get3A_22 : vector<10000x1xf32> to vector<10000x128xf32>
    %mul3A_24 = arith.mulf %dot_general3A_19, %mul3A_23 : vector<10000x128xf32>
    %swap3A = arith.constant 0 : index
    %swap3A_25 = arith.constant 0 : index
    %swap3A_26 = vector.load %arg5[%swap3A, %swap3A_25] : memref<10000x128xf32, #tpu.memory_space<vmem>>, vector<10000x128xf32>
    tpu.vector_store %arg5[%swap3A, %swap3A_25], %mul3A_24 {strides = array<i32>} : memref<10000x128xf32, #tpu.memory_space<vmem>>, vector<10000x128xf32>,
    return
  }
}

module attributes {stable_mosaic.version = 14 : i64} {
  func.func @_tc3_body(%arg0: memref<10240x128xf32, #tpu.memory_space<vmem>>, %arg1: memref<10000x128xf32, #tpu.memory_space<vmem>>, %arg2: memref<10000x1xf32, #tpu.memory_space<vmem>>, %arg3: memref<1x128xf32, #tpu.memory_space<vmem>>, %arg4: memref<128x2xf32, #tpu.memory_space<vmem>>, %arg5: memref<1x2xf32, #tpu.memory_space<vmem>>, %arg6: memref<10000x2xf32, #tpu.memory_space<vmem>>) attributes {dimension_semantics = [], scalar_prefetch = 0 : i64, scratch_operands = 0 : i64, tpu.core_type = #tpu.core_type<tc>} {
    %get3A = arith.constant 0 : index
    %get3A_0 = arith.constant 0 : index
    %get3A_1 = vector.load %arg2[%get3A, %get3A_0] : memref<10000x1xf32, #tpu.memory_space<vmem>>, vector<10000x1xf32>
    %get3A_2 = arith.constant 0 : index
    %get3A_3 = arith.constant 0 : index
    %get3A_4 = vector.load %arg0[%get3A_2, %get3A_3] : memref<10240x128xf32, #tpu.memory_space<vmem>>, vector<10000x128xf32>
    %get3A_5 = arith.constant 0 : index
    %get3A_6 = arith.constant 0 : index
    %get3A_7 = vector.load %arg1[%get3A_5, %get3A_6] : memref<10000x128xf32, #tpu.memory_space<vmem>>, vector<10000x128xf32>
    %add3A = arith.addf %get3A_4, %get3A_7 : vector<10000x128xf32>
    %mul3A = vector.broadcast %get3A_1 : vector<10000x1xf32> to vector<10000x128xf32>
    %mul3A_8 = arith.mulf %mul3A, %add3A : vector<10000x128xf32>
    %get3A_9 = arith.constant 0 : index
    %get3A_10 = arith.constant 0 : index
    %get3A_11 = vector.load %arg3[%get3A_9, %get3A_10] : memref<1x128xf32, #tpu.memory_space<vmem>>, vector<1x128xf32>
    %add3A_12 = vector.broadcast %get3A_11 : vector<1x128xf32> to vector<10000x128xf32>
    %add3A_13 = arith.addf %mul3A_8, %add3A_12 : vector<10000x128xf32>
    %max3A = arith.constant 0.000000e+00 : f32
    %max3A_14 = vector.broadcast %max3A : f32 to vector<10000x128xf32>
    %max3A_15 = arith.maximumf %add3A_13, %max3A_14 : vector<10000x128xf32>
    %get3A_16 = arith.constant 0 : index
    %get3A_17 = arith.constant 0 : index
    %get3A_18 = vector.load %arg4[%get3A_16, %get3A_17] : memref<128x2xf32, #tpu.memory_space<vmem>>, vector<128x2xf32>
    %dot_general3A = arith.constant dense<0.000000e+00> : vector<10000x2xf32>
    %dot_general3A_19 = tpu.matmul %max3A_15, %get3A_18, %dot_general3A {dimension_numbers = #tpu.dot_dimension_numbers<[1], [0], [0], [1], [0, 0, 1, 1], [], []>, transpose_lhs_hint = false} : vector<10000x128xf32>, vector<128x2xf32>, vector<10000x2xf32> -> vector<10000x2xf32>
    %get3A_20 = arith.constant 0 : index
    %get3A_21 = arith.constant 0 : index
    %get3A_22 = vector.load %arg5[%get3A_20, %get3A_21] : memref<1x2xf32, #tpu.memory_space<vmem>>, vector<1x2xf32>
    %add3A_23 = vector.broadcast %get3A_22 : vector<1x2xf32> to vector<10000x2xf32>
    %add3A_24 = arith.addf %dot_general3A_19, %add3A_23 : vector<10000x2xf32>
    %swap3A = arith.constant 0 : index
    %swap3A_25 = arith.constant 0 : index
    %swap3A_26 = vector.load %arg6[%swap3A, %swap3A_25] : memref<10000x2xf32, #tpu.memory_space<vmem>>, vector<10000x2xf32>
    tpu.vector_store %arg6[%swap3A, %swap3A_25], %add3A_24 {strides = array<i32>} : memref<10000x2xf32, #tpu.memory_space<vmem>>, vector<10000x2xf32>,
    return
  }
}

</mosaic_0001>

<sc_bundles>
// kernel: kernel.11.cloned.1.call-start
scs
__scs_entry_jumppad:
0x0: {  	(pc) =	sbr.rel $0x88, $3  }
0x1: {  	(tag) =	ssettag $0x0;
	lr =	simm.s32 $0x1  }
0x2: {  	[smem:$0x3F99] =	sst lr;
	_ =	strace $0xD0000000  }
0x3: {  	_ = 	snop  }
0x4: {  	_ = 	snop  }
0x5: {  	_ = 	snop  }
0x6: {  	_ = 	snop  }
0x7: {  	_ = 	snop  }
__scs_overlays_trampoline_lowered:
0x8: {  	[smem:$0x3FA8] =	sst s0  }
0x9: {  	[smem:$0x3FA9] =	sst s1  }
0xa: {  	[smem:$0x3FAA] =	sst s2  }
0xb: {  	[smem:$0x3FAB] =	sst s3  }
0xc: {  	[smem:$0x3FAC] =	sst s4  }
0xd: {  	[smem:$0x3FAD] =	sst s5  }
0xe: {  	[smem:$0x3FAE] =	sst s6  }
0xf: {  	[smem:$0x3FAF] =	sst s7  }
0x10: {  	[smem:$0x3FB0] =	sst s8  }
0x11: {  	[smem:$0x3FB1] =	sst s9;
	s0 =	simm.s32 @!p0 $0x0  }
0x12: {  	s1 =	sld [smem:$0x3F97];
	s0 =	simm.s32 @p0 $0x1  }
0x13: {  	[smem:$0x3FB2] =	sst s0;
	s0 =	simm.s32 @!p1 $0x0  }
0x14: {  	s2 =	sld [smem:$0x3F96];
	s0 =	simm.s32 @p1 $0x1  }
0x15: {  	[smem:$0x3FB3] =	sst s0;
	s0 =	simm.s32 @!p2 $0x0  }
0x16: {  	s3 =	sld [smem:$0x3FDB];
	s0 =	simm.s32 @p2 $0x1  }
0x17: {  	s4 =	simm.s32 $0x1BF5;
	[smem:$0x3FB5] =	sst s0  }
0x18: {  	s0 =	sld [smem:$0x3F98];
	_ =	swait.ge [sflag:s4], $0x0  }
0x19: {  	s7 =	sld [smem:$0x3F99]  }
0x1a: {  	s8 =	sadd.s32 $0xFFFFE003, lr  }
0x1b: {  	s9 =	sadd.s32 $0xFFFFFEF7, lr;
	s5 =	simm.s32 $0xFFFFFFFF;
	p2 =	slt.u32 s8, $0xFFFFF086  }
0x1c: {  	p1 =	slt.u32 s9, $0xF7A;
	s5 =	simm.s32 @!p2 $0x0  }
0x1d: {  	s5 =	simm.s32 @p1 $0x1;
	p0 =	seq.s32 s7, s2  }
0x1e: {  	s7 =	smul.u32 @!p0 $0xF7A, s2;
	p2 =	seq.s32 @!p0 s5, $0x0  }
0x1f: {  	s9 =	smul.u32 $0xF7A, s1;
	s8 =	simm.s32 @!p0 $0x1BF5;
	p2 =	por !p2, p0  }
0x20: {  	[sflag:s8] =	ssyncset.s32 @!p0 $0xFFFFF086;
	s6 =	sadd.s32 @!p0 s3, s7;
	s7 =	simm.s32 @!p0 $0x108  }
0x21: {  	s3 =	sadd.s32 s3, s9;
	s6 =	sadd.s32 @!p0 $0x88, s6;
	s7 =	simm.s32 @p2 $0x1082  }
0x22: {  	[simem:s7], [sflag:s8] =	dma.local @!p0 [hbm:s6], $0xF7A  }
0x23: {  	s9 =	sor.u32 $0xD0000000, s2;
	s6 =	simm.s32 $0x108;
	_ =	swait.ge @!p0 [sflag:s8], $0x0  }
0x24: {  	s3 =	sadd.s32 $0x88, s3;
	s6 =	simm.s32 @!p1 $0x1082;
	[sflag:s4] =	ssyncset.s32 $0xFFFFF086  }
0x25: {  	[simem:s6], [sflag:s4] =	dma.local [hbm:s3], $0xF7A  }
0x26: {  	[smem:$0x3F99] =	sst s1;
	(tag) =	ssettag s2;
	_ =	strace s9  }
0x27: {  	s1 =	sld [smem:$0x3FA9]  }
0x28: {  	s2 =	sld [smem:$0x3FAA]  }
0x29: {  	s4 =	sld [smem:$0x3FAC]  }
0x2a: {  	p0 =	seq.s32 s5, $0x0;
	s5 =	sld [smem:$0x3FAD]  }
0x2b: {  	s6 =	sld [smem:$0x3FAE]  }
0x2c: {  	s7 =	sld [smem:$0x3FAF]  }
0x2d: {  	s3 =	simm.s32 $0x108;
	s8 =	sld [smem:$0x3FB0]  }
0x2e: {  	s3 =	simm.s32 @!p0 $0x1082;
	s9 =	sld [smem:$0x3FB1]  }
0x2f: {  	lr =	sadd.s32 s0, s3;
	s0 =	sld [smem:$0x3FA8]  }
0x30: {  	s3 =	sld [smem:$0x3FAB]  }
0x31: {  	[smem:$0x3FB4] =	sst s10  }
0x32: {  	s10 =	sld [smem:$0x3FB2];
	_ =	sdelay $0x3  }
0x33: {  	p0 =	seq.s32 s10, $0x1;
	s10 =	sld [smem:$0x3FB4];
	_ =	sdelay $0x3  }
0x34: {  	[smem:$0x3FB4] =	sst s10  }
0x35: {  	s10 =	sld [smem:$0x3FB3];
	_ =	sdelay $0x3  }
0x36: {  	p1 =	seq.s32 s10, $0x1;
	s10 =	sld [smem:$0x3FB4];
	_ =	sdelay $0x3  }
0x37: {  	[smem:$0x3FB4] =	sst s10  }
0x38: {  	s10 =	sld [smem:$0x3FB5]  }
0x39: {  	_ = 	snop;
	(pc) =	sbr.ind lr, $3  }
0x3a: {  	_ = 	snop  }
0x3b: {  	_ = 	snop  }
0x3c: {  	p2 =	seq.s32 s10, $0x1;
	s10 =	sld [smem:$0x3FB4]  }
0x3d: {  	_ =	shalt  }
0x3e: {  	_ =	shalt  }
0x3f: {  	_ =	shalt  }
0x40: {  	_ =	shalt  }
0x41: {  	_ =	shalt  }
0x42: {  	_ =	shalt  }
0x43: {  	_ =	shalt  }
0x44: {  	_ =	shalt  }
0x45: {  	_ =	shalt  }
0x46: {  	_ =	shalt  }
0x47: {  	_ =	shalt  }
0x48: {  	_ =	shalt  }
0x49: {  	_ =	shalt  }
0x4a: {  	_ =	shalt  }
0x4b: {  	_ =	shalt  }
0x4c: {  	_ =	shalt  }
0x4d: {  	_ =	shalt  }
0x4e: {  	_ =	shalt  }
0x4f: {  	_ =	shalt  }
0x50: {  	_ =	shalt  }
0x51: {  	_ =	shalt  }
0x52: {  	_ =	shalt  }
0x53: {  	_ =	shalt  }
0x54: {  	_ =	shalt  }
0x55: {  	_ =	shalt  }
0x56: {  	_ =	shalt  }
0x57: {  	_ =	shalt  }
0x58: {  	_ =	shalt  }
0x59: {  	_ =	shalt  }
0x5a: {  	_ =	shalt  }
0x5b: {  	_ =	shalt  }
0x5c: {  	_ =	shalt  }
0x5d: {  	_ =	shalt  }
0x5e: {  	_ =	shalt  }
0x5f: {  	_ =	shalt  }
0x60: {  	_ =	shalt  }
0x61: {  	_ =	shalt  }
0x62: {  	_ =	shalt  }
0x63: {  	_ =	shalt  }
0x64: {  	_ =	shalt  }
0x65: {  	_ =	shalt  }
0x66: {  	_ =	shalt  }
0x67: {  	_ =	shalt  }
0x68: {  	_ =	shalt  }
0x69: {  	_ =	shalt  }
0x6a: {  	_ =	shalt  }
0x6b: {  	_ =	shalt  }
0x6c: {  	_ =	shalt  }
0x6d: {  	_ =	shalt  }
0x6e: {  	_ =	shalt  }
0x6f: {  	_ =	shalt  }
0x70: {  	_ =	shalt  }
0x71: {  	_ =	shalt  }
0x72: {  	_ =	shalt  }
0x73: {  	_ =	shalt  }
0x74: {  	_ =	shalt  }
0x75: {  	_ =	shalt  }
0x76: {  	_ =	shalt  }
0x77: {  	_ =	shalt  }
0x78: {  	_ =	shalt  }
0x79: {  	_ =	shalt  }
0x7a: {  	_ =	shalt  }
0x7b: {  	_ =	shalt  }
0x7c: {  	_ =	shalt  }
0x7d: {  	_ =	shalt  }
0x7e: {  	_ =	shalt  }
0x7f: {  	_ =	shalt  }
0x80: {  	_ =	shalt  }
0x81: {  	_ =	shalt  }
0x82: {  	_ =	shalt  }
0x83: {  	_ =	shalt  }
0x84: {  	_ =	shalt  }
0x85: {  	_ =	shalt  }
0x86: {  	_ =	shalt  }
0x87: {  	_ =	shalt  }
.Lfunc_end0:
.L_simem_size_0:
called_computation.1_lowered:
.L_overlay_start_0:
0x88: {  	s2 =	sld [smem:$0x3FD9]  }
0x89: {  	s3 =	sld [smem:$0x3FFE];
	_ =	sdelay $0x1  }
0x8a: {  	s1 =	srdreg.scid  }
0x8b: {  	s0 =	sand.u32 $0x1, s1  }
0x8c: {  	s16 =	sshll.u32 s0, $0xA;
	s2 =	sadd.s32 s3, s2  }
0x8d: {  	s2 =	sadd.s32 s2, s16  }
0x8e: {  	[smem:$0x3FC0] =	sst s2  }
0x8f: {  	_ = 	snop  }
0x90: {  	(tm) =	ssettm $0x1  }
0x91: {  	s17 =	sld [smem:$0x3FFB];
	_ =	sdelay $0x3  }
0x92: {  	_ =	strace s17  }
0x93: {  	s2 =	sld [smem:$0x3FFC];
	_ =	sdelay $0x3  }
0x94: {  	_ =	strace s2  }
0x95: {  	s2 =	sld [smem:$0x3FFD];
	_ =	sdelay $0x3  }
0x96: {  	_ =	strace s2  }
0x97: {  	_ =	strace $0x8FFFFFFF  }
0x98: {  	s18 =	sld [smem:$0x3FDB];
	_ =	sdelay $0x1  }
0x99: {  	s19 =	simm.s32 $_scs_section_size  }
0x9a: {  	s4 =	simm.s32 $_size__tile_overlayer_lowered;
	s5 =	simm.s32 $_tile_overlayer_lowered  }
0x9b: {  	s22 =	simm.s32 $0x1BFF;
	s21 =	sshll.u32 s5, $0x1;
	s2 =	sadd.s32 s19, s18  }
0x9c: {  	s6 =	simm.s32 $0x0;
	s20 =	sshll.u32 s4, $0x1;
	s4 =	sadd.s32 s21, s2  }
0x9d: {  	[timem:s6], [sflag:s22] =	dma.local [hbm:s4], s20  }
0x9e: {  	_ =	swait.ge [sflag:s22], s20  }
0x9f: {  	s3 =	ssub.s32 $0x0, s20;
	[sflag:s22] =	ssyncset.done $0x0  }
0xa0: {  	[sflag:s22] =	ssyncadd.s32 s3;
	_ =	sdelay $0x1  }
0xa1: {  	s23 =	simm.s32 $0x1B8B  }
0xa2: {  	_ =	swait.ge [sflag:s23], $0x1  }
0xa3: {  	[sflag:s23] =	ssyncset.done $0x0  }
0xa4: {  	s25 =	simm.s32 $0x1B8E;
	s24 =	sld [smem:$0x3FFE];
	[sflag:s23] =	ssyncadd.s32 $0xFFFFFFFF  }
0xa5: {  	s26 =	simm.s32 $execute0_lowered;
	[smem:$0x3FD2] =	sst s25  }
0xa6: {  	s4 =	sshll.u32 s26, $0x1;
	_ =	strace $0x80000049;
	[dreg:$0x1] =	wrdreg $0xFFFFFFFF  }
0xa7: {  	s28 =	simm.s32 $_size_execute0_lowered;
	s2 =	sadd.s32 s2, s4;
	[dreg:$0x0] =	wrdreg $0x0  }
0xa8: {  	s4 =	sshll.u32 s28, $0x1;
	[dreg:$0x2] =	wrdreg s2  }
0xa9: {  	[dreg:$0x3] =	wrdreg s4  }
0xaa: {  	[dreg:$0x4] =	wrdreg $0xC0  }
0xab: {  	_ =	task [dreg:s6], $0x5FFFF  }
0xac: {  	[dreg:$0x1] =	wrdreg $0xFFFFFFFF  }
0xad: {  	[dreg:$0x0] =	wrdreg $0x60  }
0xae: {  	[dreg:$0x2] =	wrdreg s24  }
0xaf: {  	[dreg:$0x3] =	wrdreg $0x15C400  }
0xb0: {  	[dreg:$0x4] =	wrdreg $0x9  }
0xb1: {  	_ =	task.clear_ibuf [dreg:s6], $0x5FFFF;
	_ =	strace $0x90000049  }
0xb2: {  	s29 =	simm.s32 $0x9;
	_ =	strace $0x8000004B  }
0xb3: {  	_ =	swait.ge [sflag:s29], $0x1  }
0xb4: {  	[sflag:s29] =	ssyncadd.s32 $0xFFFFFFFF  }
0xb5: {  	_ =	strace $0x9000004B  }
0xb6: {  	_ =	sfence  }
0xb7: {  	s30 =	sld [smem:$0x0];
	_ =	sdelay $0x2  }
0xb8: {  	s31 =	sshll.u32 s1, $0xD;
	s1 =	sshrl.u32 s1, $0x2  }
0xb9: {  	s3 =	sand.u32 $0x4000, s31;
	s1 =	sadd.s32 s1, s30  }
0xba: {  	s0 =	sor.u32 s3, s0;
	s1 =	sshll.u32 s1, $0x11  }
0xbb: {  	s0 =	sor.u32 s1, s0  }
0xbc: {  	s0 =	sadd.s32 $0x8F2B, s0  }
0xbd: {  	[sflag:s0] =	ssyncadd.remote.s32 $0x1  }
0xbe: {  	_ =	sfence.sel $0xFFFF  }
0xbf: {  	[dreg:$0x0] =	wrdreg $0xFFFFFFFF;
	(pc) =	sbr.abs _section_cstart, $3  }
0xc0: {  	[dreg:$0x1] =	wrdreg $0xFFFFFFFF  }
0xc1: {  	_ =	task.clear_ibuf [dreg:s6], $0x2FFFF;
	_ =	strace $0x9FFFFFFF  }
0xc2: {  	(tm) =	ssettm $0x7FFFFFFF  }
0xc3: {  	_ =	shalt  }
tec
execute0_lowered:
.L_overlay_start_1:
0x0: {  	(tag) =	ssettag $0x1  }
0x1: {  	s0 =	rddreg [dreg:$0x0]  }
0x2: {  	s1 =	srdreg.scid;
	s9 =	stileid.u32  }
0x3: {  	s2 =	rddreg [dreg:$0x1];
	s3 =	simm.s32 $0x0;
	s14 =	simm.s32 $0x13C40  }
0x4: {  	s15 =	simm.s32 $0xB;
	s16 =	simm.s32 $0x5000;
	s17 =	simm.s32 $0x7D  }
0x5: {  	s18 =	simm.s32 $0xA000;
	s20 =	simm.s32 $0xBF40;
	s28 =	simm.s32 $0x11D00  }
0x6: {  	s29 =	simm.s32 $0x2;
	s31 =	simm.s32 $0x6;
	s5 =	smul.u32 $0x5000, s9  }
0x7: {  	s19 =	simm.s32 $0x3;
	s21 =	simm.s32 $0x7;
	s7 =	smul.u32 $0x14000, s9  }
0x8: {  	s30 =	simm.s32 $0xA;
	s1 =	sand.u32 $0x1, s1;
	s9 =	smul.u32 $0x28000, s9  }
0x9: {  	[smem:$0x7FF] =	sst s3;
	s4 =	smul.u32 $0x50000, s1;
	s8 =	sshll.u32 s1, $0x6  }
0xa: {  	_ =	strace $0x8000004A;
	s1 =	ssub.s32 $0x2, s1;
	s22 =	sor.u32 s8, s7  }
0xb: {  	s23 =	sshrl.u32 s9, $0x2;
	s24 =	sshrl.u32 s1, $0x1;
	s6 =	sadd.s32 s5, s4  }
0xc: {  	s4 =	sadd.s32 $0x2C000, s0;
	s5 =	sshrl.u32 s5, $0x3;
	s1 =	ssub.s32 s1, s24  }
0xd: {  	s24 =	simm.s32 $0xFDC0;
	s6 =	sshrl.u32 s6, $0x3;
	s11 =	sadd.s32 s5, s0  }
0xe: {  	s5 =	sshrl.u32 s22, $0x3;
	s13 =	smax.u32 s1, $0x1;
	s22 =	simm.s32 $0xDE80  }
0xf: {  	s1 =	simm.s32 $0x8;
	s6 =	sadd.s32 s6, s0;
	s0 =	sadd.s32 s5, s0  }
0x10: {  	s5 =	sadd.s32 s23, s2;
	s11 =	sadd.s32 $0xE000, s11;
	s23 =	simm.s32 $0x5  }
0x11: {  	s7 =	sadd.s32 $0x2000, s5;
	s25 =	sadd.s32 $0x4000, s5;
	s26 =	sadd.s32 $0x6000, s5  }
0x12: {  	s9 =	sadd.s32 $0x8000, s5;
	s10 =	sadd.s32 $0x18000, s6;
	[dreg:$0x3] =	wrdreg s7  }
0x13: {  	s12 =	sadd.s32 $0x53200, s0;
	s0 =	simm.s32 $0x9;
	[dreg:$0x4] =	wrdreg s25  }
0x14: {  	v0 =	vimm.f32 $0.0e+00;
	[dreg:$0x5] =	wrdreg s26;
	s25 =	simm.s32 $0x1;
	s26 =	simm.s32 $0x4  }
.LBB2_1:
0x15: {  	s7 =	simm.s32 $0x100;
	s6 =	simm.s32 $0x0  }
.LBB2_2:
0x16: {  	p0 =	sne.s32 s7, $0x7F00;
	[tilespmem:s6+$0x13C70] =	vst v0;
	s8 =	smov.u32 s7;
	s7 =	sadd.s32 $0x100, s7  }
.Ltmp0:
0x17: {  	[tilespmem:s6+$0x13C60] =	vst v0;
	(pc) =	sbr.rel @p0 .LBB2_2-.Ltmp0, $3  }
0x18: {  	[tilespmem:s6+$0x13C40] =	vst v0  }
0x19: {  	[tilespmem:s6+$0x13C50] =	vst v0;
	_ =	sdelay $0x1  }
0x1a: {  	s6 =	sshra.s32 s8, $0x2  }
0x1b: {  	[tilespmem:s6+$0x13C70] =	vst v0  }
0x1c: {  	[tilespmem:s6+$0x13C60] =	vst v0  }
0x1d: {  	[tilespmem:s6+$0x13C40] =	vst v0  }
0x1e: {  	[tilespmem:s6+$0x13C50] =	vst v0  }
0x1f: {  	[spmem:s5] =	stream.linear.scatter [tilespmem:s14], [sflag:$0xB], $0x2000, $0x38;
	[tilespmem:$0x1FC40] =	vst v63  }
0x20: {  	_ =	swait.ge [sflag:s15], $0x2000  }
0x21: {  	[sflag:s15] =	ssyncset.done $0x0  }
0x22: {  	s7 =	rddreg [dreg:$0x3];
	[sflag:s15] =	ssyncadd.s32 $0xFFFFE000  }
0x23: {  	[spmem:s7] =	stream.linear.scatter [tilespmem:s14], [sflag:$0xB], $0x2000, $0x38;
	[tilespmem:$0x1FC40] =	vst v63  }
0x24: {  	_ =	swait.ge [sflag:s15], $0x2000  }
0x25: {  	[sflag:s15] =	ssyncset.done $0x0  }
0x26: {  	s8 =	rddreg [dreg:$0x4];
	[sflag:s15] =	ssyncadd.s32 $0xFFFFE000  }
0x27: {  	[spmem:s8] =	stream.linear.scatter [tilespmem:s14], [sflag:$0xB], $0x2000, $0x38;
	[tilespmem:$0x1FC40] =	vst v63  }
0x28: {  	_ =	swait.ge [sflag:s15], $0x2000  }
0x29: {  	[sflag:s15] =	ssyncset.done $0x0  }
0x2a: {  	s7 =	rddreg [dreg:$0x5];
	[sflag:s15] =	ssyncadd.s32 $0xFFFFE000  }
0x2b: {  	[spmem:s7] =	stream.linear.scatter [tilespmem:s14], [sflag:$0xB], $0x2000, $0x38;
	[tilespmem:$0x1FC40] =	vst v63  }
0x2c: {  	_ =	swait.ge [sflag:s15], $0x2000  }
0x2d: {  	[sflag:s15] =	ssyncset.done $0x0  }
0x2e: {  	[sflag:s15] =	ssyncadd.s32 $0xFFFFE000  }
0x2f: {  	[spmem:s9] =	stream.linear.scatter [tilespmem:s14], [sflag:$0xB], $0x2000, $0x38;
	[tilespmem:$0x1FC40] =	vst v63  }
0x30: {  	_ =	swait.ge [sflag:s15], $0x2000  }
0x31: {  	[sflag:s15] =	ssyncset.done $0x0  }
0x32: {  	s8 =	simm.s32 $0x0;
	[sflag:s15] =	ssyncadd.s32 $0xFFFFE000  }
0x33: {  	[tilespmem:s8], [sflag:$0xB] =	stream.linear.gather [hbm4b:s10+s8], $0x5000, $0x38;
	[tilespmem:$0x1FC40] =	vst v63  }
0x34: {  	_ =	swait.ge [sflag:s15], $0x5000  }
0x35: {  	[sflag:s15] =	ssyncset.done $0x0  }
0x36: {  	[sflag:s15] =	ssyncadd.s32 $0xFFFFB000  }
0x37: {  	[tilespmem:s16], [sflag:$0xB] =	stream.linear.gather [hbm4b:s11+s8], $0x5000, $0x38;
	[tilespmem:$0x1FC40] =	vst v63  }
0x38: {  	_ =	swait.ge [sflag:s15], $0x5000  }
0x39: {  	[sflag:s15] =	ssyncset.done $0x0  }
0x3a: {  	[sflag:s15] =	ssyncadd.s32 $0xFFFFB000  }
0x3b: {  	[bflag:$0x0] =	sbarrier.arrive $0xFFFF  }
0x3c: {  	[tilespmem:s18], [sflag:$0x1] =	stream.indirect.gather [hbm4b:s4+s17], $0x40, s8, s17, $0xb8;
	[tilespmem:$0x1FC40] =	vst v63  }
0x3d: {  	s7 =	simm.s32 $0x80  }
0x3e: {  	[tilespmem:s20], [sflag:$0x2] =	stream.indirect.gather [hbm4b:s4+s17], $0x40, s7, s17, $0xb8;
	[tilespmem:$0x1FC40] =	vst v63  }
0x3f: {  	s8 =	simm.s32 $0x100  }
0x40: {  	[tilespmem:s22], [sflag:$0x3] =	stream.indirect.gather [hbm4b:s4+s17], $0x40, s8, s17, $0xb8;
	[tilespmem:$0x1FC40] =	vst v63  }
0x41: {  	s7 =	simm.s32 $0x180  }
0x42: {  	[tilespmem:s24], [sflag:$0x4] =	stream.indirect.gather [hbm4b:s4+s17], $0x40, s7, s17, $0xb8;
	[tilespmem:$0x1FC40] =	vst v63  }
0x43: {  	_ =	swait.ge [sflag:s25], $0x1F40  }
0x44: {  	[sflag:s25] =	ssyncset.done $0x0  }
0x45: {  	[sflag:s25] =	ssyncadd.s32 $0xFFFFE0C0  }
0x46: {  	[spmem:s2] =	stream.indirect.scatter.add.f32 [tilespmem:s18], [sflag:$0x6], $0x40, s16, s17, $0xb8;
	[tilespmem:$0x1FC40] =	vst v63  }
0x47: {  	s8 =	simm.s32 $0x200  }
0x48: {  	[tilespmem:s28], [sflag:$0x5] =	stream.indirect.gather [hbm4b:s4+s17], $0x40, s8, s17, $0xb8;
	[tilespmem:$0x1FC40] =	vst v63  }
0x49: {  	_ =	swait.ge [sflag:s29], $0x1F40  }
0x4a: {  	[sflag:s29] =	ssyncset.done $0x0  }
0x4b: {  	s7 =	simm.s32 $0x5080;
	[sflag:s29] =	ssyncadd.s32 $0xFFFFE0C0  }
0x4c: {  	[spmem:s2] =	stream.indirect.scatter.add.f32 [tilespmem:s20], [sflag:$0x7], $0x40, s7, s17, $0xb8;
	[tilespmem:$0x1FC40] =	vst v63  }
0x4d: {  	_ =	swait.ge [sflag:s31], $0x1F40  }
0x4e: {  	[sflag:s31] =	ssyncset.done $0x0  }
0x4f: {  	s8 =	simm.s32 $0x280;
	[sflag:s31] =	ssyncadd.s32 $0xFFFFE0C0  }
0x50: {  	[tilespmem:s18], [sflag:$0x1] =	stream.indirect.gather [hbm4b:s4+s17], $0x40, s8, s17, $0xb8;
	[tilespmem:$0x1FC40] =	vst v63  }
0x51: {  	_ =	swait.ge [sflag:s19], $0x1F40  }
0x52: {  	[sflag:s19] =	ssyncset.done $0x0  }
0x53: {  	s7 =	simm.s32 $0x5100;
	[sflag:s19] =	ssyncadd.s32 $0xFFFFE0C0  }
0x54: {  	[spmem:s2] =	stream.indirect.scatter.add.f32 [tilespmem:s22], [sflag:$0x8], $0x40, s7, s17, $0xb8;
	[tilespmem:$0x1FC40] =	vst v63  }
0x55: {  	_ =	swait.ge [sflag:s21], $0x1F40  }
0x56: {  	[sflag:s21] =	ssyncset.done $0x0  }
0x57: {  	s8 =	simm.s32 $0x300;
	[sflag:s21] =	ssyncadd.s32 $0xFFFFE0C0  }
0x58: {  	[tilespmem:s20], [sflag:$0x2] =	stream.indirect.gather [hbm4b:s4+s17], $0x40, s8, s17, $0xb8;
	[tilespmem:$0x1FC40] =	vst v63  }
0x59: {  	_ =	swait.ge [sflag:s26], $0x1F40  }
0x5a: {  	[sflag:s26] =	ssyncset.done $0x0  }
0x5b: {  	s7 =	simm.s32 $0x5180;
	[sflag:s26] =	ssyncadd.s32 $0xFFFFE0C0  }
0x5c: {  	[spmem:s2] =	stream.indirect.scatter.add.f32 [tilespmem:s24], [sflag:$0x9], $0x40, s7, s17, $0xb8;
	[tilespmem:$0x1FC40] =	vst v63  }
0x5d: {  	_ =	swait.ge [sflag:s1], $0x1F40  }
0x5e: {  	[sflag:s1] =	ssyncset.done $0x0  }
0x5f: {  	s8 =	simm.s32 $0x380;
	[sflag:s1] =	ssyncadd.s32 $0xFFFFE0C0  }
0x60: {  	[tilespmem:s22], [sflag:$0x3] =	stream.indirect.gather [hbm4b:s4+s17], $0x40, s8, s17, $0xb8;
	[tilespmem:$0x1FC40] =	vst v63  }
0x61: {  	_ =	swait.ge [sflag:s23], $0x1F40  }
0x62: {  	[sflag:s23] =	ssyncset.done $0x0  }
0x63: {  	s7 =	simm.s32 $0x5200;
	[sflag:s23] =	ssyncadd.s32 $0xFFFFE0C0  }
0x64: {  	[spmem:s2] =	stream.indirect.scatter.add.f32 [tilespmem:s28], [sflag:$0xA], $0x40, s7, s17, $0xb8;
	[tilespmem:$0x1FC40] =	vst v63  }
0x65: {  	_ =	swait.ge [sflag:s0], $0x1F40  }
0x66: {  	[sflag:s0] =	ssyncset.done $0x0  }
0x67: {  	s8 =	simm.s32 $0x400;
	[sflag:s0] =	ssyncadd.s32 $0xFFFFE0C0  }
0x68: {  	[tilespmem:s24], [sflag:$0x4] =	stream.indirect.gather [hbm4b:s4+s17], $0x40, s8, s17, $0xb8;
	[tilespmem:$0x1FC40] =	vst v63  }
0x69: {  	_ =	swait.ge [sflag:s25], $0x1F40  }
0x6a: {  	[sflag:s25] =	ssyncset.done $0x0  }
0x6b: {  	s7 =	simm.s32 $0x5280;
	[sflag:s25] =	ssyncadd.s32 $0xFFFFE0C0  }
0x6c: {  	[spmem:s2] =	stream.indirect.scatter.add.f32 [tilespmem:s18], [sflag:$0x6], $0x40, s7, s17, $0xb8;
	[tilespmem:$0x1FC40] =	vst v63  }
0x6d: {  	_ =	swait.ge [sflag:s30], $0x1F40  }
0x6e: {  	[sflag:s30] =	ssyncset.done $0x0  }
0x6f: {  	s8 =	simm.s32 $0x480;
	[sflag:s30] =	ssyncadd.s32 $0xFFFFE0C0  }
0x70: {  	[tilespmem:s28], [sflag:$0x5] =	stream.indirect.gather [hbm4b:s4+s17], $0x40, s8, s17, $0xb8;
	[tilespmem:$0x1FC40] =	vst v63  }
0x71: {  	_ =	swait.ge [sflag:s29], $0x1F40  }
0x72: {  	[sflag:s29] =	ssyncset.done $0x0  }
0x73: {  	s7 =	simm.s32 $0x5300;
	[sflag:s29] =	ssyncadd.s32 $0xFFFFE0C0  }
0x74: {  	[spmem:s2] =	stream.indirect.scatter.add.f32 [tilespmem:s20], [sflag:$0x7], $0x40, s7, s17, $0xb8;
	[tilespmem:$0x1FC40] =	vst v63  }
0x75: {  	_ =	swait.ge [sflag:s31], $0x1F40  }
0x76: {  	[sflag:s31] =	ssyncset.done $0x0  }
0x77: {  	s8 =	simm.s32 $0x500;
	[sflag:s31] =	ssyncadd.s32 $0xFFFFE0C0  }
0x78: {  	[tilespmem:s18], [sflag:$0x1] =	stream.indirect.gather [hbm4b:s4+s17], $0x40, s8, s17, $0xb8;
	[tilespmem:$0x1FC40] =	vst v63  }
0x79: {  	_ =	swait.ge [sflag:s19], $0x1F40  }
0x7a: {  	[sflag:s19] =	ssyncset.done $0x0  }
0x7b: {  	s7 =	simm.s32 $0x5380;
	[sflag:s19] =	ssyncadd.s32 $0xFFFFE0C0  }
0x7c: {  	[spmem:s2] =	stream.indirect.scatter.add.f32 [tilespmem:s22], [sflag:$0x8], $0x40, s7, s17, $0xb8;
	[tilespmem:$0x1FC40] =	vst v63  }
0x7d: {  	_ =	swait.ge [sflag:s21], $0x1F40  }
0x7e: {  	[sflag:s21] =	ssyncset.done $0x0  }
0x7f: {  	s8 =	simm.s32 $0x580;
	[sflag:s21] =	ssyncadd.s32 $0xFFFFE0C0  }
0x80: {  	[tilespmem:s20], [sflag:$0x2] =	stream.indirect.gather [hbm4b:s4+s17], $0x40, s8, s17, $0xb8;
	[tilespmem:$0x1FC40] =	vst v63  }
0x81: {  	_ =	swait.ge [sflag:s26], $0x1F40  }
0x82: {  	[sflag:s26] =	ssyncset.done $0x0  }
0x83: {  	s7 =	simm.s32 $0x5400;
	[sflag:s26] =	ssyncadd.s32 $0xFFFFE0C0  }
0x84: {  	[spmem:s2] =	stream.indirect.scatter.add.f32 [tilespmem:s24], [sflag:$0x9], $0x40, s7, s17, $0xb8;
	[tilespmem:$0x1FC40] =	vst v63  }
0x85: {  	_ =	swait.ge [sflag:s1], $0x1F40  }
0x86: {  	[sflag:s1] =	ssyncset.done $0x0  }
0x87: {  	s8 =	simm.s32 $0x600;
	[sflag:s1] =	ssyncadd.s32 $0xFFFFE0C0  }
0x88: {  	[tilespmem:s22], [sflag:$0x3] =	stream.indirect.gather [hbm4b:s4+s17], $0x40, s8, s17, $0xb8;
	[tilespmem:$0x1FC40] =	vst v63  }
0x89: {  	_ =	swait.ge [sflag:s23], $0x1F40  }
0x8a: {  	[sflag:s23] =	ssyncset.done $0x0  }
0x8b: {  	s6 =	simm.s32 $0xA00;
	s7 =	simm.s32 $0x5480;
	[sflag:s23] =	ssyncadd.s32 $0xFFFFE0C0  }
.LBB2_4:
0x8c: {  	[spmem:s2] =	stream.indirect.scatter.add.f32 [tilespmem:s28], [sflag:$0xA], $0x40, s7, s17, $0xb8;
	[tilespmem:$0x1FC40] =	vst v63  }
0x8d: {  	s7 =	smov.u32 s6;
	s6 =	sadd.s32 $0xA00, s6;
	_ =	swait.ge [sflag:s0], $0x1F40  }
0x8e: {  	s7 =	sshra.s32 s7, $0x2;
	p0 =	sne.s32 s6, $0x12C00;
	[sflag:s0] =	ssyncset.done $0x0  }
0x8f: {  	s8 =	sadd.s32 $0x400, s7;
	[sflag:s0] =	ssyncadd.s32 $0xFFFFE0C0  }
0x90: {  	[tilespmem:s24], [sflag:$0x4] =	stream.indirect.gather [hbm4b:s4+s17], $0x40, s8, s17, $0xb8;
	[tilespmem:$0x1FC40] =	vst v63  }
0x91: {  	_ =	swait.ge [sflag:s25], $0x1F40  }
0x92: {  	[sflag:s25] =	ssyncset.done $0x0  }
0x93: {  	s8 =	sadd.s32 $0x5280, s7;
	[sflag:s25] =	ssyncadd.s32 $0xFFFFE0C0  }
0x94: {  	[spmem:s2] =	stream.indirect.scatter.add.f32 [tilespmem:s18], [sflag:$0x6], $0x40, s8, s17, $0xb8;
	[tilespmem:$0x1FC40] =	vst v63  }
0x95: {  	_ =	swait.ge [sflag:s30], $0x1F40  }
0x96: {  	[sflag:s30] =	ssyncset.done $0x0  }
0x97: {  	s8 =	sadd.s32 $0x480, s7;
	[sflag:s30] =	ssyncadd.s32 $0xFFFFE0C0  }
0x98: {  	[tilespmem:s28], [sflag:$0x5] =	stream.indirect.gather [hbm4b:s4+s17], $0x40, s8, s17, $0xb8;
	[tilespmem:$0x1FC40] =	vst v63  }
0x99: {  	_ =	swait.ge [sflag:s29], $0x1F40  }
0x9a: {  	[sflag:s29] =	ssyncset.done $0x0  }
0x9b: {  	s8 =	sadd.s32 $0x5300, s7;
	[sflag:s29] =	ssyncadd.s32 $0xFFFFE0C0  }
0x9c: {  	[spmem:s2] =	stream.indirect.scatter.add.f32 [tilespmem:s20], [sflag:$0x7], $0x40, s8, s17, $0xb8;
	[tilespmem:$0x1FC40] =	vst v63  }
0x9d: {  	_ =	swait.ge [sflag:s31], $0x1F40  }
0x9e: {  	[sflag:s31] =	ssyncset.done $0x0  }
0x9f: {  	s8 =	sadd.s32 $0x500, s7;
	[sflag:s31] =	ssyncadd.s32 $0xFFFFE0C0  }
0xa0: {  	[tilespmem:s18], [sflag:$0x1] =	stream.indirect.gather [hbm4b:s4+s17], $0x40, s8, s17, $0xb8;
	[tilespmem:$0x1FC40] =	vst v63  }
0xa1: {  	_ =	swait.ge [sflag:s19], $0x1F40  }
0xa2: {  	[sflag:s19] =	ssyncset.done $0x0  }
0xa3: {  	s8 =	sadd.s32 $0x5380, s7;
	[sflag:s19] =	ssyncadd.s32 $0xFFFFE0C0  }
0xa4: {  	[spmem:s2] =	stream.indirect.scatter.add.f32 [tilespmem:s22], [sflag:$0x8], $0x40, s8, s17, $0xb8;
	[tilespmem:$0x1FC40] =	vst v63  }
0xa5: {  	_ =	swait.ge [sflag:s21], $0x1F40  }
0xa6: {  	[sflag:s21] =	ssyncset.done $0x0  }
0xa7: {  	s8 =	sadd.s32 $0x580, s7;
	[sflag:s21] =	ssyncadd.s32 $0xFFFFE0C0  }
0xa8: {  	[tilespmem:s20], [sflag:$0x2] =	stream.indirect.gather [hbm4b:s4+s17], $0x40, s8, s17, $0xb8;
	[tilespmem:$0x1FC40] =	vst v63  }
0xa9: {  	_ =	swait.ge [sflag:s26], $0x1F40  }
0xaa: {  	[sflag:s26] =	ssyncset.done $0x0  }
0xab: {  	s8 =	sadd.s32 $0x5400, s7;
	[sflag:s26] =	ssyncadd.s32 $0xFFFFE0C0  }
0xac: {  	[spmem:s2] =	stream.indirect.scatter.add.f32 [tilespmem:s24], [sflag:$0x9], $0x40, s8, s17, $0xb8;
	[tilespmem:$0x1FC40] =	vst v63  }
0xad: {  	_ =	swait.ge [sflag:s1], $0x1F40  }
0xae: {  	[sflag:s1] =	ssyncset.done $0x0  }
.Ltmp1:
0xaf: {  	s8 =	sadd.s32 $0x600, s7;
	[sflag:s1] =	ssyncadd.s32 $0xFFFFE0C0;
	(pc) =	sbr.rel @p0 .LBB2_4-.Ltmp1, $4  }
0xb0: {  	[tilespmem:s22], [sflag:$0x3] =	stream.indirect.gather [hbm4b:s4+s17], $0x40, s8, s17, $0xb8;
	[tilespmem:$0x1FC40] =	vst v63  }
0xb1: {  	_ =	swait.ge [sflag:s23], $0x1F40  }
0xb2: {  	[sflag:s23] =	ssyncset.done $0x0  }
0xb3: {  	s7 =	sadd.s32 $0x5480, s7;
	[sflag:s23] =	ssyncadd.s32 $0xFFFFE0C0  }
0xb4: {  	[spmem:s2] =	stream.indirect.scatter.add.f32 [tilespmem:s28], [sflag:$0xA], $0x40, s7, s17, $0xb8;
	[tilespmem:$0x1FC40] =	vst v63  }
0xb5: {  	_ =	swait.ge [sflag:s0], $0x1F40  }
0xb6: {  	s6 =	sshra.s32 s6, $0x2;
	[sflag:s0] =	ssyncset.done $0x0  }
0xb7: {  	s8 =	sadd.s32 $0x400, s6;
	[sflag:s0] =	ssyncadd.s32 $0xFFFFE0C0  }
0xb8: {  	[tilespmem:s24], [sflag:$0x4] =	stream.indirect.gather [hbm4b:s4+s17], $0x40, s8, s17, $0xb8;
	[tilespmem:$0x1FC40] =	vst v63  }
0xb9: {  	_ =	swait.ge [sflag:s25], $0x1F40  }
0xba: {  	[sflag:s25] =	ssyncset.done $0x0  }
0xbb: {  	s8 =	sadd.s32 $0x5280, s6;
	[sflag:s25] =	ssyncadd.s32 $0xFFFFE0C0  }
0xbc: {  	[spmem:s2] =	stream.indirect.scatter.add.f32 [tilespmem:s18], [sflag:$0x6], $0x40, s8, s17, $0xb8;
	[tilespmem:$0x1FC40] =	vst v63  }
0xbd: {  	_ =	swait.ge [sflag:s30], $0x1F40  }
0xbe: {  	[sflag:s30] =	ssyncset.done $0x0  }
0xbf: {  	s8 =	simm.s32 $0x4F80;
	[sflag:s30] =	ssyncadd.s32 $0xFFFFE0C0  }
0xc0: {  	[tilespmem:s28], [sflag:$0x5] =	stream.indirect.gather [hbm4b:s4+s17], $0x40, s8, s17, $0xb8;
	[tilespmem:$0x1FC40] =	vst v63  }
0xc1: {  	_ =	swait.ge [sflag:s29], $0x1F40  }
0xc2: {  	[sflag:s29] =	ssyncset.done $0x0  }
0xc3: {  	s8 =	sadd.s32 $0x5300, s6;
	[sflag:s29] =	ssyncadd.s32 $0xFFFFE0C0  }
0xc4: {  	[spmem:s2] =	stream.indirect.scatter.add.f32 [tilespmem:s20], [sflag:$0x7], $0x40, s8, s17, $0xb8;
	[tilespmem:$0x1FC40] =	vst v63  }
0xc5: {  	_ =	swait.ge [sflag:s31], $0x1F40  }
0xc6: {  	[sflag:s31] =	ssyncset.done $0x0  }
0xc7: {  	[sflag:s31] =	ssyncadd.s32 $0xFFFFE0C0  }
0xc8: {  	_ =	swait.ge [sflag:s19], $0x1F40  }
0xc9: {  	[sflag:s19] =	ssyncset.done $0x0  }
0xca: {  	s8 =	sadd.s32 $0x5380, s6;
	[sflag:s19] =	ssyncadd.s32 $0xFFFFE0C0  }
0xcb: {  	[spmem:s2] =	stream.indirect.scatter.add.f32 [tilespmem:s22], [sflag:$0x8], $0x40, s8, s17, $0xb8;
	[tilespmem:$0x1FC40] =	vst v63  }
0xcc: {  	_ =	swait.ge [sflag:s21], $0x1F40  }
0xcd: {  	[sflag:s21] =	ssyncset.done $0x0  }
0xce: {  	[sflag:s21] =	ssyncadd.s32 $0xFFFFE0C0  }
0xcf: {  	_ =	swait.ge [sflag:s26], $0x1F40  }
0xd0: {  	[sflag:s26] =	ssyncset.done $0x0  }
0xd1: {  	s6 =	sadd.s32 $0x5400, s6;
	[sflag:s26] =	ssyncadd.s32 $0xFFFFE0C0  }
0xd2: {  	[spmem:s2] =	stream.indirect.scatter.add.f32 [tilespmem:s24], [sflag:$0x9], $0x40, s6, s17, $0xb8;
	[tilespmem:$0x1FC40] =	vst v63  }
0xd3: {  	_ =	swait.ge [sflag:s1], $0x1F40  }
0xd4: {  	[sflag:s1] =	ssyncset.done $0x0  }
0xd5: {  	[sflag:s1] =	ssyncadd.s32 $0xFFFFE0C0  }
0xd6: {  	_ =	swait.ge [sflag:s23], $0x1F40  }
0xd7: {  	[sflag:s23] =	ssyncset.done $0x0  }
0xd8: {  	s7 =	simm.s32 $0x9F80;
	[sflag:s23] =	ssyncadd.s32 $0xFFFFE0C0  }
0xd9: {  	[spmem:s2] =	stream.indirect.scatter.add.f32 [tilespmem:s28], [sflag:$0xA], $0x40, s7, s17, $0xb8;
	[tilespmem:$0x1FC40] =	vst v63  }
0xda: {  	_ =	swait.ge [sflag:s0], $0x1F40  }
0xdb: {  	[sflag:s0] =	ssyncset.done $0x0  }
0xdc: {  	[sflag:s0] =	ssyncadd.s32 $0xFFFFE0C0  }
0xdd: {  	s3 =	sadd.s32 $0x1, s3;
	s8 =	stileid.u32;
	_ =	swait.ge [sflag:s30], $0x1F40  }
0xde: {  	p0 =	sne.s32 s3, s13;
	s6 =	sshll.u32 s8, $0x6;
	[sflag:s30] =	ssyncset.done $0x0  }
0xdf: {  	s8 =	simm.s32 $0x10;
	s6 =	sor.u32 $0x1C0B, s6;
	[sflag:s30] =	ssyncadd.s32 $0xFFFFE0C0  }
.Ltmp2:
0xe0: {  	s7 =	sshrl.u32 s5, $0x3;
	[bflag:$0x0] =	sbarrier.arrive $0xFFFF;
	(pc) =	sbr.rel @p0 .LBB2_1-.Ltmp2, $4  }
0xe1: {  	[hbm:s12@s8], [sflag:s6] =	dma.strided [spmem:s7@s1], $0x1400, s25, $0x8   }
0xe2: {  	_ =	swait.ge [sflag:s15], $0x1400  }
0xe3: {  	[sflag:s15] =	ssyncset.done $0x0  }
0xe4: {  	[sflag:s15] =	ssyncadd.s32 $0xFFFFEC00  }
0xe5: {  	_ =	sfence.sel $0x180000  }
0xe6: {  	[bflag:$0x0] =	sbarrier.arrive $0xFFFF  }
0xe7: {  	_ =	strace $0x9000004A  }
0xe8: {  	s0 =	stileid.u32;
	[bflag:$0x2] =	sbarrier.arrive $0xFFFF  }
0xe9: {  	p0 =	sne.s32 s0, $0x0;
	s0 =	rddreg [dreg:$0x2]  }
0xea: {  	s0 =	sadd.s32 @!p0 $0x100000, s0  }
0xeb: {  	[sflag:s0] =	ssyncadd.tile.s32 @!p0 $0x1;
	_ =	shalt  }
.Lfunc_end2:
_tile_overlayer_lowered:
.L_overlay_start_2:
0xec: {  	(tag) =	ssettag $0x2  }
0xed: {  	s0 =	rddreg [dreg:$0x0];
	s2 =	stileid.u32  }
0xee: {  	s1 =	rddreg [dreg:$0x1];
	p0 =	sne.s32 s2, $0x0  }
0xef: {  	s3 =	rddreg [dreg:$0x2];
	[bflag:$0x3] =	sbarrier.arrive $0xFFFF;
	s2 =	simm.s32 @!p0 $0x1C0B  }
0xf0: {  	[timem:s3], [sflag:s2] =	dma.local @!p0 [hbm:s0], s1  }
0xf1: {  	s0 =	simm.s32 @!p0 $0xB  }
0xf2: {  	_ =	swait.ge @!p0 [sflag:s0], s1  }
0xf3: {  	s1 =	ssub.s32 @!p0 $0x0, s1;
	[sflag:s0] =	ssyncset.done @!p0 $0x0  }
0xf4: {  	[sflag:s0] =	ssyncadd.s32 @!p0 s1  }
0xf5: {  	[bflag:$0x3] =	sbarrier.arrive $0xFFFF  }
0xf6: {  	_ =	shalt  }

// kernel: kernel.14.cloned.1.call-start
scs
__scs_entry_jumppad:
0x0: {  	(pc) =	sbr.rel $0x88, $3  }
0x1: {  	(tag) =	ssettag $0x0;
	lr =	simm.s32 $0x1  }
0x2: {  	[smem:$0x3F99] =	sst lr;
	_ =	strace $0xD0000000  }
0x3: {  	_ = 	snop  }
0x4: {  	_ = 	snop  }
0x5: {  	_ = 	snop  }
0x6: {  	_ = 	snop  }
0x7: {  	_ = 	snop  }
__scs_overlays_trampoline_lowered:
0x8: {  	[smem:$0x3FA8] =	sst s0  }
0x9: {  	[smem:$0x3FA9] =	sst s1  }
0xa: {  	[smem:$0x3FAA] =	sst s2  }
0xb: {  	[smem:$0x3FAB] =	sst s3  }
0xc: {  	[smem:$0x3FAC] =	sst s4  }
0xd: {  	[smem:$0x3FAD] =	sst s5  }
0xe: {  	[smem:$0x3FAE] =	sst s6  }
0xf: {  	[smem:$0x3FAF] =	sst s7  }
0x10: {  	[smem:$0x3FB0] =	sst s8  }
0x11: {  	[smem:$0x3FB1] =	sst s9;
	s0 =	simm.s32 @!p0 $0x0  }
0x12: {  	s1 =	sld [smem:$0x3F97];
	s0 =	simm.s32 @p0 $0x1  }
0x13: {  	[smem:$0x3FB2] =	sst s0;
	s0 =	simm.s32 @!p1 $0x0  }
0x14: {  	s2 =	sld [smem:$0x3F96];
	s0 =	simm.s32 @p1 $0x1  }
0x15: {  	[smem:$0x3FB3] =	sst s0;
	s0 =	simm.s32 @!p2 $0x0  }
0x16: {  	s3 =	sld [smem:$0x3FDB];
	s0 =	simm.s32 @p2 $0x1  }
0x17: {  	s4 =	simm.s32 $0x1BF5;
	[smem:$0x3FB5] =	sst s0  }
0x18: {  	s0 =	sld [smem:$0x3F98];
	_ =	swait.ge [sflag:s4], $0x0  }
0x19: {  	s7 =	sld [smem:$0x3F99]  }
0x1a: {  	s8 =	sadd.s32 $0xFFFFE003, lr  }
0x1b: {  	s9 =	sadd.s32 $0xFFFFFEF7, lr;
	s5 =	simm.s32 $0xFFFFFFFF;
	p2 =	slt.u32 s8, $0xFFFFF086  }
0x1c: {  	p1 =	slt.u32 s9, $0xF7A;
	s5 =	simm.s32 @!p2 $0x0  }
0x1d: {  	s5 =	simm.s32 @p1 $0x1;
	p0 =	seq.s32 s7, s2  }
0x1e: {  	s7 =	smul.u32 @!p0 $0xF7A, s2;
	p2 =	seq.s32 @!p0 s5, $0x0  }
0x1f: {  	s9 =	smul.u32 $0xF7A, s1;
	s8 =	simm.s32 @!p0 $0x1BF5;
	p2 =	por !p2, p0  }
0x20: {  	[sflag:s8] =	ssyncset.s32 @!p0 $0xFFFFF086;
	s6 =	sadd.s32 @!p0 s3, s7;
	s7 =	simm.s32 @!p0 $0x108  }
0x21: {  	s3 =	sadd.s32 s3, s9;
	s6 =	sadd.s32 @!p0 $0x88, s6;
	s7 =	simm.s32 @p2 $0x1082  }
0x22: {  	[simem:s7], [sflag:s8] =	dma.local @!p0 [hbm:s6], $0xF7A  }
0x23: {  	s9 =	sor.u32 $0xD0000000, s2;
	s6 =	simm.s32 $0x108;
	_ =	swait.ge @!p0 [sflag:s8], $0x0  }
0x24: {  	s3 =	sadd.s32 $0x88, s3;
	s6 =	simm.s32 @!p1 $0x1082;
	[sflag:s4] =	ssyncset.s32 $0xFFFFF086  }
0x25: {  	[simem:s6], [sflag:s4] =	dma.local [hbm:s3], $0xF7A  }
0x26: {  	[smem:$0x3F99] =	sst s1;
	(tag) =	ssettag s2;
	_ =	strace s9  }
0x27: {  	s1 =	sld [smem:$0x3FA9]  }
0x28: {  	s2 =	sld [smem:$0x3FAA]  }
0x29: {  	s4 =	sld [smem:$0x3FAC]  }
0x2a: {  	p0 =	seq.s32 s5, $0x0;
	s5 =	sld [smem:$0x3FAD]  }
0x2b: {  	s6 =	sld [smem:$0x3FAE]  }
0x2c: {  	s7 =	sld [smem:$0x3FAF]  }
0x2d: {  	s3 =	simm.s32 $0x108;
	s8 =	sld [smem:$0x3FB0]  }
0x2e: {  	s3 =	simm.s32 @!p0 $0x1082;
	s9 =	sld [smem:$0x3FB1]  }
0x2f: {  	lr =	sadd.s32 s0, s3;
	s0 =	sld [smem:$0x3FA8]  }
0x30: {  	s3 =	sld [smem:$0x3FAB]  }
0x31: {  	[smem:$0x3FB4] =	sst s10  }
0x32: {  	s10 =	sld [smem:$0x3FB2];
	_ =	sdelay $0x3  }
0x33: {  	p0 =	seq.s32 s10, $0x1;
	s10 =	sld [smem:$0x3FB4];
	_ =	sdelay $0x3  }
0x34: {  	[smem:$0x3FB4] =	sst s10  }
0x35: {  	s10 =	sld [smem:$0x3FB3];
	_ =	sdelay $0x3  }
0x36: {  	p1 =	seq.s32 s10, $0x1;
	s10 =	sld [smem:$0x3FB4];
	_ =	sdelay $0x3  }
0x37: {  	[smem:$0x3FB4] =	sst s10  }
0x38: {  	s10 =	sld [smem:$0x3FB5]  }
0x39: {  	_ = 	snop;
	(pc) =	sbr.ind lr, $3  }
0x3a: {  	_ = 	snop  }
0x3b: {  	_ = 	snop  }
0x3c: {  	p2 =	seq.s32 s10, $0x1;
	s10 =	sld [smem:$0x3FB4]  }
0x3d: {  	_ =	shalt  }
0x3e: {  	_ =	shalt  }
0x3f: {  	_ =	shalt  }
0x40: {  	_ =	shalt  }
0x41: {  	_ =	shalt  }
0x42: {  	_ =	shalt  }
0x43: {  	_ =	shalt  }
0x44: {  	_ =	shalt  }
0x45: {  	_ =	shalt  }
0x46: {  	_ =	shalt  }
0x47: {  	_ =	shalt  }
0x48: {  	_ =	shalt  }
0x49: {  	_ =	shalt  }
0x4a: {  	_ =	shalt  }
0x4b: {  	_ =	shalt  }
0x4c: {  	_ =	shalt  }
0x4d: {  	_ =	shalt  }
0x4e: {  	_ =	shalt  }
0x4f: {  	_ =	shalt  }
0x50: {  	_ =	shalt  }
0x51: {  	_ =	shalt  }
0x52: {  	_ =	shalt  }
0x53: {  	_ =	shalt  }
0x54: {  	_ =	shalt  }
0x55: {  	_ =	shalt  }
0x56: {  	_ =	shalt  }
0x57: {  	_ =	shalt  }
0x58: {  	_ =	shalt  }
0x59: {  	_ =	shalt  }
0x5a: {  	_ =	shalt  }
0x5b: {  	_ =	shalt  }
0x5c: {  	_ =	shalt  }
0x5d: {  	_ =	shalt  }
0x5e: {  	_ =	shalt  }
0x5f: {  	_ =	shalt  }
0x60: {  	_ =	shalt  }
0x61: {  	_ =	shalt  }
0x62: {  	_ =	shalt  }
0x63: {  	_ =	shalt  }
0x64: {  	_ =	shalt  }
0x65: {  	_ =	shalt  }
0x66: {  	_ =	shalt  }
0x67: {  	_ =	shalt  }
0x68: {  	_ =	shalt  }
0x69: {  	_ =	shalt  }
0x6a: {  	_ =	shalt  }
0x6b: {  	_ =	shalt  }
0x6c: {  	_ =	shalt  }
0x6d: {  	_ =	shalt  }
0x6e: {  	_ =	shalt  }
0x6f: {  	_ =	shalt  }
0x70: {  	_ =	shalt  }
0x71: {  	_ =	shalt  }
0x72: {  	_ =	shalt  }
0x73: {  	_ =	shalt  }
0x74: {  	_ =	shalt  }
0x75: {  	_ =	shalt  }
0x76: {  	_ =	shalt  }
0x77: {  	_ =	shalt  }
0x78: {  	_ =	shalt  }
0x79: {  	_ =	shalt  }
0x7a: {  	_ =	shalt  }
0x7b: {  	_ =	shalt  }
0x7c: {  	_ =	shalt  }
0x7d: {  	_ =	shalt  }
0x7e: {  	_ =	shalt  }
0x7f: {  	_ =	shalt  }
0x80: {  	_ =	shalt  }
0x81: {  	_ =	shalt  }
0x82: {  	_ =	shalt  }
0x83: {  	_ =	shalt  }
0x84: {  	_ =	shalt  }
0x85: {  	_ =	shalt  }
0x86: {  	_ =	shalt  }
0x87: {  	_ =	shalt  }
.Lfunc_end0:
.L_simem_size_0:
called_computation.2_lowered:
.L_overlay_start_0:
0x88: {  	s2 =	sld [smem:$0x3FD9]  }
0x89: {  	s3 =	sld [smem:$0x3FFE];
	_ =	sdelay $0x1  }
0x8a: {  	s1 =	srdreg.scid  }
0x8b: {  	s0 =	sand.u32 $0x1, s1  }
0x8c: {  	s16 =	sshll.u32 s0, $0xA;
	s2 =	sadd.s32 s3, s2  }
0x8d: {  	s2 =	sadd.s32 s2, s16  }
0x8e: {  	[smem:$0x3FC0] =	sst s2  }
0x8f: {  	_ = 	snop  }
0x90: {  	(tm) =	ssettm $0x1  }
0x91: {  	s17 =	sld [smem:$0x3FFB];
	_ =	sdelay $0x3  }
0x92: {  	_ =	strace s17  }
0x93: {  	s2 =	sld [smem:$0x3FFC];
	_ =	sdelay $0x3  }
0x94: {  	_ =	strace s2  }
0x95: {  	s2 =	sld [smem:$0x3FFD];
	_ =	sdelay $0x3  }
0x96: {  	_ =	strace s2  }
0x97: {  	_ =	strace $0x8FFFFFFF  }
0x98: {  	s18 =	sld [smem:$0x3FDB];
	_ =	sdelay $0x1  }
0x99: {  	s19 =	simm.s32 $_scs_section_size  }
0x9a: {  	s4 =	simm.s32 $_size__tile_overlayer_lowered;
	s5 =	simm.s32 $_tile_overlayer_lowered  }
0x9b: {  	s22 =	simm.s32 $0x1BFF;
	s21 =	sshll.u32 s5, $0x1;
	s2 =	sadd.s32 s19, s18  }
0x9c: {  	s6 =	simm.s32 $0x0;
	s20 =	sshll.u32 s4, $0x1;
	s4 =	sadd.s32 s21, s2  }
0x9d: {  	[timem:s6], [sflag:s22] =	dma.local [hbm:s4], s20  }
0x9e: {  	_ =	swait.ge [sflag:s22], s20  }
0x9f: {  	s3 =	ssub.s32 $0x0, s20;
	[sflag:s22] =	ssyncset.done $0x0  }
0xa0: {  	[sflag:s22] =	ssyncadd.s32 s3;
	_ =	sdelay $0x1  }
0xa1: {  	s23 =	simm.s32 $0x1B8B  }
0xa2: {  	_ =	swait.ge [sflag:s23], $0x1  }
0xa3: {  	[sflag:s23] =	ssyncset.done $0x0  }
0xa4: {  	s25 =	simm.s32 $0x1B8E;
	s24 =	sld [smem:$0x3FFE];
	[sflag:s23] =	ssyncadd.s32 $0xFFFFFFFF  }
0xa5: {  	s26 =	simm.s32 $execute0_lowered;
	[smem:$0x3FD2] =	sst s25  }
0xa6: {  	s4 =	sshll.u32 s26, $0x1;
	_ =	strace $0x8000004C;
	[dreg:$0x1] =	wrdreg $0xFFFFFFFF  }
0xa7: {  	s28 =	simm.s32 $_size_execute0_lowered;
	s2 =	sadd.s32 s2, s4;
	[dreg:$0x0] =	wrdreg $0x0  }
0xa8: {  	s4 =	sshll.u32 s28, $0x1;
	[dreg:$0x2] =	wrdreg s2  }
0xa9: {  	[dreg:$0x3] =	wrdreg s4  }
0xaa: {  	[dreg:$0x4] =	wrdreg $0xC0  }
0xab: {  	_ =	task [dreg:s6], $0x5FFFF  }
0xac: {  	[dreg:$0x1] =	wrdreg $0xFFFFFFFF  }
0xad: {  	[dreg:$0x0] =	wrdreg $0x60  }
0xae: {  	[dreg:$0x2] =	wrdreg s24  }
0xaf: {  	[dreg:$0x3] =	wrdreg $0x15C400  }
0xb0: {  	[dreg:$0x4] =	wrdreg $0x9  }
0xb1: {  	_ =	task.clear_ibuf [dreg:s6], $0x5FFFF;
	_ =	strace $0x9000004C  }
0xb2: {  	s29 =	simm.s32 $0x9;
	_ =	strace $0x8000004E  }
0xb3: {  	_ =	swait.ge [sflag:s29], $0x1  }
0xb4: {  	[sflag:s29] =	ssyncadd.s32 $0xFFFFFFFF  }
0xb5: {  	_ =	strace $0x9000004E  }
0xb6: {  	_ =	sfence  }
0xb7: {  	s30 =	sld [smem:$0x0];
	_ =	sdelay $0x2  }
0xb8: {  	s31 =	sshll.u32 s1, $0xD;
	s1 =	sshrl.u32 s1, $0x2  }
0xb9: {  	s3 =	sand.u32 $0x4000, s31;
	s1 =	sadd.s32 s1, s30  }
0xba: {  	s0 =	sor.u32 s3, s0;
	s1 =	sshll.u32 s1, $0x11  }
0xbb: {  	s0 =	sor.u32 s1, s0  }
0xbc: {  	s0 =	sadd.s32 $0x8F2B, s0  }
0xbd: {  	[sflag:s0] =	ssyncadd.remote.s32 $0x1  }
0xbe: {  	_ =	sfence.sel $0xFFFF  }
0xbf: {  	[dreg:$0x0] =	wrdreg $0xFFFFFFFF;
	(pc) =	sbr.abs _section_cstart, $3  }
0xc0: {  	[dreg:$0x1] =	wrdreg $0xFFFFFFFF  }
0xc1: {  	_ =	task.clear_ibuf [dreg:s6], $0x2FFFF;
	_ =	strace $0x9FFFFFFF  }
0xc2: {  	(tm) =	ssettm $0x7FFFFFFF  }
0xc3: {  	_ =	shalt  }
tec
execute0_lowered:
.L_overlay_start_1:
0x0: {  	(tag) =	ssettag $0x1  }
0x1: {  	s0 =	rddreg [dreg:$0x0]  }
0x2: {  	s1 =	srdreg.scid;
	s9 =	stileid.u32  }
0x3: {  	s2 =	rddreg [dreg:$0x1];
	s3 =	simm.s32 $0x0;
	s14 =	simm.s32 $0x13C40  }
0x4: {  	s15 =	simm.s32 $0xB;
	s16 =	simm.s32 $0x5000;
	s17 =	simm.s32 $0x7D  }
0x5: {  	s18 =	simm.s32 $0xA000;
	s20 =	simm.s32 $0xBF40;
	s28 =	simm.s32 $0x11D00  }
0x6: {  	s29 =	simm.s32 $0x2;
	s31 =	simm.s32 $0x6;
	s5 =	smul.u32 $0x5000, s9  }
0x7: {  	s19 =	simm.s32 $0x3;
	s21 =	simm.s32 $0x7;
	s7 =	smul.u32 $0x14000, s9  }
0x8: {  	s30 =	simm.s32 $0xA;
	s1 =	sand.u32 $0x1, s1;
	s9 =	smul.u32 $0x28000, s9  }
0x9: {  	[smem:$0x7FF] =	sst s3;
	s4 =	smul.u32 $0x50000, s1;
	s8 =	sshll.u32 s1, $0x6  }
0xa: {  	_ =	strace $0x8000004D;
	s1 =	ssub.s32 $0x2, s1;
	s22 =	sor.u32 s8, s7  }
0xb: {  	s23 =	sshrl.u32 s9, $0x2;
	s24 =	sshrl.u32 s1, $0x1;
	s6 =	sadd.s32 s5, s4  }
0xc: {  	s4 =	sadd.s32 $0x2C000, s0;
	s5 =	sshrl.u32 s5, $0x3;
	s1 =	ssub.s32 s1, s24  }
0xd: {  	s24 =	simm.s32 $0xFDC0;
	s6 =	sshrl.u32 s6, $0x3;
	s11 =	sadd.s32 s5, s0  }
0xe: {  	s5 =	sshrl.u32 s22, $0x3;
	s13 =	smax.u32 s1, $0x1;
	s22 =	simm.s32 $0xDE80  }
0xf: {  	s1 =	simm.s32 $0x8;
	s6 =	sadd.s32 s6, s0;
	s0 =	sadd.s32 s5, s0  }
0x10: {  	s5 =	sadd.s32 s23, s2;
	s11 =	sadd.s32 $0xE000, s11;
	s23 =	simm.s32 $0x5  }
0x11: {  	s7 =	sadd.s32 $0x2000, s5;
	s25 =	sadd.s32 $0x4000, s5;
	s26 =	sadd.s32 $0x6000, s5  }
0x12: {  	s9 =	sadd.s32 $0x8000, s5;
	s10 =	sadd.s32 $0x18000, s6;
	[dreg:$0x3] =	wrdreg s7  }
0x13: {  	s12 =	sadd.s32 $0x53200, s0;
	s0 =	simm.s32 $0x9;
	[dreg:$0x4] =	wrdreg s25  }
0x14: {  	v0 =	vimm.f32 $0.0e+00;
	[dreg:$0x5] =	wrdreg s26;
	s25 =	simm.s32 $0x1;
	s26 =	simm.s32 $0x4  }
.LBB2_1:
0x15: {  	s7 =	simm.s32 $0x100;
	s6 =	simm.s32 $0x0  }
.LBB2_2:
0x16: {  	p0 =	sne.s32 s7, $0x7F00;
	[tilespmem:s6+$0x13C70] =	vst v0;
	s8 =	smov.u32 s7;
	s7 =	sadd.s32 $0x100, s7  }
.Ltmp0:
0x17: {  	[tilespmem:s6+$0x13C60] =	vst v0;
	(pc) =	sbr.rel @p0 .LBB2_2-.Ltmp0, $3  }
0x18: {  	[tilespmem:s6+$0x13C40] =	vst v0  }
0x19: {  	[tilespmem:s6+$0x13C50] =	vst v0;
	_ =	sdelay $0x1  }
0x1a: {  	s6 =	sshra.s32 s8, $0x2  }
0x1b: {  	[tilespmem:s6+$0x13C70] =	vst v0  }
0x1c: {  	[tilespmem:s6+$0x13C60] =	vst v0  }
0x1d: {  	[tilespmem:s6+$0x13C40] =	vst v0  }
0x1e: {  	[tilespmem:s6+$0x13C50] =	vst v0  }
0x1f: {  	[spmem:s5] =	stream.linear.scatter [tilespmem:s14], [sflag:$0xB], $0x2000, $0x38;
	[tilespmem:$0x1FC40] =	vst v63  }
0x20: {  	_ =	swait.ge [sflag:s15], $0x2000  }
0x21: {  	[sflag:s15] =	ssyncset.done $0x0  }
0x22: {  	s7 =	rddreg [dreg:$0x3];
	[sflag:s15] =	ssyncadd.s32 $0xFFFFE000  }
0x23: {  	[spmem:s7] =	stream.linear.scatter [tilespmem:s14], [sflag:$0xB], $0x2000, $0x38;
	[tilespmem:$0x1FC40] =	vst v63  }
0x24: {  	_ =	swait.ge [sflag:s15], $0x2000  }
0x25: {  	[sflag:s15] =	ssyncset.done $0x0  }
0x26: {  	s8 =	rddreg [dreg:$0x4];
	[sflag:s15] =	ssyncadd.s32 $0xFFFFE000  }
0x27: {  	[spmem:s8] =	stream.linear.scatter [tilespmem:s14], [sflag:$0xB], $0x2000, $0x38;
	[tilespmem:$0x1FC40] =	vst v63  }
0x28: {  	_ =	swait.ge [sflag:s15], $0x2000  }
0x29: {  	[sflag:s15] =	ssyncset.done $0x0  }
0x2a: {  	s7 =	rddreg [dreg:$0x5];
	[sflag:s15] =	ssyncadd.s32 $0xFFFFE000  }
0x2b: {  	[spmem:s7] =	stream.linear.scatter [tilespmem:s14], [sflag:$0xB], $0x2000, $0x38;
	[tilespmem:$0x1FC40] =	vst v63  }
0x2c: {  	_ =	swait.ge [sflag:s15], $0x2000  }
0x2d: {  	[sflag:s15] =	ssyncset.done $0x0  }
0x2e: {  	[sflag:s15] =	ssyncadd.s32 $0xFFFFE000  }
0x2f: {  	[spmem:s9] =	stream.linear.scatter [tilespmem:s14], [sflag:$0xB], $0x2000, $0x38;
	[tilespmem:$0x1FC40] =	vst v63  }
0x30: {  	_ =	swait.ge [sflag:s15], $0x2000  }
0x31: {  	[sflag:s15] =	ssyncset.done $0x0  }
0x32: {  	s8 =	simm.s32 $0x0;
	[sflag:s15] =	ssyncadd.s32 $0xFFFFE000  }
0x33: {  	[tilespmem:s8], [sflag:$0xB] =	stream.linear.gather [hbm4b:s10+s8], $0x5000, $0x38;
	[tilespmem:$0x1FC40] =	vst v63  }
0x34: {  	_ =	swait.ge [sflag:s15], $0x5000  }
0x35: {  	[sflag:s15] =	ssyncset.done $0x0  }
0x36: {  	[sflag:s15] =	ssyncadd.s32 $0xFFFFB000  }
0x37: {  	[tilespmem:s16], [sflag:$0xB] =	stream.linear.gather [hbm4b:s11+s8], $0x5000, $0x38;
	[tilespmem:$0x1FC40] =	vst v63  }
0x38: {  	_ =	swait.ge [sflag:s15], $0x5000  }
0x39: {  	[sflag:s15] =	ssyncset.done $0x0  }
0x3a: {  	[sflag:s15] =	ssyncadd.s32 $0xFFFFB000  }
0x3b: {  	[bflag:$0x0] =	sbarrier.arrive $0xFFFF  }
0x3c: {  	[tilespmem:s18], [sflag:$0x1] =	stream.indirect.gather [hbm4b:s4+s17], $0x40, s8, s17, $0xb8;
	[tilespmem:$0x1FC40] =	vst v63  }
0x3d: {  	s7 =	simm.s32 $0x80  }
0x3e: {  	[tilespmem:s20], [sflag:$0x2] =	stream.indirect.gather [hbm4b:s4+s17], $0x40, s7, s17, $0xb8;
	[tilespmem:$0x1FC40] =	vst v63  }
0x3f: {  	s8 =	simm.s32 $0x100  }
0x40: {  	[tilespmem:s22], [sflag:$0x3] =	stream.indirect.gather [hbm4b:s4+s17], $0x40, s8, s17, $0xb8;
	[tilespmem:$0x1FC40] =	vst v63  }
0x41: {  	s7 =	simm.s32 $0x180  }
0x42: {  	[tilespmem:s24], [sflag:$0x4] =	stream.indirect.gather [hbm4b:s4+s17], $0x40, s7, s17, $0xb8;
	[tilespmem:$0x1FC40] =	vst v63  }
0x43: {  	_ =	swait.ge [sflag:s25], $0x1F40  }
0x44: {  	[sflag:s25] =	ssyncset.done $0x0  }
0x45: {  	[sflag:s25] =	ssyncadd.s32 $0xFFFFE0C0  }
0x46: {  	[spmem:s2] =	stream.indirect.scatter.add.f32 [tilespmem:s18], [sflag:$0x6], $0x40, s16, s17, $0xb8;
	[tilespmem:$0x1FC40] =	vst v63  }
0x47: {  	s8 =	simm.s32 $0x200  }
0x48: {  	[tilespmem:s28], [sflag:$0x5] =	stream.indirect.gather [hbm4b:s4+s17], $0x40, s8, s17, $0xb8;
	[tilespmem:$0x1FC40] =	vst v63  }
0x49: {  	_ =	swait.ge [sflag:s29], $0x1F40  }
0x4a: {  	[sflag:s29] =	ssyncset.done $0x0  }
0x4b: {  	s7 =	simm.s32 $0x5080;
	[sflag:s29] =	ssyncadd.s32 $0xFFFFE0C0  }
0x4c: {  	[spmem:s2] =	stream.indirect.scatter.add.f32 [tilespmem:s20], [sflag:$0x7], $0x40, s7, s17, $0xb8;
	[tilespmem:$0x1FC40] =	vst v63  }
0x4d: {  	_ =	swait.ge [sflag:s31], $0x1F40  }
0x4e: {  	[sflag:s31] =	ssyncset.done $0x0  }
0x4f: {  	s8 =	simm.s32 $0x280;
	[sflag:s31] =	ssyncadd.s32 $0xFFFFE0C0  }
0x50: {  	[tilespmem:s18], [sflag:$0x1] =	stream.indirect.gather [hbm4b:s4+s17], $0x40, s8, s17, $0xb8;
	[tilespmem:$0x1FC40] =	vst v63  }
0x51: {  	_ =	swait.ge [sflag:s19], $0x1F40  }
0x52: {  	[sflag:s19] =	ssyncset.done $0x0  }
0x53: {  	s7 =	simm.s32 $0x5100;
	[sflag:s19] =	ssyncadd.s32 $0xFFFFE0C0  }
0x54: {  	[spmem:s2] =	stream.indirect.scatter.add.f32 [tilespmem:s22], [sflag:$0x8], $0x40, s7, s17, $0xb8;
	[tilespmem:$0x1FC40] =	vst v63  }
0x55: {  	_ =	swait.ge [sflag:s21], $0x1F40  }
0x56: {  	[sflag:s21] =	ssyncset.done $0x0  }
0x57: {  	s8 =	simm.s32 $0x300;
	[sflag:s21] =	ssyncadd.s32 $0xFFFFE0C0  }
0x58: {  	[tilespmem:s20], [sflag:$0x2] =	stream.indirect.gather [hbm4b:s4+s17], $0x40, s8, s17, $0xb8;
	[tilespmem:$0x1FC40] =	vst v63  }
0x59: {  	_ =	swait.ge [sflag:s26], $0x1F40  }
0x5a: {  	[sflag:s26] =	ssyncset.done $0x0  }
0x5b: {  	s7 =	simm.s32 $0x5180;
	[sflag:s26] =	ssyncadd.s32 $0xFFFFE0C0  }
0x5c: {  	[spmem:s2] =	stream.indirect.scatter.add.f32 [tilespmem:s24], [sflag:$0x9], $0x40, s7, s17, $0xb8;
	[tilespmem:$0x1FC40] =	vst v63  }
0x5d: {  	_ =	swait.ge [sflag:s1], $0x1F40  }
0x5e: {  	[sflag:s1] =	ssyncset.done $0x0  }
0x5f: {  	s8 =	simm.s32 $0x380;
	[sflag:s1] =	ssyncadd.s32 $0xFFFFE0C0  }
0x60: {  	[tilespmem:s22], [sflag:$0x3] =	stream.indirect.gather [hbm4b:s4+s17], $0x40, s8, s17, $0xb8;
	[tilespmem:$0x1FC40] =	vst v63  }
0x61: {  	_ =	swait.ge [sflag:s23], $0x1F40  }
0x62: {  	[sflag:s23] =	ssyncset.done $0x0  }
0x63: {  	s7 =	simm.s32 $0x5200;
	[sflag:s23] =	ssyncadd.s32 $0xFFFFE0C0  }
0x64: {  	[spmem:s2] =	stream.indirect.scatter.add.f32 [tilespmem:s28], [sflag:$0xA], $0x40, s7, s17, $0xb8;
	[tilespmem:$0x1FC40] =	vst v63  }
0x65: {  	_ =	swait.ge [sflag:s0], $0x1F40  }
0x66: {  	[sflag:s0] =	ssyncset.done $0x0  }
0x67: {  	s8 =	simm.s32 $0x400;
	[sflag:s0] =	ssyncadd.s32 $0xFFFFE0C0  }
0x68: {  	[tilespmem:s24], [sflag:$0x4] =	stream.indirect.gather [hbm4b:s4+s17], $0x40, s8, s17, $0xb8;
	[tilespmem:$0x1FC40] =	vst v63  }
0x69: {  	_ =	swait.ge [sflag:s25], $0x1F40  }
0x6a: {  	[sflag:s25] =	ssyncset.done $0x0  }
0x6b: {  	s7 =	simm.s32 $0x5280;
	[sflag:s25] =	ssyncadd.s32 $0xFFFFE0C0  }
0x6c: {  	[spmem:s2] =	stream.indirect.scatter.add.f32 [tilespmem:s18], [sflag:$0x6], $0x40, s7, s17, $0xb8;
	[tilespmem:$0x1FC40] =	vst v63  }
0x6d: {  	_ =	swait.ge [sflag:s30], $0x1F40  }
0x6e: {  	[sflag:s30] =	ssyncset.done $0x0  }
0x6f: {  	s8 =	simm.s32 $0x480;
	[sflag:s30] =	ssyncadd.s32 $0xFFFFE0C0  }
0x70: {  	[tilespmem:s28], [sflag:$0x5] =	stream.indirect.gather [hbm4b:s4+s17], $0x40, s8, s17, $0xb8;
	[tilespmem:$0x1FC40] =	vst v63  }
0x71: {  	_ =	swait.ge [sflag:s29], $0x1F40  }
0x72: {  	[sflag:s29] =	ssyncset.done $0x0  }
0x73: {  	s7 =	simm.s32 $0x5300;
	[sflag:s29] =	ssyncadd.s32 $0xFFFFE0C0  }
0x74: {  	[spmem:s2] =	stream.indirect.scatter.add.f32 [tilespmem:s20], [sflag:$0x7], $0x40, s7, s17, $0xb8;
	[tilespmem:$0x1FC40] =	vst v63  }
0x75: {  	_ =	swait.ge [sflag:s31], $0x1F40  }
0x76: {  	[sflag:s31] =	ssyncset.done $0x0  }
0x77: {  	s8 =	simm.s32 $0x500;
	[sflag:s31] =	ssyncadd.s32 $0xFFFFE0C0  }
0x78: {  	[tilespmem:s18], [sflag:$0x1] =	stream.indirect.gather [hbm4b:s4+s17], $0x40, s8, s17, $0xb8;
	[tilespmem:$0x1FC40] =	vst v63  }
0x79: {  	_ =	swait.ge [sflag:s19], $0x1F40  }
0x7a: {  	[sflag:s19] =	ssyncset.done $0x0  }
0x7b: {  	s7 =	simm.s32 $0x5380;
	[sflag:s19] =	ssyncadd.s32 $0xFFFFE0C0  }
0x7c: {  	[spmem:s2] =	stream.indirect.scatter.add.f32 [tilespmem:s22], [sflag:$0x8], $0x40, s7, s17, $0xb8;
	[tilespmem:$0x1FC40] =	vst v63  }
0x7d: {  	_ =	swait.ge [sflag:s21], $0x1F40  }
0x7e: {  	[sflag:s21] =	ssyncset.done $0x0  }
0x7f: {  	s8 =	simm.s32 $0x580;
	[sflag:s21] =	ssyncadd.s32 $0xFFFFE0C0  }
0x80: {  	[tilespmem:s20], [sflag:$0x2] =	stream.indirect.gather [hbm4b:s4+s17], $0x40, s8, s17, $0xb8;
	[tilespmem:$0x1FC40] =	vst v63  }
0x81: {  	_ =	swait.ge [sflag:s26], $0x1F40  }
0x82: {  	[sflag:s26] =	ssyncset.done $0x0  }
0x83: {  	s7 =	simm.s32 $0x5400;
	[sflag:s26] =	ssyncadd.s32 $0xFFFFE0C0  }
0x84: {  	[spmem:s2] =	stream.indirect.scatter.add.f32 [tilespmem:s24], [sflag:$0x9], $0x40, s7, s17, $0xb8;
	[tilespmem:$0x1FC40] =	vst v63  }
0x85: {  	_ =	swait.ge [sflag:s1], $0x1F40  }
0x86: {  	[sflag:s1] =	ssyncset.done $0x0  }
0x87: {  	s8 =	simm.s32 $0x600;
	[sflag:s1] =	ssyncadd.s32 $0xFFFFE0C0  }
0x88: {  	[tilespmem:s22], [sflag:$0x3] =	stream.indirect.gather [hbm4b:s4+s17], $0x40, s8, s17, $0xb8;
	[tilespmem:$0x1FC40] =	vst v63  }
0x89: {  	_ =	swait.ge [sflag:s23], $0x1F40  }
0x8a: {  	[sflag:s23] =	ssyncset.done $0x0  }
0x8b: {  	s6 =	simm.s32 $0xA00;
	s7 =	simm.s32 $0x5480;
	[sflag:s23] =	ssyncadd.s32 $0xFFFFE0C0  }
.LBB2_4:
0x8c: {  	[spmem:s2] =	stream.indirect.scatter.add.f32 [tilespmem:s28], [sflag:$0xA], $0x40, s7, s17, $0xb8;
	[tilespmem:$0x1FC40] =	vst v63  }
0x8d: {  	s7 =	smov.u32 s6;
	s6 =	sadd.s32 $0xA00, s6;
	_ =	swait.ge [sflag:s0], $0x1F40  }
0x8e: {  	s7 =	sshra.s32 s7, $0x2;
	p0 =	sne.s32 s6, $0x12C00;
	[sflag:s0] =	ssyncset.done $0x0  }
0x8f: {  	s8 =	sadd.s32 $0x400, s7;
	[sflag:s0] =	ssyncadd.s32 $0xFFFFE0C0  }
0x90: {  	[tilespmem:s24], [sflag:$0x4] =	stream.indirect.gather [hbm4b:s4+s17], $0x40, s8, s17, $0xb8;
	[tilespmem:$0x1FC40] =	vst v63  }
0x91: {  	_ =	swait.ge [sflag:s25], $0x1F40  }
0x92: {  	[sflag:s25] =	ssyncset.done $0x0  }
0x93: {  	s8 =	sadd.s32 $0x5280, s7;
	[sflag:s25] =	ssyncadd.s32 $0xFFFFE0C0  }
0x94: {  	[spmem:s2] =	stream.indirect.scatter.add.f32 [tilespmem:s18], [sflag:$0x6], $0x40, s8, s17, $0xb8;
	[tilespmem:$0x1FC40] =	vst v63  }
0x95: {  	_ =	swait.ge [sflag:s30], $0x1F40  }
0x96: {  	[sflag:s30] =	ssyncset.done $0x0  }
0x97: {  	s8 =	sadd.s32 $0x480, s7;
	[sflag:s30] =	ssyncadd.s32 $0xFFFFE0C0  }
0x98: {  	[tilespmem:s28], [sflag:$0x5] =	stream.indirect.gather [hbm4b:s4+s17], $0x40, s8, s17, $0xb8;
	[tilespmem:$0x1FC40] =	vst v63  }
0x99: {  	_ =	swait.ge [sflag:s29], $0x1F40  }
0x9a: {  	[sflag:s29] =	ssyncset.done $0x0  }
0x9b: {  	s8 =	sadd.s32 $0x5300, s7;
	[sflag:s29] =	ssyncadd.s32 $0xFFFFE0C0  }
0x9c: {  	[spmem:s2] =	stream.indirect.scatter.add.f32 [tilespmem:s20], [sflag:$0x7], $0x40, s8, s17, $0xb8;
	[tilespmem:$0x1FC40] =	vst v63  }
0x9d: {  	_ =	swait.ge [sflag:s31], $0x1F40  }
0x9e: {  	[sflag:s31] =	ssyncset.done $0x0  }
0x9f: {  	s8 =	sadd.s32 $0x500, s7;
	[sflag:s31] =	ssyncadd.s32 $0xFFFFE0C0  }
0xa0: {  	[tilespmem:s18], [sflag:$0x1] =	stream.indirect.gather [hbm4b:s4+s17], $0x40, s8, s17, $0xb8;
	[tilespmem:$0x1FC40] =	vst v63  }
0xa1: {  	_ =	swait.ge [sflag:s19], $0x1F40  }
0xa2: {  	[sflag:s19] =	ssyncset.done $0x0  }
0xa3: {  	s8 =	sadd.s32 $0x5380, s7;
	[sflag:s19] =	ssyncadd.s32 $0xFFFFE0C0  }
0xa4: {  	[spmem:s2] =	stream.indirect.scatter.add.f32 [tilespmem:s22], [sflag:$0x8], $0x40, s8, s17, $0xb8;
	[tilespmem:$0x1FC40] =	vst v63  }
0xa5: {  	_ =	swait.ge [sflag:s21], $0x1F40  }
0xa6: {  	[sflag:s21] =	ssyncset.done $0x0  }
0xa7: {  	s8 =	sadd.s32 $0x580, s7;
	[sflag:s21] =	ssyncadd.s32 $0xFFFFE0C0  }
0xa8: {  	[tilespmem:s20], [sflag:$0x2] =	stream.indirect.gather [hbm4b:s4+s17], $0x40, s8, s17, $0xb8;
	[tilespmem:$0x1FC40] =	vst v63  }
0xa9: {  	_ =	swait.ge [sflag:s26], $0x1F40  }
0xaa: {  	[sflag:s26] =	ssyncset.done $0x0  }
0xab: {  	s8 =	sadd.s32 $0x5400, s7;
	[sflag:s26] =	ssyncadd.s32 $0xFFFFE0C0  }
0xac: {  	[spmem:s2] =	stream.indirect.scatter.add.f32 [tilespmem:s24], [sflag:$0x9], $0x40, s8, s17, $0xb8;
	[tilespmem:$0x1FC40] =	vst v63  }
0xad: {  	_ =	swait.ge [sflag:s1], $0x1F40  }
0xae: {  	[sflag:s1] =	ssyncset.done $0x0  }
.Ltmp1:
0xaf: {  	s8 =	sadd.s32 $0x600, s7;
	[sflag:s1] =	ssyncadd.s32 $0xFFFFE0C0;
	(pc) =	sbr.rel @p0 .LBB2_4-.Ltmp1, $4  }
0xb0: {  	[tilespmem:s22], [sflag:$0x3] =	stream.indirect.gather [hbm4b:s4+s17], $0x40, s8, s17, $0xb8;
	[tilespmem:$0x1FC40] =	vst v63  }
0xb1: {  	_ =	swait.ge [sflag:s23], $0x1F40  }
0xb2: {  	[sflag:s23] =	ssyncset.done $0x0  }
0xb3: {  	s7 =	sadd.s32 $0x5480, s7;
	[sflag:s23] =	ssyncadd.s32 $0xFFFFE0C0  }
0xb4: {  	[spmem:s2] =	stream.indirect.scatter.add.f32 [tilespmem:s28], [sflag:$0xA], $0x40, s7, s17, $0xb8;
	[tilespmem:$0x1FC40] =	vst v63  }
0xb5: {  	_ =	swait.ge [sflag:s0], $0x1F40  }
0xb6: {  	s6 =	sshra.s32 s6, $0x2;
	[sflag:s0] =	ssyncset.done $0x0  }
0xb7: {  	s8 =	sadd.s32 $0x400, s6;
	[sflag:s0] =	ssyncadd.s32 $0xFFFFE0C0  }
0xb8: {  	[tilespmem:s24], [sflag:$0x4] =	stream.indirect.gather [hbm4b:s4+s17], $0x40, s8, s17, $0xb8;
	[tilespmem:$0x1FC40] =	vst v63  }
0xb9: {  	_ =	swait.ge [sflag:s25], $0x1F40  }
0xba: {  	[sflag:s25] =	ssyncset.done $0x0  }
0xbb: {  	s8 =	sadd.s32 $0x5280, s6;
	[sflag:s25] =	ssyncadd.s32 $0xFFFFE0C0  }
0xbc: {  	[spmem:s2] =	stream.indirect.scatter.add.f32 [tilespmem:s18], [sflag:$0x6], $0x40, s8, s17, $0xb8;
	[tilespmem:$0x1FC40] =	vst v63  }
0xbd: {  	_ =	swait.ge [sflag:s30], $0x1F40  }
0xbe: {  	[sflag:s30] =	ssyncset.done $0x0  }
0xbf: {  	s8 =	simm.s32 $0x4F80;
	[sflag:s30] =	ssyncadd.s32 $0xFFFFE0C0  }
0xc0: {  	[tilespmem:s28], [sflag:$0x5] =	stream.indirect.gather [hbm4b:s4+s17], $0x40, s8, s17, $0xb8;
	[tilespmem:$0x1FC40] =	vst v63  }
0xc1: {  	_ =	swait.ge [sflag:s29], $0x1F40  }
0xc2: {  	[sflag:s29] =	ssyncset.done $0x0  }
0xc3: {  	s8 =	sadd.s32 $0x5300, s6;
	[sflag:s29] =	ssyncadd.s32 $0xFFFFE0C0  }
0xc4: {  	[spmem:s2] =	stream.indirect.scatter.add.f32 [tilespmem:s20], [sflag:$0x7], $0x40, s8, s17, $0xb8;
	[tilespmem:$0x1FC40] =	vst v63  }
0xc5: {  	_ =	swait.ge [sflag:s31], $0x1F40  }
0xc6: {  	[sflag:s31] =	ssyncset.done $0x0  }
0xc7: {  	[sflag:s31] =	ssyncadd.s32 $0xFFFFE0C0  }
0xc8: {  	_ =	swait.ge [sflag:s19], $0x1F40  }
0xc9: {  	[sflag:s19] =	ssyncset.done $0x0  }
0xca: {  	s8 =	sadd.s32 $0x5380, s6;
	[sflag:s19] =	ssyncadd.s32 $0xFFFFE0C0  }
0xcb: {  	[spmem:s2] =	stream.indirect.scatter.add.f32 [tilespmem:s22], [sflag:$0x8], $0x40, s8, s17, $0xb8;
	[tilespmem:$0x1FC40] =	vst v63  }
0xcc: {  	_ =	swait.ge [sflag:s21], $0x1F40  }
0xcd: {  	[sflag:s21] =	ssyncset.done $0x0  }
0xce: {  	[sflag:s21] =	ssyncadd.s32 $0xFFFFE0C0  }
0xcf: {  	_ =	swait.ge [sflag:s26], $0x1F40  }
0xd0: {  	[sflag:s26] =	ssyncset.done $0x0  }
0xd1: {  	s6 =	sadd.s32 $0x5400, s6;
	[sflag:s26] =	ssyncadd.s32 $0xFFFFE0C0  }
0xd2: {  	[spmem:s2] =	stream.indirect.scatter.add.f32 [tilespmem:s24], [sflag:$0x9], $0x40, s6, s17, $0xb8;
	[tilespmem:$0x1FC40] =	vst v63  }
0xd3: {  	_ =	swait.ge [sflag:s1], $0x1F40  }
0xd4: {  	[sflag:s1] =	ssyncset.done $0x0  }
0xd5: {  	[sflag:s1] =	ssyncadd.s32 $0xFFFFE0C0  }
0xd6: {  	_ =	swait.ge [sflag:s23], $0x1F40  }
0xd7: {  	[sflag:s23] =	ssyncset.done $0x0  }
0xd8: {  	s7 =	simm.s32 $0x9F80;
	[sflag:s23] =	ssyncadd.s32 $0xFFFFE0C0  }
0xd9: {  	[spmem:s2] =	stream.indirect.scatter.add.f32 [tilespmem:s28], [sflag:$0xA], $0x40, s7, s17, $0xb8;
	[tilespmem:$0x1FC40] =	vst v63  }
0xda: {  	_ =	swait.ge [sflag:s0], $0x1F40  }
0xdb: {  	[sflag:s0] =	ssyncset.done $0x0  }
0xdc: {  	[sflag:s0] =	ssyncadd.s32 $0xFFFFE0C0  }
0xdd: {  	s3 =	sadd.s32 $0x1, s3;
	s8 =	stileid.u32;
	_ =	swait.ge [sflag:s30], $0x1F40  }
0xde: {  	p0 =	sne.s32 s3, s13;
	s6 =	sshll.u32 s8, $0x6;
	[sflag:s30] =	ssyncset.done $0x0  }
0xdf: {  	s8 =	simm.s32 $0x10;
	s6 =	sor.u32 $0x1C0B, s6;
	[sflag:s30] =	ssyncadd.s32 $0xFFFFE0C0  }
.Ltmp2:
0xe0: {  	s7 =	sshrl.u32 s5, $0x3;
	[bflag:$0x0] =	sbarrier.arrive $0xFFFF;
	(pc) =	sbr.rel @p0 .LBB2_1-.Ltmp2, $4  }
0xe1: {  	[hbm:s12@s8], [sflag:s6] =	dma.strided [spmem:s7@s1], $0x1400, s25, $0x8   }
0xe2: {  	_ =	swait.ge [sflag:s15], $0x1400  }
0xe3: {  	[sflag:s15] =	ssyncset.done $0x0  }
0xe4: {  	[sflag:s15] =	ssyncadd.s32 $0xFFFFEC00  }
0xe5: {  	_ =	sfence.sel $0x180000  }
0xe6: {  	[bflag:$0x0] =	sbarrier.arrive $0xFFFF  }
0xe7: {  	_ =	strace $0x9000004D  }
0xe8: {  	s0 =	stileid.u32;
	[bflag:$0x2] =	sbarrier.arrive $0xFFFF  }
0xe9: {  	p0 =	sne.s32 s0, $0x0;
	s0 =	rddreg [dreg:$0x2]  }
0xea: {  	s0 =	sadd.s32 @!p0 $0x100000, s0  }
0xeb: {  	[sflag:s0] =	ssyncadd.tile.s32 @!p0 $0x1;
	_ =	shalt  }
.Lfunc_end2:
_tile_overlayer_lowered:
.L_overlay_start_2:
0xec: {  	(tag) =	ssettag $0x2  }
0xed: {  	s0 =	rddreg [dreg:$0x0];
	s2 =	stileid.u32  }
0xee: {  	s1 =	rddreg [dreg:$0x1];
	p0 =	sne.s32 s2, $0x0  }
0xef: {  	s3 =	rddreg [dreg:$0x2];
	[bflag:$0x3] =	sbarrier.arrive $0xFFFF;
	s2 =	simm.s32 @!p0 $0x1C0B  }
0xf0: {  	[timem:s3], [sflag:s2] =	dma.local @!p0 [hbm:s0], s1  }
0xf1: {  	s0 =	simm.s32 @!p0 $0xB  }
0xf2: {  	_ =	swait.ge @!p0 [sflag:s0], s1  }
0xf3: {  	s1 =	ssub.s32 @!p0 $0x0, s1;
	[sflag:s0] =	ssyncset.done @!p0 $0x0  }
0xf4: {  	[sflag:s0] =	ssyncadd.s32 @!p0 s1  }
0xf5: {  	[bflag:$0x3] =	sbarrier.arrive $0xFFFF  }
0xf6: {  	_ =	shalt  }

// kernel: kernel.8.cloned.1.call-start
scs
__scs_entry_jumppad:
0x0: {  	(pc) =	sbr.rel $0x88, $3  }
0x1: {  	(tag) =	ssettag $0x0;
	lr =	simm.s32 $0x1  }
0x2: {  	[smem:$0x3F99] =	sst lr;
	_ =	strace $0xD0000000  }
0x3: {  	_ = 	snop  }
0x4: {  	_ = 	snop  }
0x5: {  	_ = 	snop  }
0x6: {  	_ = 	snop  }
0x7: {  	_ = 	snop  }
__scs_overlays_trampoline_lowered:
0x8: {  	[smem:$0x3FA8] =	sst s0  }
0x9: {  	[smem:$0x3FA9] =	sst s1  }
0xa: {  	[smem:$0x3FAA] =	sst s2  }
0xb: {  	[smem:$0x3FAB] =	sst s3  }
0xc: {  	[smem:$0x3FAC] =	sst s4  }
0xd: {  	[smem:$0x3FAD] =	sst s5  }
0xe: {  	[smem:$0x3FAE] =	sst s6  }
0xf: {  	[smem:$0x3FAF] =	sst s7  }
0x10: {  	[smem:$0x3FB0] =	sst s8  }
0x11: {  	[smem:$0x3FB1] =	sst s9;
	s0 =	simm.s32 @!p0 $0x0  }
0x12: {  	s1 =	sld [smem:$0x3F97];
	s0 =	simm.s32 @p0 $0x1  }
0x13: {  	[smem:$0x3FB2] =	sst s0;
	s0 =	simm.s32 @!p1 $0x0  }
0x14: {  	s2 =	sld [smem:$0x3F96];
	s0 =	simm.s32 @p1 $0x1  }
0x15: {  	[smem:$0x3FB3] =	sst s0;
	s0 =	simm.s32 @!p2 $0x0  }
0x16: {  	s3 =	sld [smem:$0x3FDB];
	s0 =	simm.s32 @p2 $0x1  }
0x17: {  	s4 =	simm.s32 $0x1BF5;
	[smem:$0x3FB5] =	sst s0  }
0x18: {  	s0 =	sld [smem:$0x3F98];
	_ =	swait.ge [sflag:s4], $0x0  }
0x19: {  	s7 =	sld [smem:$0x3F99]  }
0x1a: {  	s8 =	sadd.s32 $0xFFFFE003, lr  }
0x1b: {  	s9 =	sadd.s32 $0xFFFFFEF7, lr;
	s5 =	simm.s32 $0xFFFFFFFF;
	p2 =	slt.u32 s8, $0xFFFFF086  }
0x1c: {  	p1 =	slt.u32 s9, $0xF7A;
	s5 =	simm.s32 @!p2 $0x0  }
0x1d: {  	s5 =	simm.s32 @p1 $0x1;
	p0 =	seq.s32 s7, s2  }
0x1e: {  	s7 =	smul.u32 @!p0 $0xF7A, s2;
	p2 =	seq.s32 @!p0 s5, $0x0  }
0x1f: {  	s9 =	smul.u32 $0xF7A, s1;
	s8 =	simm.s32 @!p0 $0x1BF5;
	p2 =	por !p2, p0  }
0x20: {  	[sflag:s8] =	ssyncset.s32 @!p0 $0xFFFFF086;
	s6 =	sadd.s32 @!p0 s3, s7;
	s7 =	simm.s32 @!p0 $0x108  }
0x21: {  	s3 =	sadd.s32 s3, s9;
	s6 =	sadd.s32 @!p0 $0x88, s6;
	s7 =	simm.s32 @p2 $0x1082  }
0x22: {  	[simem:s7], [sflag:s8] =	dma.local @!p0 [hbm:s6], $0xF7A  }
0x23: {  	s9 =	sor.u32 $0xD0000000, s2;
	s6 =	simm.s32 $0x108;
	_ =	swait.ge @!p0 [sflag:s8], $0x0  }
0x24: {  	s3 =	sadd.s32 $0x88, s3;
	s6 =	simm.s32 @!p1 $0x1082;
	[sflag:s4] =	ssyncset.s32 $0xFFFFF086  }
0x25: {  	[simem:s6], [sflag:s4] =	dma.local [hbm:s3], $0xF7A  }
0x26: {  	[smem:$0x3F99] =	sst s1;
	(tag) =	ssettag s2;
	_ =	strace s9  }
0x27: {  	s1 =	sld [smem:$0x3FA9]  }
0x28: {  	s2 =	sld [smem:$0x3FAA]  }
0x29: {  	s4 =	sld [smem:$0x3FAC]  }
0x2a: {  	p0 =	seq.s32 s5, $0x0;
	s5 =	sld [smem:$0x3FAD]  }
0x2b: {  	s6 =	sld [smem:$0x3FAE]  }
0x2c: {  	s7 =	sld [smem:$0x3FAF]  }
0x2d: {  	s3 =	simm.s32 $0x108;
	s8 =	sld [smem:$0x3FB0]  }
0x2e: {  	s3 =	simm.s32 @!p0 $0x1082;
	s9 =	sld [smem:$0x3FB1]  }
0x2f: {  	lr =	sadd.s32 s0, s3;
	s0 =	sld [smem:$0x3FA8]  }
0x30: {  	s3 =	sld [smem:$0x3FAB]  }
0x31: {  	[smem:$0x3FB4] =	sst s10  }
0x32: {  	s10 =	sld [smem:$0x3FB2];
	_ =	sdelay $0x3  }
0x33: {  	p0 =	seq.s32 s10, $0x1;
	s10 =	sld [smem:$0x3FB4];
	_ =	sdelay $0x3  }
0x34: {  	[smem:$0x3FB4] =	sst s10  }
0x35: {  	s10 =	sld [smem:$0x3FB3];
	_ =	sdelay $0x3  }
0x36: {  	p1 =	seq.s32 s10, $0x1;
	s10 =	sld [smem:$0x3FB4];
	_ =	sdelay $0x3  }
0x37: {  	[smem:$0x3FB4] =	sst s10  }
0x38: {  	s10 =	sld [smem:$0x3FB5]  }
0x39: {  	_ = 	snop;
	(pc) =	sbr.ind lr, $3  }
0x3a: {  	_ = 	snop  }
0x3b: {  	_ = 	snop  }
0x3c: {  	p2 =	seq.s32 s10, $0x1;
	s10 =	sld [smem:$0x3FB4]  }
0x3d: {  	_ =	shalt  }
0x3e: {  	_ =	shalt  }
0x3f: {  	_ =	shalt  }
0x40: {  	_ =	shalt  }
0x41: {  	_ =	shalt  }
0x42: {  	_ =	shalt  }
0x43: {  	_ =	shalt  }
0x44: {  	_ =	shalt  }
0x45: {  	_ =	shalt  }
0x46: {  	_ =	shalt  }
0x47: {  	_ =	shalt  }
0x48: {  	_ =	shalt  }
0x49: {  	_ =	shalt  }
0x4a: {  	_ =	shalt  }
0x4b: {  	_ =	shalt  }
0x4c: {  	_ =	shalt  }
0x4d: {  	_ =	shalt  }
0x4e: {  	_ =	shalt  }
0x4f: {  	_ =	shalt  }
0x50: {  	_ =	shalt  }
0x51: {  	_ =	shalt  }
0x52: {  	_ =	shalt  }
0x53: {  	_ =	shalt  }
0x54: {  	_ =	shalt  }
0x55: {  	_ =	shalt  }
0x56: {  	_ =	shalt  }
0x57: {  	_ =	shalt  }
0x58: {  	_ =	shalt  }
0x59: {  	_ =	shalt  }
0x5a: {  	_ =	shalt  }
0x5b: {  	_ =	shalt  }
0x5c: {  	_ =	shalt  }
0x5d: {  	_ =	shalt  }
0x5e: {  	_ =	shalt  }
0x5f: {  	_ =	shalt  }
0x60: {  	_ =	shalt  }
0x61: {  	_ =	shalt  }
0x62: {  	_ =	shalt  }
0x63: {  	_ =	shalt  }
0x64: {  	_ =	shalt  }
0x65: {  	_ =	shalt  }
0x66: {  	_ =	shalt  }
0x67: {  	_ =	shalt  }
0x68: {  	_ =	shalt  }
0x69: {  	_ =	shalt  }
0x6a: {  	_ =	shalt  }
0x6b: {  	_ =	shalt  }
0x6c: {  	_ =	shalt  }
0x6d: {  	_ =	shalt  }
0x6e: {  	_ =	shalt  }
0x6f: {  	_ =	shalt  }
0x70: {  	_ =	shalt  }
0x71: {  	_ =	shalt  }
0x72: {  	_ =	shalt  }
0x73: {  	_ =	shalt  }
0x74: {  	_ =	shalt  }
0x75: {  	_ =	shalt  }
0x76: {  	_ =	shalt  }
0x77: {  	_ =	shalt  }
0x78: {  	_ =	shalt  }
0x79: {  	_ =	shalt  }
0x7a: {  	_ =	shalt  }
0x7b: {  	_ =	shalt  }
0x7c: {  	_ =	shalt  }
0x7d: {  	_ =	shalt  }
0x7e: {  	_ =	shalt  }
0x7f: {  	_ =	shalt  }
0x80: {  	_ =	shalt  }
0x81: {  	_ =	shalt  }
0x82: {  	_ =	shalt  }
0x83: {  	_ =	shalt  }
0x84: {  	_ =	shalt  }
0x85: {  	_ =	shalt  }
0x86: {  	_ =	shalt  }
0x87: {  	_ =	shalt  }
.Lfunc_end0:
.L_simem_size_0:
called_computation_lowered:
.L_overlay_start_0:
0x88: {  	s2 =	sld [smem:$0x3FD9]  }
0x89: {  	s3 =	sld [smem:$0x3FFE];
	_ =	sdelay $0x1  }
0x8a: {  	s1 =	srdreg.scid  }
0x8b: {  	s0 =	sand.u32 $0x1, s1  }
0x8c: {  	s16 =	sshll.u32 s0, $0xA;
	s2 =	sadd.s32 s3, s2  }
0x8d: {  	s2 =	sadd.s32 s2, s16  }
0x8e: {  	[smem:$0x3FC0] =	sst s2  }
0x8f: {  	_ = 	snop  }
0x90: {  	(tm) =	ssettm $0x1  }
0x91: {  	s17 =	sld [smem:$0x3FFB];
	_ =	sdelay $0x3  }
0x92: {  	_ =	strace s17  }
0x93: {  	s2 =	sld [smem:$0x3FFC];
	_ =	sdelay $0x3  }
0x94: {  	_ =	strace s2  }
0x95: {  	s2 =	sld [smem:$0x3FFD];
	_ =	sdelay $0x3  }
0x96: {  	_ =	strace s2  }
0x97: {  	_ =	strace $0x8FFFFFFF  }
0x98: {  	s18 =	sld [smem:$0x3FDB];
	_ =	sdelay $0x1  }
0x99: {  	s19 =	simm.s32 $_scs_section_size  }
0x9a: {  	s4 =	simm.s32 $_size__tile_overlayer_lowered;
	s5 =	simm.s32 $_tile_overlayer_lowered  }
0x9b: {  	s22 =	simm.s32 $0x1BFF;
	s21 =	sshll.u32 s5, $0x1;
	s2 =	sadd.s32 s19, s18  }
0x9c: {  	s6 =	simm.s32 $0x0;
	s20 =	sshll.u32 s4, $0x1;
	s4 =	sadd.s32 s21, s2  }
0x9d: {  	[timem:s6], [sflag:s22] =	dma.local [hbm:s4], s20  }
0x9e: {  	_ =	swait.ge [sflag:s22], s20  }
0x9f: {  	s3 =	ssub.s32 $0x0, s20;
	[sflag:s22] =	ssyncset.done $0x0  }
0xa0: {  	[sflag:s22] =	ssyncadd.s32 s3;
	_ =	sdelay $0x1  }
0xa1: {  	s23 =	simm.s32 $0x1B8B  }
0xa2: {  	_ =	swait.ge [sflag:s23], $0x1  }
0xa3: {  	[sflag:s23] =	ssyncset.done $0x0  }
0xa4: {  	s25 =	simm.s32 $0x1B8E;
	s24 =	sld [smem:$0x3FFE];
	[sflag:s23] =	ssyncadd.s32 $0xFFFFFFFF  }
0xa5: {  	s26 =	simm.s32 $execute0_lowered;
	[smem:$0x3FD2] =	sst s25  }
0xa6: {  	s4 =	sshll.u32 s26, $0x1;
	_ =	strace $0x80000046;
	[dreg:$0x1] =	wrdreg $0xFFFFFFFF  }
0xa7: {  	s28 =	simm.s32 $_size_execute0_lowered;
	s2 =	sadd.s32 s2, s4;
	[dreg:$0x0] =	wrdreg $0x0  }
0xa8: {  	s4 =	sshll.u32 s28, $0x1;
	[dreg:$0x2] =	wrdreg s2  }
0xa9: {  	[dreg:$0x3] =	wrdreg s4  }
0xaa: {  	[dreg:$0x4] =	wrdreg $0xC0  }
0xab: {  	_ =	task [dreg:s6], $0x5FFFF  }
0xac: {  	[dreg:$0x1] =	wrdreg $0xFFFFFFFF  }
0xad: {  	[dreg:$0x0] =	wrdreg $0x60  }
0xae: {  	[dreg:$0x2] =	wrdreg s24  }
0xaf: {  	[dreg:$0x3] =	wrdreg $0x2B000  }
0xb0: {  	[dreg:$0x4] =	wrdreg $0x9  }
0xb1: {  	_ =	task.clear_ibuf [dreg:s6], $0x5FFFF;
	_ =	strace $0x90000046  }
0xb2: {  	s29 =	simm.s32 $0x9;
	_ =	strace $0x80000048  }
0xb3: {  	_ =	swait.ge [sflag:s29], $0x1  }
0xb4: {  	[sflag:s29] =	ssyncadd.s32 $0xFFFFFFFF  }
0xb5: {  	_ =	strace $0x90000048  }
0xb6: {  	_ =	sfence  }
0xb7: {  	s30 =	sld [smem:$0x0];
	_ =	sdelay $0x2  }
0xb8: {  	s31 =	sshll.u32 s1, $0xD;
	s1 =	sshrl.u32 s1, $0x2  }
0xb9: {  	s3 =	sand.u32 $0x4000, s31;
	s1 =	sadd.s32 s1, s30  }
0xba: {  	s0 =	sor.u32 s3, s0;
	s1 =	sshll.u32 s1, $0x11  }
0xbb: {  	s0 =	sor.u32 s1, s0  }
0xbc: {  	s0 =	sadd.s32 $0x8F2B, s0  }
0xbd: {  	[sflag:s0] =	ssyncadd.remote.s32 $0x1  }
0xbe: {  	_ =	sfence.sel $0xFFFF  }
0xbf: {  	[dreg:$0x0] =	wrdreg $0xFFFFFFFF;
	(pc) =	sbr.abs _section_cstart, $3  }
0xc0: {  	[dreg:$0x1] =	wrdreg $0xFFFFFFFF  }
0xc1: {  	_ =	task.clear_ibuf [dreg:s6], $0x2FFFF;
	_ =	strace $0x9FFFFFFF  }
0xc2: {  	(tm) =	ssettm $0x7FFFFFFF  }
0xc3: {  	_ =	shalt  }
tec
execute0_lowered:
.L_overlay_start_1:
0x0: {  	(tag) =	ssettag $0x1  }
0x1: {  	s1 =	srdreg.scid  }
0x2: {  	s0 =	stileid.u32;
	s4 =	rddreg [dreg:$0x0]  }
0x3: {  	s2 =	rddreg [dreg:$0x1];
	s3 =	simm.s32 $0x0;
	s10 =	simm.s32 $0x7D  }
0x4: {  	s11 =	simm.s32 $0x2800;
	s12 =	simm.s32 $0x1;
	s13 =	simm.s32 $0x2  }
0x5: {  	s14 =	simm.s32 $0x3;
	s15 =	simm.s32 $0x4;
	s16 =	simm.s32 $0x5  }
0x6: {  	s17 =	simm.s32 $0x6;
	s18 =	simm.s32 $0x7;
	s19 =	simm.s32 $0x8  }
0x7: {  	s20 =	simm.s32 $0x80;
	s21 =	simm.s32 $0x100;
	s22 =	simm.s32 $0x0  }
0x8: {  	s5 =	sand.u32 $0x1, s1;
	s1 =	rddreg [dreg:$0x2];
	s7 =	smul.u32 $0x500, s0  }
0x9: {  	s30 =	sshll.u32 s0, $0x1;
	[smem:$0x7FF] =	sst s3;
	s9 =	smul.u32 $0xA00, s0  }
0xa: {  	s6 =	sor.u32 s5, s30;
	_ =	strace $0x80000047;
	s8 =	sshll.u32 s5, $0x7  }
0xb: {  	s5 =	ssub.s32 $0x2, s5;
	s6 =	smul.u32 $0x500, s6;
	s7 =	sor.u32 s8, s7  }
0xc: {  	s31 =	sshrl.u32 s5, $0x1;
	s9 =	sshrl.u32 s9, $0x2;
	s7 =	sshrl.u32 s7, $0x3  }
0xd: {  	s8 =	ssub.s32 s5, s31;
	s6 =	sadd.s32 s6, s4;
	s7 =	sadd.s32 s7, s4  }
0xe: {  	s4 =	sadd.s32 s9, s2;
	s9 =	simm.s32 $0x9;
	s5 =	sadd.s32 $0x3600, s6  }
0xf: {  	v0 =	vimm.f32 $1.000000000e+00;
	v1 =	vimm.f32 $0.0e+00;
	s6 =	sadd.s32 $0xD600, s7;
	s7 =	smax.u32 s8, $0x1;
	s8 =	simm.s32 $0x2880  }
.LBB2_1:
0x10: {  	[tilespmem:$0x2800] =	vst v0  }
0x11: {  	[tilespmem:$0x2810] =	vst v0  }
0x12: {  	[tilespmem:$0x2820] =	vst v0  }
0x13: {  	[tilespmem:$0x2830] =	vst v0  }
0x14: {  	[tilespmem:$0x2840] =	vst v0  }
0x15: {  	[tilespmem:$0x2850] =	vst v0  }
0x16: {  	[tilespmem:$0x2860] =	vst v0  }
0x17: {  	[tilespmem:$0x2870] =	vst v0  }
0x18: {  	[tilespmem:$0x2880] =	vst v1  }
0x19: {  	[tilespmem:$0x2890] =	vst v1  }
0x1a: {  	[tilespmem:$0x28A0] =	vst v1  }
0x1b: {  	[tilespmem:$0x28B0] =	vst v1  }
0x1c: {  	[tilespmem:$0x28C0] =	vst v1  }
0x1d: {  	[tilespmem:$0x28D0] =	vst v1  }
0x1e: {  	[tilespmem:$0x28E0] =	vst v1  }
0x1f: {  	[tilespmem:$0x28F0] =	vst v1  }
0x20: {  	[tilespmem:$0x2900] =	vst v1  }
0x21: {  	[tilespmem:$0x2910] =	vst v1  }
0x22: {  	[tilespmem:$0x2920] =	vst v1  }
0x23: {  	[tilespmem:$0x2930] =	vst v1  }
0x24: {  	[tilespmem:$0x2940] =	vst v1  }
0x25: {  	[tilespmem:$0x2950] =	vst v1  }
0x26: {  	[tilespmem:$0x2960] =	vst v1  }
0x27: {  	[tilespmem:$0x2970] =	vst v1  }
0x28: {  	[tilespmem:$0x2980] =	vst v1  }
0x29: {  	[tilespmem:$0x2990] =	vst v1  }
0x2a: {  	[tilespmem:$0x29A0] =	vst v1  }
0x2b: {  	[tilespmem:$0x29B0] =	vst v1  }
0x2c: {  	[tilespmem:$0x29C0] =	vst v1  }
0x2d: {  	[tilespmem:$0x29D0] =	vst v1  }
0x2e: {  	[tilespmem:$0x29E0] =	vst v1  }
0x2f: {  	[tilespmem:$0x29F0] =	vst v1  }
0x30: {  	[tilespmem:$0x2A00] =	vst v1  }
0x31: {  	[tilespmem:$0x2A10] =	vst v1  }
0x32: {  	[tilespmem:$0x2A20] =	vst v1  }
0x33: {  	[tilespmem:$0x2A30] =	vst v1  }
0x34: {  	[tilespmem:$0x2A40] =	vst v1  }
0x35: {  	[tilespmem:$0x2A50] =	vst v1  }
0x36: {  	[tilespmem:$0x2A60] =	vst v1  }
0x37: {  	[tilespmem:$0x2A70] =	vst v1  }
0x38: {  	[tilespmem:$0x2A80] =	vst v1  }
0x39: {  	[tilespmem:$0x2A90] =	vst v1  }
0x3a: {  	[tilespmem:$0x2AA0] =	vst v1  }
0x3b: {  	[tilespmem:$0x2AB0] =	vst v1  }
0x3c: {  	[tilespmem:$0x2AC0] =	vst v1  }
0x3d: {  	[tilespmem:$0x2AD0] =	vst v1  }
0x3e: {  	[tilespmem:$0x2AE0] =	vst v1  }
0x3f: {  	[tilespmem:$0x2AF0] =	vst v1  }
0x40: {  	[spmem:s4] =	stream.linear.scatter [tilespmem:s8], [sflag:$0x9], $0x280, $0x38;
	[tilespmem:$0x2D80] =	vst v63  }
0x41: {  	_ =	swait.ge [sflag:s9], $0x280  }
0x42: {  	[sflag:s9] =	ssyncset.done $0x0  }
0x43: {  	[sflag:s9] =	ssyncadd.s32 $0xFFFFFD80  }
0x44: {  	[tilespmem:s3], [sflag:$0x9] =	stream.linear.gather [hbm4b:s5+s3], $0x2800, $0x38;
	[tilespmem:$0x2D80] =	vst v63  }
0x45: {  	p0 =	por $0x1, $0x1;
	_ =	swait.ge [sflag:s9], $0x2800  }
0x46: {  	p1 =	por p0, p0;
	[sflag:s9] =	ssyncset.done $0x0  }
0x47: {  	s23 =	sand.u32 @!p1 $0x7, s3;
	[sflag:s9] =	ssyncadd.s32 $0xFFFFD800  }
0x48: {  	s24 =	simm.s32 $0x1;
	s26 =	sadd.s32 @!p1 $0x1, s23;
	[bflag:$0x0] =	sbarrier.arrive $0xFFFF  }
0x49: {  	s25 =	simm.s32 $0x2;
	s23 =	smov.u32 @p1 s3;
	_ =	swait.ge @!p1 [sflag:s26], $0x7D  }
0x4a: {  	p0 =	por $0x1, $0x1;
	s28 =	sadd.s32 $0x1, s23;
	[sflag:s26] =	ssyncset.done @!p1 $0x0  }
0x4b: {  	s23 =	simm.s32 $0x80;
	[sflag:s26] =	ssyncadd.s32 @!p1 $0xFFFFFF83;
	s26 =	simm.s32 $0x0  }
.LBB2_2:
0x4c: {  	[spmem:s2] =	stream.indirect.scatter.add.f32 [tilespmem:s11], [sflag:s28], $0x1, s26, s10, $0xb8;
	[tilespmem:$0x2D80] =	vst v63  }
0x4d: {  	s28 =	smov.u32 s25  }
0x4e: {  	p1 =	por p0, p0;
	p0 =	slt.u32 s25, $0x8;
	s25 =	sadd.s32 $0x1, s25  }
0x4f: {  	s26 =	smov.u32 s23;
	p2 =	sne.s32 s25, $0x50  }
.Ltmp0:
0x50: {  	s29 =	sand.u32 @!p1 $0x7, s24;
	(pc) =	sbr.rel @p2 .LBB2_2-.Ltmp0, $4  }
0x51: {  	s30 =	sadd.s32 @!p1 $0x1, s29;
	s29 =	smov.u32 @p1 s24  }
0x52: {  	s24 =	smov.u32 s28;
	_ =	swait.ge @!p1 [sflag:s30], $0x7D  }
0x53: {  	[sflag:s30] =	ssyncset.done @!p1 $0x0  }
0x54: {  	s23 =	sadd.s32 $0x80, s23;
	s28 =	sadd.s32 $0x1, s29;
	[sflag:s30] =	ssyncadd.s32 @!p1 $0xFFFFFF83  }
0x55: {  	[spmem:s2] =	stream.indirect.scatter.add.f32 [tilespmem:s11], [sflag:s28], $0x1, s26, s10, $0xb8;
	[tilespmem:$0x2D80] =	vst v63  }
0x56: {  	p0 =	por p0, p0  }
0x57: {  	s25 =	sand.u32 @!p0 $0x7, s24  }
0x58: {  	s26 =	sadd.s32 @!p0 $0x1, s25  }
0x59: {  	_ =	swait.ge @!p0 [sflag:s26], $0x7D  }
0x5a: {  	s25 =	smov.u32 @p0 s24;
	[sflag:s26] =	ssyncset.done @!p0 $0x0  }
0x5b: {  	s24 =	sadd.s32 $0x1, s25;
	[sflag:s26] =	ssyncadd.s32 @!p0 $0xFFFFFF83  }
0x5c: {  	[spmem:s2] =	stream.indirect.scatter.add.f32 [tilespmem:s11], [sflag:s24], $0x1, s23, s10, $0xb8;
	[tilespmem:$0x2D80] =	vst v63  }
0x5d: {  	_ =	swait.ge [sflag:s12], $0x7D  }
0x5e: {  	[sflag:s12] =	ssyncset.done $0x0  }
0x5f: {  	[sflag:s12] =	ssyncadd.s32 $0xFFFFFF83  }
0x60: {  	_ =	swait.ge [sflag:s13], $0x7D  }
0x61: {  	[sflag:s13] =	ssyncset.done $0x0  }
0x62: {  	[sflag:s13] =	ssyncadd.s32 $0xFFFFFF83  }
0x63: {  	_ =	swait.ge [sflag:s14], $0x7D  }
0x64: {  	[sflag:s14] =	ssyncset.done $0x0  }
0x65: {  	[sflag:s14] =	ssyncadd.s32 $0xFFFFFF83  }
0x66: {  	_ =	swait.ge [sflag:s15], $0x7D  }
0x67: {  	[sflag:s15] =	ssyncset.done $0x0  }
0x68: {  	[sflag:s15] =	ssyncadd.s32 $0xFFFFFF83  }
0x69: {  	_ =	swait.ge [sflag:s16], $0x7D  }
0x6a: {  	[sflag:s16] =	ssyncset.done $0x0  }
0x6b: {  	[sflag:s16] =	ssyncadd.s32 $0xFFFFFF83  }
0x6c: {  	_ =	swait.ge [sflag:s17], $0x7D  }
0x6d: {  	[sflag:s17] =	ssyncset.done $0x0  }
0x6e: {  	[sflag:s17] =	ssyncadd.s32 $0xFFFFFF83  }
0x6f: {  	_ =	swait.ge [sflag:s18], $0x7D  }
0x70: {  	[sflag:s18] =	ssyncset.done $0x0  }
0x71: {  	[sflag:s18] =	ssyncadd.s32 $0xFFFFFF83  }
0x72: {  	_ =	swait.ge [sflag:s19], $0x7D  }
0x73: {  	[sflag:s19] =	ssyncset.done $0x0  }
0x74: {  	[sflag:s19] =	ssyncadd.s32 $0xFFFFFF83  }
0x75: {  	[bflag:$0x0] =	sbarrier.arrive $0xFFFF  }
0x76: {  	[tilespmem:s8], [sflag:$0x9] =	stream.linear.gather [spmem:s4], $0x280, $0x38;
	[tilespmem:$0x2D80] =	vst v63  }
0x77: {  	s22 =	sadd.s32 $0x1, s22;
	_ =	swait.ge [sflag:s9], $0x280  }
0x78: {  	p0 =	sne.s32 s22, s7;
	[sflag:s9] =	ssyncset.done $0x0  }
.Ltmp1:
0x79: {  	[sflag:s9] =	ssyncadd.s32 $0xFFFFFD80;
	(pc) =	sbr.rel @p0 .LBB2_1-.Ltmp1, $4  }
0x7a: {  	[hbm4b:s6+s20] =	stream.strided.scatter [tilespmem:s8], [sflag:$0x9], $0x280, s21, s20, $0x38;
	[tilespmem:$0x2D80] =	vst v63  }
0x7b: {  	_ =	swait.ge [sflag:s9], $0x280  }
0x7c: {  	[sflag:s9] =	ssyncset.done $0x0  }
0x7d: {  	[sflag:s9] =	ssyncadd.s32 $0xFFFFFD80  }
0x7e: {  	_ =	sfence.sel $0x180000  }
0x7f: {  	[bflag:$0x0] =	sbarrier.arrive $0xFFFF  }
0x80: {  	p0 =	sne.s32 s0, $0x0;
	_ =	strace $0x90000047  }
0x81: {  	s0 =	sadd.s32 @!p0 $0x100000, s1;
	[bflag:$0x2] =	sbarrier.arrive $0xFFFF  }
0x82: {  	[sflag:s0] =	ssyncadd.tile.s32 @!p0 $0x1;
	_ =	shalt  }
.Lfunc_end2:
_tile_overlayer_lowered:
.L_overlay_start_2:
0x83: {  	(tag) =	ssettag $0x2  }
0x84: {  	s0 =	rddreg [dreg:$0x0];
	s2 =	stileid.u32  }
0x85: {  	s1 =	rddreg [dreg:$0x1];
	p0 =	sne.s32 s2, $0x0  }
0x86: {  	s3 =	rddreg [dreg:$0x2];
	[bflag:$0x3] =	sbarrier.arrive $0xFFFF;
	s2 =	simm.s32 @!p0 $0x1C09  }
0x87: {  	[timem:s3], [sflag:s2] =	dma.local @!p0 [hbm:s0], s1  }
0x88: {  	s0 =	simm.s32 @!p0 $0x9  }
0x89: {  	_ =	swait.ge @!p0 [sflag:s0], s1  }
0x8a: {  	s1 =	ssub.s32 @!p0 $0x0, s1;
	[sflag:s0] =	ssyncset.done @!p0 $0x0  }
0x8b: {  	[sflag:s0] =	ssyncadd.s32 @!p0 s1  }
0x8c: {  	[bflag:$0x3] =	sbarrier.arrive $0xFFFF  }
0x8d: {  	_ =	shalt  }

</sc_bundles>
